<compile_context>
chip_gen: v7x
topology: tpu7x:2x2x1
jax: 0.10.2.dev20260603
libtpu: 0.0.44.dev20260713+nightly
codegen_flags: <defaults>
</compile_context>

<pallas_src>
import functools

import jax
import jax.numpy as jnp
from jax import lax
from jax.experimental import pallas as pl
from jax.experimental.pallas import tpu as pltpu
from jax.experimental.pallas import tpu_sc as plsc

BATCH = 16
TOTAL_TOKENS = 32768
D_IN = 512
D_OUT = 64

NC = 2
NS = 16
NW = NC * NS
NSPLIT = 2
T_SPLIT = TOTAL_TOKENS // NSPLIT
ROWS_PER_W = T_SPLIT // NW

MM_BLK = 4096


def _tc_matmul(flat_ref, w_ref, y_ref):
    y_ref[...] = lax.dot_general(
        w_ref[...], flat_ref[...], (((1,), (1,)), ((), ())),
        preferred_element_type=jnp.float32,
    )


_sc_mesh = plsc.VectorSubcoreMesh(
    core_axis_name="c", subcore_axis_name="s", num_cores=NC, num_subcores=NS
)


def _make_sc_segment_sums(h):

    @functools.partial(
        pl.kernel,
        out_type=(
            jax.ShapeDtypeStruct((NW, BATCH, D_OUT * 16), jnp.float32),
            jax.ShapeDtypeStruct((NW, BATCH, 16), jnp.float32),
        ),
        mesh=_sc_mesh,
        scratch_types=[
            pltpu.VMEM((ROWS_PER_W,), jnp.int32),
            pltpu.VMEM((D_OUT, ROWS_PER_W), jnp.float32),
            pltpu.VMEM((BATCH, D_OUT * 8), jnp.float32),
            pltpu.VMEM((BATCH, D_OUT * 8), jnp.float32),
            pltpu.VMEM((BATCH, 16), jnp.float32),
        ],
        name=f"sc_segment_sums_h{h}",
        compiler_params=pltpu.CompilerParams(needs_layout_passes=False),
    )
    def _sc_segment_sums(y_hbm, seg_hbm, out_sum, out_cnt,
                         idx_v, buf, acc_a, acc_b, accc):
        cid = lax.axis_index("c")
        sid = lax.axis_index("s")
        wid = sid * NC + cid

        pltpu.sync_copy(
            seg_hbm.at[pl.ds(h * T_SPLIT + wid * ROWS_PER_W, ROWS_PER_W)],
            idx_v)
        pltpu.sync_copy(y_hbm.at[:, pl.ds(wid * ROWS_PER_W, ROWS_PER_W)], buf)

        zero = jnp.zeros((16,), jnp.float32)

        def _zero(i, _):
            for k in range(D_OUT // 2):
                acc_a[i, pl.ds(k * 16, 16)] = zero
                acc_b[i, pl.ds(k * 16, 16)] = zero
            accc[i, :] = zero
            return 0

        lax.fori_loop(0, BATCH, _zero, 0)

        def _grp(g, _):
            lanes = lax.iota(jnp.int32, 16)
            ones = jnp.ones((16,), jnp.float32)
            r0 = g * 16
            ids16 = idx_v[pl.ds(r0, 16)]
            plsc.addupdate_scatter(accc, [ids16, lanes], ones)
            for c in range(D_OUT):
                vals = buf[c, pl.ds(r0, 16)]
                tgt = acc_a if c % 2 == 0 else acc_b
                plsc.addupdate_scatter(tgt, [ids16, lanes + (c // 2) * 16],
                                       vals)
            return 0

        lax.fori_loop(0, ROWS_PER_W // 16, _grp, 0)

        pltpu.sync_copy(acc_a, out_sum.at[wid, :, pl.ds(0, D_OUT * 8)])
        pltpu.sync_copy(acc_b, out_sum.at[wid, :, pl.ds(D_OUT * 8, D_OUT * 8)])
        pltpu.sync_copy(accc, out_cnt.at[wid])

    return _sc_segment_sums


_sc_calls = [_make_sc_segment_sums(h) for h in range(NSPLIT)]


def _tc_finish(ps0_ref, ps1_ref, pc0_ref, pc1_ref, b_ref, o_ref):
    pre = (jnp.sum(ps0_ref[...], axis=0)
           + jnp.sum(ps1_ref[...], axis=0))
    kk = lax.broadcasted_iota(jnp.int32, (D_OUT * 16, D_OUT), 0)
    cc = lax.broadcasted_iota(jnp.int32, (D_OUT * 16, D_OUT), 1)
    half = D_OUT * 8
    fold = (((kk < half) & (cc == 2 * (kk // 16)))
            | ((kk >= half) & (cc == 2 * ((kk - half) // 16) + 1))
            ).astype(jnp.float32)
    sums = lax.dot_general(pre, fold, (((1,), (0,)), ((), ())),
                           preferred_element_type=jnp.float32)
    cnts = jnp.sum(pc0_ref[...], axis=0) + jnp.sum(pc1_ref[...], axis=0)
    cnt = jnp.sum(cnts, axis=1, keepdims=True)
    avg = sums / jnp.maximum(cnt, 1.0)
    o_ref[...] = avg + b_ref[...]


def _matmul_call(flat, W, h):
    nblk = T_SPLIT // MM_BLK
    return pl.pallas_call(
        _tc_matmul,
        grid=(nblk,),
        in_specs=[
            pl.BlockSpec((MM_BLK, D_IN), lambda i, h=h: (h * nblk + i, 0)),
            pl.BlockSpec((D_OUT, D_IN), lambda i: (0, 0)),
        ],
        out_specs=pl.BlockSpec((D_OUT, MM_BLK), lambda i: (0, i)),
        out_shape=jax.ShapeDtypeStruct((D_OUT, T_SPLIT), jnp.float32),
    )(flat, W)


def kernel(flat, segment_ids, W, b):
    seg = segment_ids.astype(jnp.int32)
    partials = []
    for h in range(NSPLIT):
        y_h = _matmul_call(flat, W, h)
        partials.append(_sc_calls[h](y_h, seg))
    (ps0, pc0), (ps1, pc1) = partials
    out = pl.pallas_call(
        _tc_finish,
        out_shape=jax.ShapeDtypeStruct((BATCH, D_OUT), jnp.float32),
    )(ps0, ps1, pc0, pc1, b.reshape(1, D_OUT))
    return out

# --- scband reference (transcript-rebuilt; emitter-appended) ---
"""Pipeline reference for scband-embeddings-average-13511967113310 (READ-ONLY COPY).

The authoritative reference and input builder live on the scoring server;
editing this copy changes nothing except your own understanding.
"""

import jax, jax.numpy as jnp
import numpy as np

BATCH = 16
TOTAL_TOKENS = 32768
D_IN = 512
D_OUT = 64


def setup_inputs(seed: int = 0) -> dict:
    key = jax.random.key(seed)
    k1, k2, k3 = jax.random.split(key, 3)
    flat = jax.random.normal(k1, (TOTAL_TOKENS, D_IN), dtype=jnp.float32)
    segment_ids = jnp.sort(jax.random.randint(k2, (TOTAL_TOKENS,), 0, BATCH))
    # nn.Linear(input_size, output_size): weight [out, in], bias [out]
    W = jax.random.normal(k3, (D_OUT, D_IN), dtype=jnp.float32) * 0.02
    b = jnp.zeros((D_OUT,), dtype=jnp.float32)
    return {"flat": flat, "segment_ids": segment_ids, "W": W, "b": b}


def reference(flat, segment_ids, W, b):
    # Ragged per-sequence mean (torch: unpack_sequence + per-seq torch.mean)
    sums = jax.ops.segment_sum(flat, segment_ids, num_segments=BATCH)
    counts = jax.ops.segment_sum(
        jnp.ones((flat.shape[0],), dtype=flat.dtype), segment_ids, num_segments=BATCH
    )
    avg = sums / jnp.maximum(counts, 1.0)[:, None]
    # Linear layer: avg @ W.T + b
    return avg @ W.T + b

if __name__ == "__main__":
    import jax
    _d = setup_inputs()
    print(jax.jit(kernel)(*tuple(_d.values())))

</pallas_src>

<mosaic_0001>
#map = affine_map<(d0, d1) -> (0, 0)>
#map1 = affine_map<(d0, d1) -> (0)>
#map2 = affine_map<(d0, d1) -> (0, 0, 0)>
module attributes {stable_mosaic.version = 14 : i64} {
  func.func @sc_segment_sums_h1(%arg0: i32, %arg1: i32, %arg2: memref<64x16384xf32, #tpu.memory_space<hbm>>, %arg3: memref<32768xi32, #tpu.memory_space<hbm>>, %arg4: memref<32x16x1024xf32, #tpu.memory_space<hbm>>, %arg5: memref<32x16x16xf32, #tpu.memory_space<hbm>>, %arg6: memref<512xi32, #tpu.memory_space<vmem>>, %arg7: memref<64x512xf32, #tpu.memory_space<vmem>>, %arg8: memref<16x512xf32, #tpu.memory_space<vmem>>, %arg9: memref<16x512xf32, #tpu.memory_space<vmem>>, %arg10: memref<16x16xf32, #tpu.memory_space<vmem>>) attributes {dimension_semantics = [#tpu.dimension_semantics<core_parallel>, #tpu.dimension_semantics<subcore_parallel>], iteration_bounds = array<i64: 2, 16>, scalar_prefetch = 0 : i64, scratch_operands = 5 : i64, tpu.core_type = #tpu.core_type<sc_vector_subcore>, window_params = [{transform_indices = #map}, {transform_indices = #map1}, {transform_indices = #map2}, {transform_indices = #map2}]} {
    %mul3A = arith.constant 2 : i32
    %mul3A_0 = arith.muli %arg1, %mul3A : i32
    %add3A = arith.addi %mul3A_0, %arg0 : i32
    %mul3A_1 = arith.constant 512 : i32
    %mul3A_2 = arith.muli %add3A, %mul3A_1 : i32
    %add3A_3 = arith.constant 16384 : i32
    %add3A_4 = arith.addi %add3A_3, %mul3A_2 : i32
    "tpu.region"() ({
      %run_scoped3A = tpu.sem_alloc : memref<!tpu.dma_semaphore, #tpu.memory_space<semaphore_mem>>
      %dma_start3A = tpu.memref_slice %arg3[%add3A_4] : memref<32768xi32, #tpu.memory_space<hbm>> -> memref<512xi32, #tpu.memory_space<hbm>>
      %dma_start3A_21 = tpu.memref_slice %arg3[%add3A_4] : memref<32768xi32, #tpu.memory_space<hbm>> -> memref<512xi32, #tpu.memory_space<hbm>>
      tpu.enqueue_dma source(%dma_start3A_21 : memref<512xi32, #tpu.memory_space<hbm>>) target(%arg6 : memref<512xi32, #tpu.memory_space<vmem>>) target_semaphore(%run_scoped3A : memref<!tpu.dma_semaphore, #tpu.memory_space<semaphore_mem>>)
      %dma_wait3A = tpu.memref_slice %arg3[%add3A_4] : memref<32768xi32, #tpu.memory_space<hbm>> -> memref<512xi32, #tpu.memory_space<hbm>>
      %dma_wait3A_22 = tpu.memref_slice %arg3[%add3A_4] : memref<32768xi32, #tpu.memory_space<hbm>> -> memref<512xi32, #tpu.memory_space<hbm>>
      tpu.wait_dma2 semaphore(%run_scoped3A : memref<!tpu.dma_semaphore, #tpu.memory_space<semaphore_mem>>) src(%dma_wait3A_22 : memref<512xi32, #tpu.memory_space<hbm>>) dst(%arg6 : memref<512xi32, #tpu.memory_space<vmem>>)
      tpu.yield
    }) : () -> ()
    %mul3A_5 = arith.constant 512 : i32
    %mul3A_6 = arith.muli %add3A, %mul3A_5 : i32
    "tpu.region"() ({
      %run_scoped3A = tpu.sem_alloc : memref<!tpu.dma_semaphore, #tpu.memory_space<semaphore_mem>>
      %dma_start3A = arith.constant 0 : i32
      %dma_start3A_21 = tpu.memref_slice %arg2[%dma_start3A, %mul3A_6] : memref<64x16384xf32, #tpu.memory_space<hbm>> -> memref<64x512xf32, #tpu.memory_space<hbm>>
      %dma_start3A_22 = arith.constant 0 : i32
      %dma_start3A_23 = tpu.memref_slice %arg2[%dma_start3A_22, %mul3A_6] : memref<64x16384xf32, #tpu.memory_space<hbm>> -> memref<64x512xf32, #tpu.memory_space<hbm>>
      tpu.enqueue_dma source(%dma_start3A_23 : memref<64x512xf32, #tpu.memory_space<hbm>>) target(%arg7 : memref<64x512xf32, #tpu.memory_space<vmem>>) target_semaphore(%run_scoped3A : memref<!tpu.dma_semaphore, #tpu.memory_space<semaphore_mem>>)
      %dma_wait3A = arith.constant 0 : i32
      %dma_wait3A_24 = tpu.memref_slice %arg2[%dma_wait3A, %mul3A_6] : memref<64x16384xf32, #tpu.memory_space<hbm>> -> memref<64x512xf32, #tpu.memory_space<hbm>>
      %dma_wait3A_25 = arith.constant 0 : i32
      %dma_wait3A_26 = tpu.memref_slice %arg2[%dma_wait3A_25, %mul3A_6] : memref<64x16384xf32, #tpu.memory_space<hbm>> -> memref<64x512xf32, #tpu.memory_space<hbm>>
      tpu.wait_dma2 semaphore(%run_scoped3A : memref<!tpu.dma_semaphore, #tpu.memory_space<semaphore_mem>>) src(%dma_wait3A_26 : memref<64x512xf32, #tpu.memory_space<hbm>>) dst(%arg7 : memref<64x512xf32, #tpu.memory_space<vmem>>)
      tpu.yield
    }) : () -> ()
    %broadcast_in_dim3A = arith.constant 0.000000e+00 : f32
    %broadcast_in_dim3A_7 = vector.broadcast %broadcast_in_dim3A : f32 to vector<16xf32>
    %scan3A = arith.constant 0 : i32
    %scan3A_8 = arith.constant 0 : i32
    %scan3A_9 = arith.constant 16 : i32
    %scan3A_10 = arith.addi %scan3A_8, %scan3A_9 : i32
    %scan3A_11 = arith.constant 1 : i32
    %scan3A_12 = scf.for %scan3A_21 = %scan3A_8 to %scan3A_10 step %scan3A_11 iter_args(%scan3A_22 = %scan3A) -> (i32)  : i32 {
      %swap3A = arith.index_cast %scan3A_21 : i32 to index
      %swap3A_23 = arith.constant 0 : index
      %swap3A_24 = tpu.vector_load %arg8[%swap3A, %swap3A_23] {strides = array<i32>} : memref<16x512xf32, #tpu.memory_space<vmem>>, vector<16xf32>,
      tpu.vector_store %arg8[%swap3A, %swap3A_23], %broadcast_in_dim3A_7 {strides = array<i32>} : memref<16x512xf32, #tpu.memory_space<vmem>>, vector<16xf32>,
      %swap3A_25 = arith.index_cast %scan3A_21 : i32 to index
      %swap3A_26 = arith.constant 0 : index
      %swap3A_27 = tpu.vector_load %arg9[%swap3A_25, %swap3A_26] {strides = array<i32>} : memref<16x512xf32, #tpu.memory_space<vmem>>, vector<16xf32>,
      tpu.vector_store %arg9[%swap3A_25, %swap3A_26], %broadcast_in_dim3A_7 {strides = array<i32>} : memref<16x512xf32, #tpu.memory_space<vmem>>, vector<16xf32>,
      %swap3A_28 = arith.index_cast %scan3A_21 : i32 to index
      %swap3A_29 = arith.constant 16 : index
      %swap3A_30 = tpu.vector_load %arg8[%swap3A_28, %swap3A_29] {strides = array<i32>} : memref<16x512xf32, #tpu.memory_space<vmem>>, vector<16xf32>,
      tpu.vector_store %arg8[%swap3A_28, %swap3A_29], %broadcast_in_dim3A_7 {strides = array<i32>} : memref<16x512xf32, #tpu.memory_space<vmem>>, vector<16xf32>,
      %swap3A_31 = arith.index_cast %scan3A_21 : i32 to index
      %swap3A_32 = arith.constant 16 : index
      %swap3A_33 = tpu.vector_load %arg9[%swap3A_31, %swap3A_32] {strides = array<i32>} : memref<16x512xf32, #tpu.memory_space<vmem>>, vector<16xf32>,
      tpu.vector_store %arg9[%swap3A_31, %swap3A_32], %broadcast_in_dim3A_7 {strides = array<i32>} : memref<16x512xf32, #tpu.memory_space<vmem>>, vector<16xf32>,
      %swap3A_34 = arith.index_cast %scan3A_21 : i32 to index
      %swap3A_35 = arith.constant 32 : index
      %swap3A_36 = tpu.vector_load %arg8[%swap3A_34, %swap3A_35] {strides = array<i32>} : memref<16x512xf32, #tpu.memory_space<vmem>>, vector<16xf32>,
      tpu.vector_store %arg8[%swap3A_34, %swap3A_35], %broadcast_in_dim3A_7 {strides = array<i32>} : memref<16x512xf32, #tpu.memory_space<vmem>>, vector<16xf32>,
      %swap3A_37 = arith.index_cast %scan3A_21 : i32 to index
      %swap3A_38 = arith.constant 32 : index
      %swap3A_39 = tpu.vector_load %arg9[%swap3A_37, %swap3A_38] {strides = array<i32>} : memref<16x512xf32, #tpu.memory_space<vmem>>, vector<16xf32>,
      tpu.vector_store %arg9[%swap3A_37, %swap3A_38], %broadcast_in_dim3A_7 {strides = array<i32>} : memref<16x512xf32, #tpu.memory_space<vmem>>, vector<16xf32>,
      %swap3A_40 = arith.index_cast %scan3A_21 : i32 to index
      %swap3A_41 = arith.constant 48 : index
      %swap3A_42 = tpu.vector_load %arg8[%swap3A_40, %swap3A_41] {strides = array<i32>} : memref<16x512xf32, #tpu.memory_space<vmem>>, vector<16xf32>,
      tpu.vector_store %arg8[%swap3A_40, %swap3A_41], %broadcast_in_dim3A_7 {strides = array<i32>} : memref<16x512xf32, #tpu.memory_space<vmem>>, vector<16xf32>,
      %swap3A_43 = arith.index_cast %scan3A_21 : i32 to index
      %swap3A_44 = arith.constant 48 : index
      %swap3A_45 = tpu.vector_load %arg9[%swap3A_43, %swap3A_44] {strides = array<i32>} : memref<16x512xf32, #tpu.memory_space<vmem>>, vector<16xf32>,
      tpu.vector_store %arg9[%swap3A_43, %swap3A_44], %broadcast_in_dim3A_7 {strides = array<i32>} : memref<16x512xf32, #tpu.memory_space<vmem>>, vector<16xf32>,
      %swap3A_46 = arith.index_cast %scan3A_21 : i32 to index
      %swap3A_47 = arith.constant 64 : index
      %swap3A_48 = tpu.vector_load %arg8[%swap3A_46, %swap3A_47] {strides = array<i32>} : memref<16x512xf32, #tpu.memory_space<vmem>>, vector<16xf32>,
      tpu.vector_store %arg8[%swap3A_46, %swap3A_47], %broadcast_in_dim3A_7 {strides = array<i32>} : memref<16x512xf32, #tpu.memory_space<vmem>>, vector<16xf32>,
      %swap3A_49 = arith.index_cast %scan3A_21 : i32 to index
      %swap3A_50 = arith.constant 64 : index
      %swap3A_51 = tpu.vector_load %arg9[%swap3A_49, %swap3A_50] {strides = array<i32>} : memref<16x512xf32, #tpu.memory_space<vmem>>, vector<16xf32>,
      tpu.vector_store %arg9[%swap3A_49, %swap3A_50], %broadcast_in_dim3A_7 {strides = array<i32>} : memref<16x512xf32, #tpu.memory_space<vmem>>, vector<16xf32>,
      %swap3A_52 = arith.index_cast %scan3A_21 : i32 to index
      %swap3A_53 = arith.constant 80 : index
      %swap3A_54 = tpu.vector_load %arg8[%swap3A_52, %swap3A_53] {strides = array<i32>} : memref<16x512xf32, #tpu.memory_space<vmem>>, vector<16xf32>,
      tpu.vector_store %arg8[%swap3A_52, %swap3A_53], %broadcast_in_dim3A_7 {strides = array<i32>} : memref<16x512xf32, #tpu.memory_space<vmem>>, vector<16xf32>,
      %swap3A_55 = arith.index_cast %scan3A_21 : i32 to index
      %swap3A_56 = arith.constant 80 : index
      %swap3A_57 = tpu.vector_load %arg9[%swap3A_55, %swap3A_56] {strides = array<i32>} : memref<16x512xf32, #tpu.memory_space<vmem>>, vector<16xf32>,
      tpu.vector_store %arg9[%swap3A_55, %swap3A_56], %broadcast_in_dim3A_7 {strides = array<i32>} : memref<16x512xf32, #tpu.memory_space<vmem>>, vector<16xf32>,
      %swap3A_58 = arith.index_cast %scan3A_21 : i32 to index
      %swap3A_59 = arith.constant 96 : index
      %swap3A_60 = tpu.vector_load %arg8[%swap3A_58, %swap3A_59] {strides = array<i32>} : memref<16x512xf32, #tpu.memory_space<vmem>>, vector<16xf32>,
      tpu.vector_store %arg8[%swap3A_58, %swap3A_59], %broadcast_in_dim3A_7 {strides = array<i32>} : memref<16x512xf32, #tpu.memory_space<vmem>>, vector<16xf32>,
      %swap3A_61 = arith.index_cast %scan3A_21 : i32 to index
      %swap3A_62 = arith.constant 96 : index
      %swap3A_63 = tpu.vector_load %arg9[%swap3A_61, %swap3A_62] {strides = array<i32>} : memref<16x512xf32, #tpu.memory_space<vmem>>, vector<16xf32>,
      tpu.vector_store %arg9[%swap3A_61, %swap3A_62], %broadcast_in_dim3A_7 {strides = array<i32>} : memref<16x512xf32, #tpu.memory_space<vmem>>, vector<16xf32>,
      %swap3A_64 = arith.index_cast %scan3A_21 : i32 to index
      %swap3A_65 = arith.constant 112 : index
      %swap3A_66 = tpu.vector_load %arg8[%swap3A_64, %swap3A_65] {strides = array<i32>} : memref<16x512xf32, #tpu.memory_space<vmem>>, vector<16xf32>,
      tpu.vector_store %arg8[%swap3A_64, %swap3A_65], %broadcast_in_dim3A_7 {strides = array<i32>} : memref<16x512xf32, #tpu.memory_space<vmem>>, vector<16xf32>,
      %swap3A_67 = arith.index_cast %scan3A_21 : i32 to index
      %swap3A_68 = arith.constant 112 : index
      %swap3A_69 = tpu.vector_load %arg9[%swap3A_67, %swap3A_68] {strides = array<i32>} : memref<16x512xf32, #tpu.memory_space<vmem>>, vector<16xf32>,
      tpu.vector_store %arg9[%swap3A_67, %swap3A_68], %broadcast_in_dim3A_7 {strides = array<i32>} : memref<16x512xf32, #tpu.memory_space<vmem>>, vector<16xf32>,
      %swap3A_70 = arith.index_cast %scan3A_21 : i32 to index
      %swap3A_71 = arith.constant 128 : index
      %swap3A_72 = tpu.vector_load %arg8[%swap3A_70, %swap3A_71] {strides = array<i32>} : memref<16x512xf32, #tpu.memory_space<vmem>>, vector<16xf32>,
      tpu.vector_store %arg8[%swap3A_70, %swap3A_71], %broadcast_in_dim3A_7 {strides = array<i32>} : memref<16x512xf32, #tpu.memory_space<vmem>>, vector<16xf32>,
      %swap3A_73 = arith.index_cast %scan3A_21 : i32 to index
      %swap3A_74 = arith.constant 128 : index
      %swap3A_75 = tpu.vector_load %arg9[%swap3A_73, %swap3A_74] {strides = array<i32>} : memref<16x512xf32, #tpu.memory_space<vmem>>, vector<16xf32>,
      tpu.vector_store %arg9[%swap3A_73, %swap3A_74], %broadcast_in_dim3A_7 {strides = array<i32>} : memref<16x512xf32, #tpu.memory_space<vmem>>, vector<16xf32>,
      %swap3A_76 = arith.index_cast %scan3A_21 : i32 to index
      %swap3A_77 = arith.constant 144 : index
      %swap3A_78 = tpu.vector_load %arg8[%swap3A_76, %swap3A_77] {strides = array<i32>} : memref<16x512xf32, #tpu.memory_space<vmem>>, vector<16xf32>,
      tpu.vector_store %arg8[%swap3A_76, %swap3A_77], %broadcast_in_dim3A_7 {strides = array<i32>} : memref<16x512xf32, #tpu.memory_space<vmem>>, vector<16xf32>,
      %swap3A_79 = arith.index_cast %scan3A_21 : i32 to index
      %swap3A_80 = arith.constant 144 : index
      %swap3A_81 = tpu.vector_load %arg9[%swap3A_79, %swap3A_80] {strides = array<i32>} : memref<16x512xf32, #tpu.memory_space<vmem>>, vector<16xf32>,
      tpu.vector_store %arg9[%swap3A_79, %swap3A_80], %broadcast_in_dim3A_7 {strides = array<i32>} : memref<16x512xf32, #tpu.memory_space<vmem>>, vector<16xf32>,
      %swap3A_82 = arith.index_cast %scan3A_21 : i32 to index
      %swap3A_83 = arith.constant 160 : index
      %swap3A_84 = tpu.vector_load %arg8[%swap3A_82, %swap3A_83] {strides = array<i32>} : memref<16x512xf32, #tpu.memory_space<vmem>>, vector<16xf32>,
      tpu.vector_store %arg8[%swap3A_82, %swap3A_83], %broadcast_in_dim3A_7 {strides = array<i32>} : memref<16x512xf32, #tpu.memory_space<vmem>>, vector<16xf32>,
      %swap3A_85 = arith.index_cast %scan3A_21 : i32 to index
      %swap3A_86 = arith.constant 160 : index
      %swap3A_87 = tpu.vector_load %arg9[%swap3A_85, %swap3A_86] {strides = array<i32>} : memref<16x512xf32, #tpu.memory_space<vmem>>, vector<16xf32>,
      tpu.vector_store %arg9[%swap3A_85, %swap3A_86], %broadcast_in_dim3A_7 {strides = array<i32>} : memref<16x512xf32, #tpu.memory_space<vmem>>, vector<16xf32>,
      %swap3A_88 = arith.index_cast %scan3A_21 : i32 to index
      %swap3A_89 = arith.constant 176 : index
      %swap3A_90 = tpu.vector_load %arg8[%swap3A_88, %swap3A_89] {strides = array<i32>} : memref<16x512xf32, #tpu.memory_space<vmem>>, vector<16xf32>,
      tpu.vector_store %arg8[%swap3A_88, %swap3A_89], %broadcast_in_dim3A_7 {strides = array<i32>} : memref<16x512xf32, #tpu.memory_space<vmem>>, vector<16xf32>,
      %swap3A_91 = arith.index_cast %scan3A_21 : i32 to index
      %swap3A_92 = arith.constant 176 : index
      %swap3A_93 = tpu.vector_load %arg9[%swap3A_91, %swap3A_92] {strides = array<i32>} : memref<16x512xf32, #tpu.memory_space<vmem>>, vector<16xf32>,
      tpu.vector_store %arg9[%swap3A_91, %swap3A_92], %broadcast_in_dim3A_7 {strides = array<i32>} : memref<16x512xf32, #tpu.memory_space<vmem>>, vector<16xf32>,
      %swap3A_94 = arith.index_cast %scan3A_21 : i32 to index
      %swap3A_95 = arith.constant 192 : index
      %swap3A_96 = tpu.vector_load %arg8[%swap3A_94, %swap3A_95] {strides = array<i32>} : memref<16x512xf32, #tpu.memory_space<vmem>>, vector<16xf32>,
      tpu.vector_store %arg8[%swap3A_94, %swap3A_95], %broadcast_in_dim3A_7 {strides = array<i32>} : memref<16x512xf32, #tpu.memory_space<vmem>>, vector<16xf32>,
      %swap3A_97 = arith.index_cast %scan3A_21 : i32 to index
      %swap3A_98 = arith.constant 192 : index
      %swap3A_99 = tpu.vector_load %arg9[%swap3A_97, %swap3A_98] {strides = array<i32>} : memref<16x512xf32, #tpu.memory_space<vmem>>, vector<16xf32>,
      tpu.vector_store %arg9[%swap3A_97, %swap3A_98], %broadcast_in_dim3A_7 {strides = array<i32>} : memref<16x512xf32, #tpu.memory_space<vmem>>, vector<16xf32>,
      %swap3A_100 = arith.index_cast %scan3A_21 : i32 to index
      %swap3A_101 = arith.constant 208 : index
      %swap3A_102 = tpu.vector_load %arg8[%swap3A_100, %swap3A_101] {strides = array<i32>} : memref<16x512xf32, #tpu.memory_space<vmem>>, vector<16xf32>,
      tpu.vector_store %arg8[%swap3A_100, %swap3A_101], %broadcast_in_dim3A_7 {strides = array<i32>} : memref<16x512xf32, #tpu.memory_space<vmem>>, vector<16xf32>,
      %swap3A_103 = arith.index_cast %scan3A_21 : i32 to index
      %swap3A_104 = arith.constant 208 : index
      %swap3A_105 = tpu.vector_load %arg9[%swap3A_103, %swap3A_104] {strides = array<i32>} : memref<16x512xf32, #tpu.memory_space<vmem>>, vector<16xf32>,
      tpu.vector_store %arg9[%swap3A_103, %swap3A_104], %broadcast_in_dim3A_7 {strides = array<i32>} : memref<16x512xf32, #tpu.memory_space<vmem>>, vector<16xf32>,
      %swap3A_106 = arith.index_cast %scan3A_21 : i32 to index
      %swap3A_107 = arith.constant 224 : index
      %swap3A_108 = tpu.vector_load %arg8[%swap3A_106, %swap3A_107] {strides = array<i32>} : memref<16x512xf32, #tpu.memory_space<vmem>>, vector<16xf32>,
      tpu.vector_store %arg8[%swap3A_106, %swap3A_107], %broadcast_in_dim3A_7 {strides = array<i32>} : memref<16x512xf32, #tpu.memory_space<vmem>>, vector<16xf32>,
      %swap3A_109 = arith.index_cast %scan3A_21 : i32 to index
      %swap3A_110 = arith.constant 224 : index
      %swap3A_111 = tpu.vector_load %arg9[%swap3A_109, %swap3A_110] {strides = array<i32>} : memref<16x512xf32, #tpu.memory_space<vmem>>, vector<16xf32>,
      tpu.vector_store %arg9[%swap3A_109, %swap3A_110], %broadcast_in_dim3A_7 {strides = array<i32>} : memref<16x512xf32, #tpu.memory_space<vmem>>, vector<16xf32>,
      %swap3A_112 = arith.index_cast %scan3A_21 : i32 to index
      %swap3A_113 = arith.constant 240 : index
      %swap3A_114 = tpu.vector_load %arg8[%swap3A_112, %swap3A_113] {strides = array<i32>} : memref<16x512xf32, #tpu.memory_space<vmem>>, vector<16xf32>,
      tpu.vector_store %arg8[%swap3A_112, %swap3A_113], %broadcast_in_dim3A_7 {strides = array<i32>} : memref<16x512xf32, #tpu.memory_space<vmem>>, vector<16xf32>,
      %swap3A_115 = arith.index_cast %scan3A_21 : i32 to index
      %swap3A_116 = arith.constant 240 : index
      %swap3A_117 = tpu.vector_load %arg9[%swap3A_115, %swap3A_116] {strides = array<i32>} : memref<16x512xf32, #tpu.memory_space<vmem>>, vector<16xf32>,
      tpu.vector_store %arg9[%swap3A_115, %swap3A_116], %broadcast_in_dim3A_7 {strides = array<i32>} : memref<16x512xf32, #tpu.memory_space<vmem>>, vector<16xf32>,
      %swap3A_118 = arith.index_cast %scan3A_21 : i32 to index
      %swap3A_119 = arith.constant 256 : index
      %swap3A_120 = tpu.vector_load %arg8[%swap3A_118, %swap3A_119] {strides = array<i32>} : memref<16x512xf32, #tpu.memory_space<vmem>>, vector<16xf32>,
      tpu.vector_store %arg8[%swap3A_118, %swap3A_119], %broadcast_in_dim3A_7 {strides = array<i32>} : memref<16x512xf32, #tpu.memory_space<vmem>>, vector<16xf32>,
      %swap3A_121 = arith.index_cast %scan3A_21 : i32 to index
      %swap3A_122 = arith.constant 256 : index
      %swap3A_123 = tpu.vector_load %arg9[%swap3A_121, %swap3A_122] {strides = array<i32>} : memref<16x512xf32, #tpu.memory_space<vmem>>, vector<16xf32>,
      tpu.vector_store %arg9[%swap3A_121, %swap3A_122], %broadcast_in_dim3A_7 {strides = array<i32>} : memref<16x512xf32, #tpu.memory_space<vmem>>, vector<16xf32>,
      %swap3A_124 = arith.index_cast %scan3A_21 : i32 to index
      %swap3A_125 = arith.constant 272 : index
      %swap3A_126 = tpu.vector_load %arg8[%swap3A_124, %swap3A_125] {strides = array<i32>} : memref<16x512xf32, #tpu.memory_space<vmem>>, vector<16xf32>,
      tpu.vector_store %arg8[%swap3A_124, %swap3A_125], %broadcast_in_dim3A_7 {strides = array<i32>} : memref<16x512xf32, #tpu.memory_space<vmem>>, vector<16xf32>,
      %swap3A_127 = arith.index_cast %scan3A_21 : i32 to index
      %swap3A_128 = arith.constant 272 : index
      %swap3A_129 = tpu.vector_load %arg9[%swap3A_127, %swap3A_128] {strides = array<i32>} : memref<16x512xf32, #tpu.memory_space<vmem>>, vector<16xf32>,
      tpu.vector_store %arg9[%swap3A_127, %swap3A_128], %broadcast_in_dim3A_7 {strides = array<i32>} : memref<16x512xf32, #tpu.memory_space<vmem>>, vector<16xf32>,
      %swap3A_130 = arith.index_cast %scan3A_21 : i32 to index
      %swap3A_131 = arith.constant 288 : index
      %swap3A_132 = tpu.vector_load %arg8[%swap3A_130, %swap3A_131] {strides = array<i32>} : memref<16x512xf32, #tpu.memory_space<vmem>>, vector<16xf32>,
      tpu.vector_store %arg8[%swap3A_130, %swap3A_131], %broadcast_in_dim3A_7 {strides = array<i32>} : memref<16x512xf32, #tpu.memory_space<vmem>>, vector<16xf32>,
      %swap3A_133 = arith.index_cast %scan3A_21 : i32 to index
      %swap3A_134 = arith.constant 288 : index
      %swap3A_135 = tpu.vector_load %arg9[%swap3A_133, %swap3A_134] {strides = array<i32>} : memref<16x512xf32, #tpu.memory_space<vmem>>, vector<16xf32>,
      tpu.vector_store %arg9[%swap3A_133, %swap3A_134], %broadcast_in_dim3A_7 {strides = array<i32>} : memref<16x512xf32, #tpu.memory_space<vmem>>, vector<16xf32>,
      %swap3A_136 = arith.index_cast %scan3A_21 : i32 to index
      %swap3A_137 = arith.constant 304 : index
      %swap3A_138 = tpu.vector_load %arg8[%swap3A_136, %swap3A_137] {strides = array<i32>} : memref<16x512xf32, #tpu.memory_space<vmem>>, vector<16xf32>,
      tpu.vector_store %arg8[%swap3A_136, %swap3A_137], %broadcast_in_dim3A_7 {strides = array<i32>} : memref<16x512xf32, #tpu.memory_space<vmem>>, vector<16xf32>,
      %swap3A_139 = arith.index_cast %scan3A_21 : i32 to index
      %swap3A_140 = arith.constant 304 : index
      %swap3A_141 = tpu.vector_load %arg9[%swap3A_139, %swap3A_140] {strides = array<i32>} : memref<16x512xf32, #tpu.memory_space<vmem>>, vector<16xf32>,
      tpu.vector_store %arg9[%swap3A_139, %swap3A_140], %broadcast_in_dim3A_7 {strides = array<i32>} : memref<16x512xf32, #tpu.memory_space<vmem>>, vector<16xf32>,
      %swap3A_142 = arith.index_cast %scan3A_21 : i32 to index
      %swap3A_143 = arith.constant 320 : index
      %swap3A_144 = tpu.vector_load %arg8[%swap3A_142, %swap3A_143] {strides = array<i32>} : memref<16x512xf32, #tpu.memory_space<vmem>>, vector<16xf32>,
      tpu.vector_store %arg8[%swap3A_142, %swap3A_143], %broadcast_in_dim3A_7 {strides = array<i32>} : memref<16x512xf32, #tpu.memory_space<vmem>>, vector<16xf32>,
      %swap3A_145 = arith.index_cast %scan3A_21 : i32 to index
      %swap3A_146 = arith.constant 320 : index
      %swap3A_147 = tpu.vector_load %arg9[%swap3A_145, %swap3A_146] {strides = array<i32>} : memref<16x512xf32, #tpu.memory_space<vmem>>, vector<16xf32>,
      tpu.vector_store %arg9[%swap3A_145, %swap3A_146], %broadcast_in_dim3A_7 {strides = array<i32>} : memref<16x512xf32, #tpu.memory_space<vmem>>, vector<16xf32>,
      %swap3A_148 = arith.index_cast %scan3A_21 : i32 to index
      %swap3A_149 = arith.constant 336 : index
      %swap3A_150 = tpu.vector_load %arg8[%swap3A_148, %swap3A_149] {strides = array<i32>} : memref<16x512xf32, #tpu.memory_space<vmem>>, vector<16xf32>,
      tpu.vector_store %arg8[%swap3A_148, %swap3A_149], %broadcast_in_dim3A_7 {strides = array<i32>} : memref<16x512xf32, #tpu.memory_space<vmem>>, vector<16xf32>,
      %swap3A_151 = arith.index_cast %scan3A_21 : i32 to index
      %swap3A_152 = arith.constant 336 : index
      %swap3A_153 = tpu.vector_load %arg9[%swap3A_151, %swap3A_152] {strides = array<i32>} : memref<16x512xf32, #tpu.memory_space<vmem>>, vector<16xf32>,
      tpu.vector_store %arg9[%swap3A_151, %swap3A_152], %broadcast_in_dim3A_7 {strides = array<i32>} : memref<16x512xf32, #tpu.memory_space<vmem>>, vector<16xf32>,
      %swap3A_154 = arith.index_cast %scan3A_21 : i32 to index
      %swap3A_155 = arith.constant 352 : index
      %swap3A_156 = tpu.vector_load %arg8[%swap3A_154, %swap3A_155] {strides = array<i32>} : memref<16x512xf32, #tpu.memory_space<vmem>>, vector<16xf32>,
      tpu.vector_store %arg8[%swap3A_154, %swap3A_155], %broadcast_in_dim3A_7 {strides = array<i32>} : memref<16x512xf32, #tpu.memory_space<vmem>>, vector<16xf32>,
      %swap3A_157 = arith.index_cast %scan3A_21 : i32 to index
      %swap3A_158 = arith.constant 352 : index
      %swap3A_159 = tpu.vector_load %arg9[%swap3A_157, %swap3A_158] {strides = array<i32>} : memref<16x512xf32, #tpu.memory_space<vmem>>, vector<16xf32>,
      tpu.vector_store %arg9[%swap3A_157, %swap3A_158], %broadcast_in_dim3A_7 {strides = array<i32>} : memref<16x512xf32, #tpu.memory_space<vmem>>, vector<16xf32>,
      %swap3A_160 = arith.index_cast %scan3A_21 : i32 to index
      %swap3A_161 = arith.constant 368 : index
      %swap3A_162 = tpu.vector_load %arg8[%swap3A_160, %swap3A_161] {strides = array<i32>} : memref<16x512xf32, #tpu.memory_space<vmem>>, vector<16xf32>,
      tpu.vector_store %arg8[%swap3A_160, %swap3A_161], %broadcast_in_dim3A_7 {strides = array<i32>} : memref<16x512xf32, #tpu.memory_space<vmem>>, vector<16xf32>,
      %swap3A_163 = arith.index_cast %scan3A_21 : i32 to index
      %swap3A_164 = arith.constant 368 : index
      %swap3A_165 = tpu.vector_load %arg9[%swap3A_163, %swap3A_164] {strides = array<i32>} : memref<16x512xf32, #tpu.memory_space<vmem>>, vector<16xf32>,
      tpu.vector_store %arg9[%swap3A_163, %swap3A_164], %broadcast_in_dim3A_7 {strides = array<i32>} : memref<16x512xf32, #tpu.memory_space<vmem>>, vector<16xf32>,
      %swap3A_166 = arith.index_cast %scan3A_21 : i32 to index
      %swap3A_167 = arith.constant 384 : index
      %swap3A_168 = tpu.vector_load %arg8[%swap3A_166, %swap3A_167] {strides = array<i32>} : memref<16x512xf32, #tpu.memory_space<vmem>>, vector<16xf32>,
      tpu.vector_store %arg8[%swap3A_166, %swap3A_167], %broadcast_in_dim3A_7 {strides = array<i32>} : memref<16x512xf32, #tpu.memory_space<vmem>>, vector<16xf32>,
      %swap3A_169 = arith.index_cast %scan3A_21 : i32 to index
      %swap3A_170 = arith.constant 384 : index
      %swap3A_171 = tpu.vector_load %arg9[%swap3A_169, %swap3A_170] {strides = array<i32>} : memref<16x512xf32, #tpu.memory_space<vmem>>, vector<16xf32>,
      tpu.vector_store %arg9[%swap3A_169, %swap3A_170], %broadcast_in_dim3A_7 {strides = array<i32>} : memref<16x512xf32, #tpu.memory_space<vmem>>, vector<16xf32>,
      %swap3A_172 = arith.index_cast %scan3A_21 : i32 to index
      %swap3A_173 = arith.constant 400 : index
      %swap3A_174 = tpu.vector_load %arg8[%swap3A_172, %swap3A_173] {strides = array<i32>} : memref<16x512xf32, #tpu.memory_space<vmem>>, vector<16xf32>,
      tpu.vector_store %arg8[%swap3A_172, %swap3A_173], %broadcast_in_dim3A_7 {strides = array<i32>} : memref<16x512xf32, #tpu.memory_space<vmem>>, vector<16xf32>,
      %swap3A_175 = arith.index_cast %scan3A_21 : i32 to index
      %swap3A_176 = arith.constant 400 : index
      %swap3A_177 = tpu.vector_load %arg9[%swap3A_175, %swap3A_176] {strides = array<i32>} : memref<16x512xf32, #tpu.memory_space<vmem>>, vector<16xf32>,
      tpu.vector_store %arg9[%swap3A_175, %swap3A_176], %broadcast_in_dim3A_7 {strides = array<i32>} : memref<16x512xf32, #tpu.memory_space<vmem>>, vector<16xf32>,
      %swap3A_178 = arith.index_cast %scan3A_21 : i32 to index
      %swap3A_179 = arith.constant 416 : index
      %swap3A_180 = tpu.vector_load %arg8[%swap3A_178, %swap3A_179] {strides = array<i32>} : memref<16x512xf32, #tpu.memory_space<vmem>>, vector<16xf32>,
      tpu.vector_store %arg8[%swap3A_178, %swap3A_179], %broadcast_in_dim3A_7 {strides = array<i32>} : memref<16x512xf32, #tpu.memory_space<vmem>>, vector<16xf32>,
      %swap3A_181 = arith.index_cast %scan3A_21 : i32 to index
      %swap3A_182 = arith.constant 416 : index
      %swap3A_183 = tpu.vector_load %arg9[%swap3A_181, %swap3A_182] {strides = array<i32>} : memref<16x512xf32, #tpu.memory_space<vmem>>, vector<16xf32>,
      tpu.vector_store %arg9[%swap3A_181, %swap3A_182], %broadcast_in_dim3A_7 {strides = array<i32>} : memref<16x512xf32, #tpu.memory_space<vmem>>, vector<16xf32>,
      %swap3A_184 = arith.index_cast %scan3A_21 : i32 to index
      %swap3A_185 = arith.constant 432 : index
      %swap3A_186 = tpu.vector_load %arg8[%swap3A_184, %swap3A_185] {strides = array<i32>} : memref<16x512xf32, #tpu.memory_space<vmem>>, vector<16xf32>,
      tpu.vector_store %arg8[%swap3A_184, %swap3A_185], %broadcast_in_dim3A_7 {strides = array<i32>} : memref<16x512xf32, #tpu.memory_space<vmem>>, vector<16xf32>,
      %swap3A_187 = arith.index_cast %scan3A_21 : i32 to index
      %swap3A_188 = arith.constant 432 : index
      %swap3A_189 = tpu.vector_load %arg9[%swap3A_187, %swap3A_188] {strides = array<i32>} : memref<16x512xf32, #tpu.memory_space<vmem>>, vector<16xf32>,
      tpu.vector_store %arg9[%swap3A_187, %swap3A_188], %broadcast_in_dim3A_7 {strides = array<i32>} : memref<16x512xf32, #tpu.memory_space<vmem>>, vector<16xf32>,
      %swap3A_190 = arith.index_cast %scan3A_21 : i32 to index
      %swap3A_191 = arith.constant 448 : index
      %swap3A_192 = tpu.vector_load %arg8[%swap3A_190, %swap3A_191] {strides = array<i32>} : memref<16x512xf32, #tpu.memory_space<vmem>>, vector<16xf32>,
      tpu.vector_store %arg8[%swap3A_190, %swap3A_191], %broadcast_in_dim3A_7 {strides = array<i32>} : memref<16x512xf32, #tpu.memory_space<vmem>>, vector<16xf32>,
      %swap3A_193 = arith.index_cast %scan3A_21 : i32 to index
      %swap3A_194 = arith.constant 448 : index
      %swap3A_195 = tpu.vector_load %arg9[%swap3A_193, %swap3A_194] {strides = array<i32>} : memref<16x512xf32, #tpu.memory_space<vmem>>, vector<16xf32>,
      tpu.vector_store %arg9[%swap3A_193, %swap3A_194], %broadcast_in_dim3A_7 {strides = array<i32>} : memref<16x512xf32, #tpu.memory_space<vmem>>, vector<16xf32>,
      %swap3A_196 = arith.index_cast %scan3A_21 : i32 to index
      %swap3A_197 = arith.constant 464 : index
      %swap3A_198 = tpu.vector_load %arg8[%swap3A_196, %swap3A_197] {strides = array<i32>} : memref<16x512xf32, #tpu.memory_space<vmem>>, vector<16xf32>,
      tpu.vector_store %arg8[%swap3A_196, %swap3A_197], %broadcast_in_dim3A_7 {strides = array<i32>} : memref<16x512xf32, #tpu.memory_space<vmem>>, vector<16xf32>,
      %swap3A_199 = arith.index_cast %scan3A_21 : i32 to index
      %swap3A_200 = arith.constant 464 : index
      %swap3A_201 = tpu.vector_load %arg9[%swap3A_199, %swap3A_200] {strides = array<i32>} : memref<16x512xf32, #tpu.memory_space<vmem>>, vector<16xf32>,
      tpu.vector_store %arg9[%swap3A_199, %swap3A_200], %broadcast_in_dim3A_7 {strides = array<i32>} : memref<16x512xf32, #tpu.memory_space<vmem>>, vector<16xf32>,
      %swap3A_202 = arith.index_cast %scan3A_21 : i32 to index
      %swap3A_203 = arith.constant 480 : index
      %swap3A_204 = tpu.vector_load %arg8[%swap3A_202, %swap3A_203] {strides = array<i32>} : memref<16x512xf32, #tpu.memory_space<vmem>>, vector<16xf32>,
      tpu.vector_store %arg8[%swap3A_202, %swap3A_203], %broadcast_in_dim3A_7 {strides = array<i32>} : memref<16x512xf32, #tpu.memory_space<vmem>>, vector<16xf32>,
      %swap3A_205 = arith.index_cast %scan3A_21 : i32 to index
      %swap3A_206 = arith.constant 480 : index
      %swap3A_207 = tpu.vector_load %arg9[%swap3A_205, %swap3A_206] {strides = array<i32>} : memref<16x512xf32, #tpu.memory_space<vmem>>, vector<16xf32>,
      tpu.vector_store %arg9[%swap3A_205, %swap3A_206], %broadcast_in_dim3A_7 {strides = array<i32>} : memref<16x512xf32, #tpu.memory_space<vmem>>, vector<16xf32>,
      %swap3A_208 = arith.index_cast %scan3A_21 : i32 to index
      %swap3A_209 = arith.constant 496 : index
      %swap3A_210 = tpu.vector_load %arg8[%swap3A_208, %swap3A_209] {strides = array<i32>} : memref<16x512xf32, #tpu.memory_space<vmem>>, vector<16xf32>,
      tpu.vector_store %arg8[%swap3A_208, %swap3A_209], %broadcast_in_dim3A_7 {strides = array<i32>} : memref<16x512xf32, #tpu.memory_space<vmem>>, vector<16xf32>,
      %swap3A_211 = arith.index_cast %scan3A_21 : i32 to index
      %swap3A_212 = arith.constant 496 : index
      %swap3A_213 = tpu.vector_load %arg9[%swap3A_211, %swap3A_212] {strides = array<i32>} : memref<16x512xf32, #tpu.memory_space<vmem>>, vector<16xf32>,
      tpu.vector_store %arg9[%swap3A_211, %swap3A_212], %broadcast_in_dim3A_7 {strides = array<i32>} : memref<16x512xf32, #tpu.memory_space<vmem>>, vector<16xf32>,
      %swap3A_214 = arith.index_cast %scan3A_21 : i32 to index
      %swap3A_215 = arith.constant 0 : index
      %swap3A_216 = tpu.vector_load %arg10[%swap3A_214, %swap3A_215] {strides = array<i32>} : memref<16x16xf32, #tpu.memory_space<vmem>>, vector<16xf32>,
      tpu.vector_store %arg10[%swap3A_214, %swap3A_215], %broadcast_in_dim3A_7 {strides = array<i32>} : memref<16x16xf32, #tpu.memory_space<vmem>>, vector<16xf32>,
      %scan3A_217 = arith.constant 0 : i32
      scf.yield %scan3A_217 : i32
    }
    %scan3A_13 = arith.constant 16 : i32
    %scan3A_14 = arith.constant 0 : i32
    %scan3A_15 = arith.constant 0 : i32
    %scan3A_16 = arith.constant 32 : i32
    %scan3A_17 = arith.addi %scan3A_15, %scan3A_16 : i32
    %scan3A_18 = arith.constant 1 : i32
    %scan3A_19 = scf.for %scan3A_21 = %scan3A_15 to %scan3A_17 step %scan3A_18 iter_args(%scan3A_22 = %scan3A_14) -> (i32)  : i32 {
      %iota3A = tpu.iota {dimensions = array<i32: 0>} : vector<16xi32>
      %broadcast_in_dim3A_23 = arith.constant 1.000000e+00 : f32
      %broadcast_in_dim3A_24 = vector.broadcast %broadcast_in_dim3A_23 : f32 to vector<16xf32>
      %mul3A_25 = arith.constant 16 : i32
      %mul3A_26 = arith.muli %scan3A_21, %mul3A_25 : i32
      %get3A = arith.index_cast %mul3A_26 : i32 to index
      %get3A_27 = tpu.vector_load %arg6[%get3A] {strides = array<i32>} : memref<512xi32, #tpu.memory_space<vmem>>, vector<16xi32>,
      tpu.vector_store_idx %arg10[%get3A_27, %iota3A], %broadcast_in_dim3A_24 {add = true} : memref<16x16xf32, #tpu.memory_space<vmem>>[vector<16xi32>, vector<16xi32>], vector<16xf32>,
      %get3A_28 = arith.constant 0 : i32
      %get3A_29 = arith.index_cast %get3A_28 : i32 to index
      %get3A_30 = arith.index_cast %mul3A_26 : i32 to index
      %get3A_31 = tpu.vector_load %arg7[%get3A_29, %get3A_30] {strides = array<i32>} : memref<64x512xf32, #tpu.memory_space<vmem>>, vector<16xf32>,
      %add3A_32 = arith.constant 0 : i32
      %add3A_33 = vector.broadcast %add3A_32 : i32 to vector<16xi32>
      %add3A_34 = arith.addi %iota3A, %add3A_33 : vector<16xi32>
      tpu.vector_store_idx %arg8[%get3A_27, %add3A_34], %get3A_31 {add = true} : memref<16x512xf32, #tpu.memory_space<vmem>>[vector<16xi32>, vector<16xi32>], vector<16xf32>,
      %get3A_35 = arith.constant 1 : i32
      %get3A_36 = arith.index_cast %get3A_35 : i32 to index
      %get3A_37 = arith.index_cast %mul3A_26 : i32 to index
      %get3A_38 = tpu.vector_load %arg7[%get3A_36, %get3A_37] {strides = array<i32>} : memref<64x512xf32, #tpu.memory_space<vmem>>, vector<16xf32>,
      %add3A_39 = arith.constant 0 : i32
      %add3A_40 = vector.broadcast %add3A_39 : i32 to vector<16xi32>
      %add3A_41 = arith.addi %iota3A, %add3A_40 : vector<16xi32>
      tpu.vector_store_idx %arg9[%get3A_27, %add3A_41], %get3A_38 {add = true} : memref<16x512xf32, #tpu.memory_space<vmem>>[vector<16xi32>, vector<16xi32>], vector<16xf32>,
      %get3A_42 = arith.constant 2 : i32
      %get3A_43 = arith.index_cast %get3A_42 : i32 to index
      %get3A_44 = arith.index_cast %mul3A_26 : i32 to index
      %get3A_45 = tpu.vector_load %arg7[%get3A_43, %get3A_44] {strides = array<i32>} : memref<64x512xf32, #tpu.memory_space<vmem>>, vector<16xf32>,
      %add3A_46 = arith.constant 16 : i32
      %add3A_47 = vector.broadcast %add3A_46 : i32 to vector<16xi32>
      %add3A_48 = arith.addi %iota3A, %add3A_47 : vector<16xi32>
      tpu.vector_store_idx %arg8[%get3A_27, %add3A_48], %get3A_45 {add = true} : memref<16x512xf32, #tpu.memory_space<vmem>>[vector<16xi32>, vector<16xi32>], vector<16xf32>,
      %get3A_49 = arith.constant 3 : i32
      %get3A_50 = arith.index_cast %get3A_49 : i32 to index
      %get3A_51 = arith.index_cast %mul3A_26 : i32 to index
      %get3A_52 = tpu.vector_load %arg7[%get3A_50, %get3A_51] {strides = array<i32>} : memref<64x512xf32, #tpu.memory_space<vmem>>, vector<16xf32>,
      %add3A_53 = arith.constant 16 : i32
      %add3A_54 = vector.broadcast %add3A_53 : i32 to vector<16xi32>
      %add3A_55 = arith.addi %iota3A, %add3A_54 : vector<16xi32>
      tpu.vector_store_idx %arg9[%get3A_27, %add3A_55], %get3A_52 {add = true} : memref<16x512xf32, #tpu.memory_space<vmem>>[vector<16xi32>, vector<16xi32>], vector<16xf32>,
      %get3A_56 = arith.constant 4 : i32
      %get3A_57 = arith.index_cast %get3A_56 : i32 to index
      %get3A_58 = arith.index_cast %mul3A_26 : i32 to index
      %get3A_59 = tpu.vector_load %arg7[%get3A_57, %get3A_58] {strides = array<i32>} : memref<64x512xf32, #tpu.memory_space<vmem>>, vector<16xf32>,
      %add3A_60 = arith.constant 32 : i32
      %add3A_61 = vector.broadcast %add3A_60 : i32 to vector<16xi32>
      %add3A_62 = arith.addi %iota3A, %add3A_61 : vector<16xi32>
      tpu.vector_store_idx %arg8[%get3A_27, %add3A_62], %get3A_59 {add = true} : memref<16x512xf32, #tpu.memory_space<vmem>>[vector<16xi32>, vector<16xi32>], vector<16xf32>,
      %get3A_63 = arith.constant 5 : i32
      %get3A_64 = arith.index_cast %get3A_63 : i32 to index
      %get3A_65 = arith.index_cast %mul3A_26 : i32 to index
      %get3A_66 = tpu.vector_load %arg7[%get3A_64, %get3A_65] {strides = array<i32>} : memref<64x512xf32, #tpu.memory_space<vmem>>, vector<16xf32>,
      %add3A_67 = arith.constant 32 : i32
      %add3A_68 = vector.broadcast %add3A_67 : i32 to vector<16xi32>
      %add3A_69 = arith.addi %iota3A, %add3A_68 : vector<16xi32>
      tpu.vector_store_idx %arg9[%get3A_27, %add3A_69], %get3A_66 {add = true} : memref<16x512xf32, #tpu.memory_space<vmem>>[vector<16xi32>, vector<16xi32>], vector<16xf32>,
      %get3A_70 = arith.constant 6 : i32
      %get3A_71 = arith.index_cast %get3A_70 : i32 to index
      %get3A_72 = arith.index_cast %mul3A_26 : i32 to index
      %get3A_73 = tpu.vector_load %arg7[%get3A_71, %get3A_72] {strides = array<i32>} : memref<64x512xf32, #tpu.memory_space<vmem>>, vector<16xf32>,
      %add3A_74 = arith.constant 48 : i32
      %add3A_75 = vector.broadcast %add3A_74 : i32 to vector<16xi32>
      %add3A_76 = arith.addi %iota3A, %add3A_75 : vector<16xi32>
      tpu.vector_store_idx %arg8[%get3A_27, %add3A_76], %get3A_73 {add = true} : memref<16x512xf32, #tpu.memory_space<vmem>>[vector<16xi32>, vector<16xi32>], vector<16xf32>,
      %get3A_77 = arith.constant 7 : i32
      %get3A_78 = arith.index_cast %get3A_77 : i32 to index
      %get3A_79 = arith.index_cast %mul3A_26 : i32 to index
      %get3A_80 = tpu.vector_load %arg7[%get3A_78, %get3A_79] {strides = array<i32>} : memref<64x512xf32, #tpu.memory_space<vmem>>, vector<16xf32>,
      %add3A_81 = arith.constant 48 : i32
      %add3A_82 = vector.broadcast %add3A_81 : i32 to vector<16xi32>
      %add3A_83 = arith.addi %iota3A, %add3A_82 : vector<16xi32>
      tpu.vector_store_idx %arg9[%get3A_27, %add3A_83], %get3A_80 {add = true} : memref<16x512xf32, #tpu.memory_space<vmem>>[vector<16xi32>, vector<16xi32>], vector<16xf32>,
      %get3A_84 = arith.constant 8 : i32
      %get3A_85 = arith.index_cast %get3A_84 : i32 to index
      %get3A_86 = arith.index_cast %mul3A_26 : i32 to index
      %get3A_87 = tpu.vector_load %arg7[%get3A_85, %get3A_86] {strides = array<i32>} : memref<64x512xf32, #tpu.memory_space<vmem>>, vector<16xf32>,
      %add3A_88 = arith.constant 64 : i32
      %add3A_89 = vector.broadcast %add3A_88 : i32 to vector<16xi32>
      %add3A_90 = arith.addi %iota3A, %add3A_89 : vector<16xi32>
      tpu.vector_store_idx %arg8[%get3A_27, %add3A_90], %get3A_87 {add = true} : memref<16x512xf32, #tpu.memory_space<vmem>>[vector<16xi32>, vector<16xi32>], vector<16xf32>,
      %get3A_91 = arith.constant 9 : i32
      %get3A_92 = arith.index_cast %get3A_91 : i32 to index
      %get3A_93 = arith.index_cast %mul3A_26 : i32 to index
      %get3A_94 = tpu.vector_load %arg7[%get3A_92, %get3A_93] {strides = array<i32>} : memref<64x512xf32, #tpu.memory_space<vmem>>, vector<16xf32>,
      %add3A_95 = arith.constant 64 : i32
      %add3A_96 = vector.broadcast %add3A_95 : i32 to vector<16xi32>
      %add3A_97 = arith.addi %iota3A, %add3A_96 : vector<16xi32>
      tpu.vector_store_idx %arg9[%get3A_27, %add3A_97], %get3A_94 {add = true} : memref<16x512xf32, #tpu.memory_space<vmem>>[vector<16xi32>, vector<16xi32>], vector<16xf32>,
      %get3A_98 = arith.constant 10 : i32
      %get3A_99 = arith.index_cast %get3A_98 : i32 to index
      %get3A_100 = arith.index_cast %mul3A_26 : i32 to index
      %get3A_101 = tpu.vector_load %arg7[%get3A_99, %get3A_100] {strides = array<i32>} : memref<64x512xf32, #tpu.memory_space<vmem>>, vector<16xf32>,
      %add3A_102 = arith.constant 80 : i32
      %add3A_103 = vector.broadcast %add3A_102 : i32 to vector<16xi32>
      %add3A_104 = arith.addi %iota3A, %add3A_103 : vector<16xi32>
      tpu.vector_store_idx %arg8[%get3A_27, %add3A_104], %get3A_101 {add = true} : memref<16x512xf32, #tpu.memory_space<vmem>>[vector<16xi32>, vector<16xi32>], vector<16xf32>,
      %get3A_105 = arith.constant 11 : i32
      %get3A_106 = arith.index_cast %get3A_105 : i32 to index
      %get3A_107 = arith.index_cast %mul3A_26 : i32 to index
      %get3A_108 = tpu.vector_load %arg7[%get3A_106, %get3A_107] {strides = array<i32>} : memref<64x512xf32, #tpu.memory_space<vmem>>, vector<16xf32>,
      %add3A_109 = arith.constant 80 : i32
      %add3A_110 = vector.broadcast %add3A_109 : i32 to vector<16xi32>
      %add3A_111 = arith.addi %iota3A, %add3A_110 : vector<16xi32>
      tpu.vector_store_idx %arg9[%get3A_27, %add3A_111], %get3A_108 {add = true} : memref<16x512xf32, #tpu.memory_space<vmem>>[vector<16xi32>, vector<16xi32>], vector<16xf32>,
      %get3A_112 = arith.constant 12 : i32
      %get3A_113 = arith.index_cast %get3A_112 : i32 to index
      %get3A_114 = arith.index_cast %mul3A_26 : i32 to index
      %get3A_115 = tpu.vector_load %arg7[%get3A_113, %get3A_114] {strides = array<i32>} : memref<64x512xf32, #tpu.memory_space<vmem>>, vector<16xf32>,
      %add3A_116 = arith.constant 96 : i32
      %add3A_117 = vector.broadcast %add3A_116 : i32 to vector<16xi32>
      %add3A_118 = arith.addi %iota3A, %add3A_117 : vector<16xi32>
      tpu.vector_store_idx %arg8[%get3A_27, %add3A_118], %get3A_115 {add = true} : memref<16x512xf32, #tpu.memory_space<vmem>>[vector<16xi32>, vector<16xi32>], vector<16xf32>,
      %get3A_119 = arith.constant 13 : i32
      %get3A_120 = arith.index_cast %get3A_119 : i32 to index
      %get3A_121 = arith.index_cast %mul3A_26 : i32 to index
      %get3A_122 = tpu.vector_load %arg7[%get3A_120, %get3A_121] {strides = array<i32>} : memref<64x512xf32, #tpu.memory_space<vmem>>, vector<16xf32>,
      %add3A_123 = arith.constant 96 : i32
      %add3A_124 = vector.broadcast %add3A_123 : i32 to vector<16xi32>
      %add3A_125 = arith.addi %iota3A, %add3A_124 : vector<16xi32>
      tpu.vector_store_idx %arg9[%get3A_27, %add3A_125], %get3A_122 {add = true} : memref<16x512xf32, #tpu.memory_space<vmem>>[vector<16xi32>, vector<16xi32>], vector<16xf32>,
      %get3A_126 = arith.constant 14 : i32
      %get3A_127 = arith.index_cast %get3A_126 : i32 to index
      %get3A_128 = arith.index_cast %mul3A_26 : i32 to index
      %get3A_129 = tpu.vector_load %arg7[%get3A_127, %get3A_128] {strides = array<i32>} : memref<64x512xf32, #tpu.memory_space<vmem>>, vector<16xf32>,
      %add3A_130 = arith.constant 112 : i32
      %add3A_131 = vector.broadcast %add3A_130 : i32 to vector<16xi32>
      %add3A_132 = arith.addi %iota3A, %add3A_131 : vector<16xi32>
      tpu.vector_store_idx %arg8[%get3A_27, %add3A_132], %get3A_129 {add = true} : memref<16x512xf32, #tpu.memory_space<vmem>>[vector<16xi32>, vector<16xi32>], vector<16xf32>,
      %get3A_133 = arith.constant 15 : i32
      %get3A_134 = arith.index_cast %get3A_133 : i32 to index
      %get3A_135 = arith.index_cast %mul3A_26 : i32 to index
      %get3A_136 = tpu.vector_load %arg7[%get3A_134, %get3A_135] {strides = array<i32>} : memref<64x512xf32, #tpu.memory_space<vmem>>, vector<16xf32>,
      %add3A_137 = arith.constant 112 : i32
      %add3A_138 = vector.broadcast %add3A_137 : i32 to vector<16xi32>
      %add3A_139 = arith.addi %iota3A, %add3A_138 : vector<16xi32>
      tpu.vector_store_idx %arg9[%get3A_27, %add3A_139], %get3A_136 {add = true} : memref<16x512xf32, #tpu.memory_space<vmem>>[vector<16xi32>, vector<16xi32>], vector<16xf32>,
      %get3A_140 = arith.constant 16 : i32
      %get3A_141 = arith.index_cast %get3A_140 : i32 to index
      %get3A_142 = arith.index_cast %mul3A_26 : i32 to index
      %get3A_143 = tpu.vector_load %arg7[%get3A_141, %get3A_142] {strides = array<i32>} : memref<64x512xf32, #tpu.memory_space<vmem>>, vector<16xf32>,
      %add3A_144 = arith.constant 128 : i32
      %add3A_145 = vector.broadcast %add3A_144 : i32 to vector<16xi32>
      %add3A_146 = arith.addi %iota3A, %add3A_145 : vector<16xi32>
      tpu.vector_store_idx %arg8[%get3A_27, %add3A_146], %get3A_143 {add = true} : memref<16x512xf32, #tpu.memory_space<vmem>>[vector<16xi32>, vector<16xi32>], vector<16xf32>,
      %get3A_147 = arith.constant 17 : i32
      %get3A_148 = arith.index_cast %get3A_147 : i32 to index
      %get3A_149 = arith.index_cast %mul3A_26 : i32 to index
      %get3A_150 = tpu.vector_load %arg7[%get3A_148, %get3A_149] {strides = array<i32>} : memref<64x512xf32, #tpu.memory_space<vmem>>, vector<16xf32>,
      %add3A_151 = arith.constant 128 : i32
      %add3A_152 = vector.broadcast %add3A_151 : i32 to vector<16xi32>
      %add3A_153 = arith.addi %iota3A, %add3A_152 : vector<16xi32>
      tpu.vector_store_idx %arg9[%get3A_27, %add3A_153], %get3A_150 {add = true} : memref<16x512xf32, #tpu.memory_space<vmem>>[vector<16xi32>, vector<16xi32>], vector<16xf32>,
      %get3A_154 = arith.constant 18 : i32
      %get3A_155 = arith.index_cast %get3A_154 : i32 to index
      %get3A_156 = arith.index_cast %mul3A_26 : i32 to index
      %get3A_157 = tpu.vector_load %arg7[%get3A_155, %get3A_156] {strides = array<i32>} : memref<64x512xf32, #tpu.memory_space<vmem>>, vector<16xf32>,
      %add3A_158 = arith.constant 144 : i32
      %add3A_159 = vector.broadcast %add3A_158 : i32 to vector<16xi32>
      %add3A_160 = arith.addi %iota3A, %add3A_159 : vector<16xi32>
      tpu.vector_store_idx %arg8[%get3A_27, %add3A_160], %get3A_157 {add = true} : memref<16x512xf32, #tpu.memory_space<vmem>>[vector<16xi32>, vector<16xi32>], vector<16xf32>,
      %get3A_161 = arith.constant 19 : i32
      %get3A_162 = arith.index_cast %get3A_161 : i32 to index
      %get3A_163 = arith.index_cast %mul3A_26 : i32 to index
      %get3A_164 = tpu.vector_load %arg7[%get3A_162, %get3A_163] {strides = array<i32>} : memref<64x512xf32, #tpu.memory_space<vmem>>, vector<16xf32>,
      %add3A_165 = arith.constant 144 : i32
      %add3A_166 = vector.broadcast %add3A_165 : i32 to vector<16xi32>
      %add3A_167 = arith.addi %iota3A, %add3A_166 : vector<16xi32>
      tpu.vector_store_idx %arg9[%get3A_27, %add3A_167], %get3A_164 {add = true} : memref<16x512xf32, #tpu.memory_space<vmem>>[vector<16xi32>, vector<16xi32>], vector<16xf32>,
      %get3A_168 = arith.constant 20 : i32
      %get3A_169 = arith.index_cast %get3A_168 : i32 to index
      %get3A_170 = arith.index_cast %mul3A_26 : i32 to index
      %get3A_171 = tpu.vector_load %arg7[%get3A_169, %get3A_170] {strides = array<i32>} : memref<64x512xf32, #tpu.memory_space<vmem>>, vector<16xf32>,
      %add3A_172 = arith.constant 160 : i32
      %add3A_173 = vector.broadcast %add3A_172 : i32 to vector<16xi32>
      %add3A_174 = arith.addi %iota3A, %add3A_173 : vector<16xi32>
      tpu.vector_store_idx %arg8[%get3A_27, %add3A_174], %get3A_171 {add = true} : memref<16x512xf32, #tpu.memory_space<vmem>>[vector<16xi32>, vector<16xi32>], vector<16xf32>,
      %get3A_175 = arith.constant 21 : i32
      %get3A_176 = arith.index_cast %get3A_175 : i32 to index
      %get3A_177 = arith.index_cast %mul3A_26 : i32 to index
      %get3A_178 = tpu.vector_load %arg7[%get3A_176, %get3A_177] {strides = array<i32>} : memref<64x512xf32, #tpu.memory_space<vmem>>, vector<16xf32>,
      %add3A_179 = arith.constant 160 : i32
      %add3A_180 = vector.broadcast %add3A_179 : i32 to vector<16xi32>
      %add3A_181 = arith.addi %iota3A, %add3A_180 : vector<16xi32>
      tpu.vector_store_idx %arg9[%get3A_27, %add3A_181], %get3A_178 {add = true} : memref<16x512xf32, #tpu.memory_space<vmem>>[vector<16xi32>, vector<16xi32>], vector<16xf32>,
      %get3A_182 = arith.constant 22 : i32
      %get3A_183 = arith.index_cast %get3A_182 : i32 to index
      %get3A_184 = arith.index_cast %mul3A_26 : i32 to index
      %get3A_185 = tpu.vector_load %arg7[%get3A_183, %get3A_184] {strides = array<i32>} : memref<64x512xf32, #tpu.memory_space<vmem>>, vector<16xf32>,
      %add3A_186 = arith.constant 176 : i32
      %add3A_187 = vector.broadcast %add3A_186 : i32 to vector<16xi32>
      %add3A_188 = arith.addi %iota3A, %add3A_187 : vector<16xi32>
      tpu.vector_store_idx %arg8[%get3A_27, %add3A_188], %get3A_185 {add = true} : memref<16x512xf32, #tpu.memory_space<vmem>>[vector<16xi32>, vector<16xi32>], vector<16xf32>,
      %get3A_189 = arith.constant 23 : i32
      %get3A_190 = arith.index_cast %get3A_189 : i32 to index
      %get3A_191 = arith.index_cast %mul3A_26 : i32 to index
      %get3A_192 = tpu.vector_load %arg7[%get3A_190, %get3A_191] {strides = array<i32>} : memref<64x512xf32, #tpu.memory_space<vmem>>, vector<16xf32>,
      %add3A_193 = arith.constant 176 : i32
      %add3A_194 = vector.broadcast %add3A_193 : i32 to vector<16xi32>
      %add3A_195 = arith.addi %iota3A, %add3A_194 : vector<16xi32>
      tpu.vector_store_idx %arg9[%get3A_27, %add3A_195], %get3A_192 {add = true} : memref<16x512xf32, #tpu.memory_space<vmem>>[vector<16xi32>, vector<16xi32>], vector<16xf32>,
      %get3A_196 = arith.constant 24 : i32
      %get3A_197 = arith.index_cast %get3A_196 : i32 to index
      %get3A_198 = arith.index_cast %mul3A_26 : i32 to index
      %get3A_199 = tpu.vector_load %arg7[%get3A_197, %get3A_198] {strides = array<i32>} : memref<64x512xf32, #tpu.memory_space<vmem>>, vector<16xf32>,
      %add3A_200 = arith.constant 192 : i32
      %add3A_201 = vector.broadcast %add3A_200 : i32 to vector<16xi32>
      %add3A_202 = arith.addi %iota3A, %add3A_201 : vector<16xi32>
      tpu.vector_store_idx %arg8[%get3A_27, %add3A_202], %get3A_199 {add = true} : memref<16x512xf32, #tpu.memory_space<vmem>>[vector<16xi32>, vector<16xi32>], vector<16xf32>,
      %get3A_203 = arith.constant 25 : i32
      %get3A_204 = arith.index_cast %get3A_203 : i32 to index
      %get3A_205 = arith.index_cast %mul3A_26 : i32 to index
      %get3A_206 = tpu.vector_load %arg7[%get3A_204, %get3A_205] {strides = array<i32>} : memref<64x512xf32, #tpu.memory_space<vmem>>, vector<16xf32>,
      %add3A_207 = arith.constant 192 : i32
      %add3A_208 = vector.broadcast %add3A_207 : i32 to vector<16xi32>
      %add3A_209 = arith.addi %iota3A, %add3A_208 : vector<16xi32>
      tpu.vector_store_idx %arg9[%get3A_27, %add3A_209], %get3A_206 {add = true} : memref<16x512xf32, #tpu.memory_space<vmem>>[vector<16xi32>, vector<16xi32>], vector<16xf32>,
      %get3A_210 = arith.constant 26 : i32
      %get3A_211 = arith.index_cast %get3A_210 : i32 to index
      %get3A_212 = arith.index_cast %mul3A_26 : i32 to index
      %get3A_213 = tpu.vector_load %arg7[%get3A_211, %get3A_212] {strides = array<i32>} : memref<64x512xf32, #tpu.memory_space<vmem>>, vector<16xf32>,
      %add3A_214 = arith.constant 208 : i32
      %add3A_215 = vector.broadcast %add3A_214 : i32 to vector<16xi32>
      %add3A_216 = arith.addi %iota3A, %add3A_215 : vector<16xi32>
      tpu.vector_store_idx %arg8[%get3A_27, %add3A_216], %get3A_213 {add = true} : memref<16x512xf32, #tpu.memory_space<vmem>>[vector<16xi32>, vector<16xi32>], vector<16xf32>,
      %get3A_217 = arith.constant 27 : i32
      %get3A_218 = arith.index_cast %get3A_217 : i32 to index
      %get3A_219 = arith.index_cast %mul3A_26 : i32 to index
      %get3A_220 = tpu.vector_load %arg7[%get3A_218, %get3A_219] {strides = array<i32>} : memref<64x512xf32, #tpu.memory_space<vmem>>, vector<16xf32>,
      %add3A_221 = arith.constant 208 : i32
      %add3A_222 = vector.broadcast %add3A_221 : i32 to vector<16xi32>
      %add3A_223 = arith.addi %iota3A, %add3A_222 : vector<16xi32>
      tpu.vector_store_idx %arg9[%get3A_27, %add3A_223], %get3A_220 {add = true} : memref<16x512xf32, #tpu.memory_space<vmem>>[vector<16xi32>, vector<16xi32>], vector<16xf32>,
      %get3A_224 = arith.constant 28 : i32
      %get3A_225 = arith.index_cast %get3A_224 : i32 to index
      %get3A_226 = arith.index_cast %mul3A_26 : i32 to index
      %get3A_227 = tpu.vector_load %arg7[%get3A_225, %get3A_226] {strides = array<i32>} : memref<64x512xf32, #tpu.memory_space<vmem>>, vector<16xf32>,
      %add3A_228 = arith.constant 224 : i32
      %add3A_229 = vector.broadcast %add3A_228 : i32 to vector<16xi32>
      %add3A_230 = arith.addi %iota3A, %add3A_229 : vector<16xi32>
      tpu.vector_store_idx %arg8[%get3A_27, %add3A_230], %get3A_227 {add = true} : memref<16x512xf32, #tpu.memory_space<vmem>>[vector<16xi32>, vector<16xi32>], vector<16xf32>,
      %get3A_231 = arith.constant 29 : i32
      %get3A_232 = arith.index_cast %get3A_231 : i32 to index
      %get3A_233 = arith.index_cast %mul3A_26 : i32 to index
      %get3A_234 = tpu.vector_load %arg7[%get3A_232, %get3A_233] {strides = array<i32>} : memref<64x512xf32, #tpu.memory_space<vmem>>, vector<16xf32>,
      %add3A_235 = arith.constant 224 : i32
      %add3A_236 = vector.broadcast %add3A_235 : i32 to vector<16xi32>
      %add3A_237 = arith.addi %iota3A, %add3A_236 : vector<16xi32>
      tpu.vector_store_idx %arg9[%get3A_27, %add3A_237], %get3A_234 {add = true} : memref<16x512xf32, #tpu.memory_space<vmem>>[vector<16xi32>, vector<16xi32>], vector<16xf32>,
      %get3A_238 = arith.constant 30 : i32
      %get3A_239 = arith.index_cast %get3A_238 : i32 to index
      %get3A_240 = arith.index_cast %mul3A_26 : i32 to index
      %get3A_241 = tpu.vector_load %arg7[%get3A_239, %get3A_240] {strides = array<i32>} : memref<64x512xf32, #tpu.memory_space<vmem>>, vector<16xf32>,
      %add3A_242 = arith.constant 240 : i32
      %add3A_243 = vector.broadcast %add3A_242 : i32 to vector<16xi32>
      %add3A_244 = arith.addi %iota3A, %add3A_243 : vector<16xi32>
      tpu.vector_store_idx %arg8[%get3A_27, %add3A_244], %get3A_241 {add = true} : memref<16x512xf32, #tpu.memory_space<vmem>>[vector<16xi32>, vector<16xi32>], vector<16xf32>,
      %get3A_245 = arith.constant 31 : i32
      %get3A_246 = arith.index_cast %get3A_245 : i32 to index
      %get3A_247 = arith.index_cast %mul3A_26 : i32 to index
      %get3A_248 = tpu.vector_load %arg7[%get3A_246, %get3A_247] {strides = array<i32>} : memref<64x512xf32, #tpu.memory_space<vmem>>, vector<16xf32>,
      %add3A_249 = arith.constant 240 : i32
      %add3A_250 = vector.broadcast %add3A_249 : i32 to vector<16xi32>
      %add3A_251 = arith.addi %iota3A, %add3A_250 : vector<16xi32>
      tpu.vector_store_idx %arg9[%get3A_27, %add3A_251], %get3A_248 {add = true} : memref<16x512xf32, #tpu.memory_space<vmem>>[vector<16xi32>, vector<16xi32>], vector<16xf32>,
      %get3A_252 = arith.constant 32 : i32
      %get3A_253 = arith.index_cast %get3A_252 : i32 to index
      %get3A_254 = arith.index_cast %mul3A_26 : i32 to index
      %get3A_255 = tpu.vector_load %arg7[%get3A_253, %get3A_254] {strides = array<i32>} : memref<64x512xf32, #tpu.memory_space<vmem>>, vector<16xf32>,
      %add3A_256 = arith.constant 256 : i32
      %add3A_257 = vector.broadcast %add3A_256 : i32 to vector<16xi32>
      %add3A_258 = arith.addi %iota3A, %add3A_257 : vector<16xi32>
      tpu.vector_store_idx %arg8[%get3A_27, %add3A_258], %get3A_255 {add = true} : memref<16x512xf32, #tpu.memory_space<vmem>>[vector<16xi32>, vector<16xi32>], vector<16xf32>,
      %get3A_259 = arith.constant 33 : i32
      %get3A_260 = arith.index_cast %get3A_259 : i32 to index
      %get3A_261 = arith.index_cast %mul3A_26 : i32 to index
      %get3A_262 = tpu.vector_load %arg7[%get3A_260, %get3A_261] {strides = array<i32>} : memref<64x512xf32, #tpu.memory_space<vmem>>, vector<16xf32>,
      %add3A_263 = arith.constant 256 : i32
      %add3A_264 = vector.broadcast %add3A_263 : i32 to vector<16xi32>
      %add3A_265 = arith.addi %iota3A, %add3A_264 : vector<16xi32>
      tpu.vector_store_idx %arg9[%get3A_27, %add3A_265], %get3A_262 {add = true} : memref<16x512xf32, #tpu.memory_space<vmem>>[vector<16xi32>, vector<16xi32>], vector<16xf32>,
      %get3A_266 = arith.constant 34 : i32
      %get3A_267 = arith.index_cast %get3A_266 : i32 to index
      %get3A_268 = arith.index_cast %mul3A_26 : i32 to index
      %get3A_269 = tpu.vector_load %arg7[%get3A_267, %get3A_268] {strides = array<i32>} : memref<64x512xf32, #tpu.memory_space<vmem>>, vector<16xf32>,
      %add3A_270 = arith.constant 272 : i32
      %add3A_271 = vector.broadcast %add3A_270 : i32 to vector<16xi32>
      %add3A_272 = arith.addi %iota3A, %add3A_271 : vector<16xi32>
      tpu.vector_store_idx %arg8[%get3A_27, %add3A_272], %get3A_269 {add = true} : memref<16x512xf32, #tpu.memory_space<vmem>>[vector<16xi32>, vector<16xi32>], vector<16xf32>,
      %get3A_273 = arith.constant 35 : i32
      %get3A_274 = arith.index_cast %get3A_273 : i32 to index
      %get3A_275 = arith.index_cast %mul3A_26 : i32 to index
      %get3A_276 = tpu.vector_load %arg7[%get3A_274, %get3A_275] {strides = array<i32>} : memref<64x512xf32, #tpu.memory_space<vmem>>, vector<16xf32>,
      %add3A_277 = arith.constant 272 : i32
      %add3A_278 = vector.broadcast %add3A_277 : i32 to vector<16xi32>
      %add3A_279 = arith.addi %iota3A, %add3A_278 : vector<16xi32>
      tpu.vector_store_idx %arg9[%get3A_27, %add3A_279], %get3A_276 {add = true} : memref<16x512xf32, #tpu.memory_space<vmem>>[vector<16xi32>, vector<16xi32>], vector<16xf32>,
      %get3A_280 = arith.constant 36 : i32
      %get3A_281 = arith.index_cast %get3A_280 : i32 to index
      %get3A_282 = arith.index_cast %mul3A_26 : i32 to index
      %get3A_283 = tpu.vector_load %arg7[%get3A_281, %get3A_282] {strides = array<i32>} : memref<64x512xf32, #tpu.memory_space<vmem>>, vector<16xf32>,
      %add3A_284 = arith.constant 288 : i32
      %add3A_285 = vector.broadcast %add3A_284 : i32 to vector<16xi32>
      %add3A_286 = arith.addi %iota3A, %add3A_285 : vector<16xi32>
      tpu.vector_store_idx %arg8[%get3A_27, %add3A_286], %get3A_283 {add = true} : memref<16x512xf32, #tpu.memory_space<vmem>>[vector<16xi32>, vector<16xi32>], vector<16xf32>,
      %get3A_287 = arith.constant 37 : i32
      %get3A_288 = arith.index_cast %get3A_287 : i32 to index
      %get3A_289 = arith.index_cast %mul3A_26 : i32 to index
      %get3A_290 = tpu.vector_load %arg7[%get3A_288, %get3A_289] {strides = array<i32>} : memref<64x512xf32, #tpu.memory_space<vmem>>, vector<16xf32>,
      %add3A_291 = arith.constant 288 : i32
      %add3A_292 = vector.broadcast %add3A_291 : i32 to vector<16xi32>
      %add3A_293 = arith.addi %iota3A, %add3A_292 : vector<16xi32>
      tpu.vector_store_idx %arg9[%get3A_27, %add3A_293], %get3A_290 {add = true} : memref<16x512xf32, #tpu.memory_space<vmem>>[vector<16xi32>, vector<16xi32>], vector<16xf32>,
      %get3A_294 = arith.constant 38 : i32
      %get3A_295 = arith.index_cast %get3A_294 : i32 to index
      %get3A_296 = arith.index_cast %mul3A_26 : i32 to index
      %get3A_297 = tpu.vector_load %arg7[%get3A_295, %get3A_296] {strides = array<i32>} : memref<64x512xf32, #tpu.memory_space<vmem>>, vector<16xf32>,
      %add3A_298 = arith.constant 304 : i32
      %add3A_299 = vector.broadcast %add3A_298 : i32 to vector<16xi32>
      %add3A_300 = arith.addi %iota3A, %add3A_299 : vector<16xi32>
      tpu.vector_store_idx %arg8[%get3A_27, %add3A_300], %get3A_297 {add = true} : memref<16x512xf32, #tpu.memory_space<vmem>>[vector<16xi32>, vector<16xi32>], vector<16xf32>,
      %get3A_301 = arith.constant 39 : i32
      %get3A_302 = arith.index_cast %get3A_301 : i32 to index
      %get3A_303 = arith.index_cast %mul3A_26 : i32 to index
      %get3A_304 = tpu.vector_load %arg7[%get3A_302, %get3A_303] {strides = array<i32>} : memref<64x512xf32, #tpu.memory_space<vmem>>, vector<16xf32>,
      %add3A_305 = arith.constant 304 : i32
      %add3A_306 = vector.broadcast %add3A_305 : i32 to vector<16xi32>
      %add3A_307 = arith.addi %iota3A, %add3A_306 : vector<16xi32>
      tpu.vector_store_idx %arg9[%get3A_27, %add3A_307], %get3A_304 {add = true} : memref<16x512xf32, #tpu.memory_space<vmem>>[vector<16xi32>, vector<16xi32>], vector<16xf32>,
      %get3A_308 = arith.constant 40 : i32
      %get3A_309 = arith.index_cast %get3A_308 : i32 to index
      %get3A_310 = arith.index_cast %mul3A_26 : i32 to index
      %get3A_311 = tpu.vector_load %arg7[%get3A_309, %get3A_310] {strides = array<i32>} : memref<64x512xf32, #tpu.memory_space<vmem>>, vector<16xf32>,
      %add3A_312 = arith.constant 320 : i32
      %add3A_313 = vector.broadcast %add3A_312 : i32 to vector<16xi32>
      %add3A_314 = arith.addi %iota3A, %add3A_313 : vector<16xi32>
      tpu.vector_store_idx %arg8[%get3A_27, %add3A_314], %get3A_311 {add = true} : memref<16x512xf32, #tpu.memory_space<vmem>>[vector<16xi32>, vector<16xi32>], vector<16xf32>,
      %get3A_315 = arith.constant 41 : i32
      %get3A_316 = arith.index_cast %get3A_315 : i32 to index
      %get3A_317 = arith.index_cast %mul3A_26 : i32 to index
      %get3A_318 = tpu.vector_load %arg7[%get3A_316, %get3A_317] {strides = array<i32>} : memref<64x512xf32, #tpu.memory_space<vmem>>, vector<16xf32>,
      %add3A_319 = arith.constant 320 : i32
      %add3A_320 = vector.broadcast %add3A_319 : i32 to vector<16xi32>
      %add3A_321 = arith.addi %iota3A, %add3A_320 : vector<16xi32>
      tpu.vector_store_idx %arg9[%get3A_27, %add3A_321], %get3A_318 {add = true} : memref<16x512xf32, #tpu.memory_space<vmem>>[vector<16xi32>, vector<16xi32>], vector<16xf32>,
      %get3A_322 = arith.constant 42 : i32
      %get3A_323 = arith.index_cast %get3A_322 : i32 to index
      %get3A_324 = arith.index_cast %mul3A_26 : i32 to index
      %get3A_325 = tpu.vector_load %arg7[%get3A_323, %get3A_324] {strides = array<i32>} : memref<64x512xf32, #tpu.memory_space<vmem>>, vector<16xf32>,
      %add3A_326 = arith.constant 336 : i32
      %add3A_327 = vector.broadcast %add3A_326 : i32 to vector<16xi32>
      %add3A_328 = arith.addi %iota3A, %add3A_327 : vector<16xi32>
      tpu.vector_store_idx %arg8[%get3A_27, %add3A_328], %get3A_325 {add = true} : memref<16x512xf32, #tpu.memory_space<vmem>>[vector<16xi32>, vector<16xi32>], vector<16xf32>,
      %get3A_329 = arith.constant 43 : i32
      %get3A_330 = arith.index_cast %get3A_329 : i32 to index
      %get3A_331 = arith.index_cast %mul3A_26 : i32 to index
      %get3A_332 = tpu.vector_load %arg7[%get3A_330, %get3A_331] {strides = array<i32>} : memref<64x512xf32, #tpu.memory_space<vmem>>, vector<16xf32>,
      %add3A_333 = arith.constant 336 : i32
      %add3A_334 = vector.broadcast %add3A_333 : i32 to vector<16xi32>
      %add3A_335 = arith.addi %iota3A, %add3A_334 : vector<16xi32>
      tpu.vector_store_idx %arg9[%get3A_27, %add3A_335], %get3A_332 {add = true} : memref<16x512xf32, #tpu.memory_space<vmem>>[vector<16xi32>, vector<16xi32>], vector<16xf32>,
      %get3A_336 = arith.constant 44 : i32
      %get3A_337 = arith.index_cast %get3A_336 : i32 to index
      %get3A_338 = arith.index_cast %mul3A_26 : i32 to index
      %get3A_339 = tpu.vector_load %arg7[%get3A_337, %get3A_338] {strides = array<i32>} : memref<64x512xf32, #tpu.memory_space<vmem>>, vector<16xf32>,
      %add3A_340 = arith.constant 352 : i32
      %add3A_341 = vector.broadcast %add3A_340 : i32 to vector<16xi32>
      %add3A_342 = arith.addi %iota3A, %add3A_341 : vector<16xi32>
      tpu.vector_store_idx %arg8[%get3A_27, %add3A_342], %get3A_339 {add = true} : memref<16x512xf32, #tpu.memory_space<vmem>>[vector<16xi32>, vector<16xi32>], vector<16xf32>,
      %get3A_343 = arith.constant 45 : i32
      %get3A_344 = arith.index_cast %get3A_343 : i32 to index
      %get3A_345 = arith.index_cast %mul3A_26 : i32 to index
      %get3A_346 = tpu.vector_load %arg7[%get3A_344, %get3A_345] {strides = array<i32>} : memref<64x512xf32, #tpu.memory_space<vmem>>, vector<16xf32>,
      %add3A_347 = arith.constant 352 : i32
      %add3A_348 = vector.broadcast %add3A_347 : i32 to vector<16xi32>
      %add3A_349 = arith.addi %iota3A, %add3A_348 : vector<16xi32>
      tpu.vector_store_idx %arg9[%get3A_27, %add3A_349], %get3A_346 {add = true} : memref<16x512xf32, #tpu.memory_space<vmem>>[vector<16xi32>, vector<16xi32>], vector<16xf32>,
      %get3A_350 = arith.constant 46 : i32
      %get3A_351 = arith.index_cast %get3A_350 : i32 to index
      %get3A_352 = arith.index_cast %mul3A_26 : i32 to index
      %get3A_353 = tpu.vector_load %arg7[%get3A_351, %get3A_352] {strides = array<i32>} : memref<64x512xf32, #tpu.memory_space<vmem>>, vector<16xf32>,
      %add3A_354 = arith.constant 368 : i32
      %add3A_355 = vector.broadcast %add3A_354 : i32 to vector<16xi32>
      %add3A_356 = arith.addi %iota3A, %add3A_355 : vector<16xi32>
      tpu.vector_store_idx %arg8[%get3A_27, %add3A_356], %get3A_353 {add = true} : memref<16x512xf32, #tpu.memory_space<vmem>>[vector<16xi32>, vector<16xi32>], vector<16xf32>,
      %get3A_357 = arith.constant 47 : i32
      %get3A_358 = arith.index_cast %get3A_357 : i32 to index
      %get3A_359 = arith.index_cast %mul3A_26 : i32 to index
      %get3A_360 = tpu.vector_load %arg7[%get3A_358, %get3A_359] {strides = array<i32>} : memref<64x512xf32, #tpu.memory_space<vmem>>, vector<16xf32>,
      %add3A_361 = arith.constant 368 : i32
      %add3A_362 = vector.broadcast %add3A_361 : i32 to vector<16xi32>
      %add3A_363 = arith.addi %iota3A, %add3A_362 : vector<16xi32>
      tpu.vector_store_idx %arg9[%get3A_27, %add3A_363], %get3A_360 {add = true} : memref<16x512xf32, #tpu.memory_space<vmem>>[vector<16xi32>, vector<16xi32>], vector<16xf32>,
      %get3A_364 = arith.constant 48 : i32
      %get3A_365 = arith.index_cast %get3A_364 : i32 to index
      %get3A_366 = arith.index_cast %mul3A_26 : i32 to index
      %get3A_367 = tpu.vector_load %arg7[%get3A_365, %get3A_366] {strides = array<i32>} : memref<64x512xf32, #tpu.memory_space<vmem>>, vector<16xf32>,
      %add3A_368 = arith.constant 384 : i32
      %add3A_369 = vector.broadcast %add3A_368 : i32 to vector<16xi32>
      %add3A_370 = arith.addi %iota3A, %add3A_369 : vector<16xi32>
      tpu.vector_store_idx %arg8[%get3A_27, %add3A_370], %get3A_367 {add = true} : memref<16x512xf32, #tpu.memory_space<vmem>>[vector<16xi32>, vector<16xi32>], vector<16xf32>,
      %get3A_371 = arith.constant 49 : i32
      %get3A_372 = arith.index_cast %get3A_371 : i32 to index
      %get3A_373 = arith.index_cast %mul3A_26 : i32 to index
      %get3A_374 = tpu.vector_load %arg7[%get3A_372, %get3A_373] {strides = array<i32>} : memref<64x512xf32, #tpu.memory_space<vmem>>, vector<16xf32>,
      %add3A_375 = arith.constant 384 : i32
      %add3A_376 = vector.broadcast %add3A_375 : i32 to vector<16xi32>
      %add3A_377 = arith.addi %iota3A, %add3A_376 : vector<16xi32>
      tpu.vector_store_idx %arg9[%get3A_27, %add3A_377], %get3A_374 {add = true} : memref<16x512xf32, #tpu.memory_space<vmem>>[vector<16xi32>, vector<16xi32>], vector<16xf32>,
      %get3A_378 = arith.constant 50 : i32
      %get3A_379 = arith.index_cast %get3A_378 : i32 to index
      %get3A_380 = arith.index_cast %mul3A_26 : i32 to index
      %get3A_381 = tpu.vector_load %arg7[%get3A_379, %get3A_380] {strides = array<i32>} : memref<64x512xf32, #tpu.memory_space<vmem>>, vector<16xf32>,
      %add3A_382 = arith.constant 400 : i32
      %add3A_383 = vector.broadcast %add3A_382 : i32 to vector<16xi32>
      %add3A_384 = arith.addi %iota3A, %add3A_383 : vector<16xi32>
      tpu.vector_store_idx %arg8[%get3A_27, %add3A_384], %get3A_381 {add = true} : memref<16x512xf32, #tpu.memory_space<vmem>>[vector<16xi32>, vector<16xi32>], vector<16xf32>,
      %get3A_385 = arith.constant 51 : i32
      %get3A_386 = arith.index_cast %get3A_385 : i32 to index
      %get3A_387 = arith.index_cast %mul3A_26 : i32 to index
      %get3A_388 = tpu.vector_load %arg7[%get3A_386, %get3A_387] {strides = array<i32>} : memref<64x512xf32, #tpu.memory_space<vmem>>, vector<16xf32>,
      %add3A_389 = arith.constant 400 : i32
      %add3A_390 = vector.broadcast %add3A_389 : i32 to vector<16xi32>
      %add3A_391 = arith.addi %iota3A, %add3A_390 : vector<16xi32>
      tpu.vector_store_idx %arg9[%get3A_27, %add3A_391], %get3A_388 {add = true} : memref<16x512xf32, #tpu.memory_space<vmem>>[vector<16xi32>, vector<16xi32>], vector<16xf32>,
      %get3A_392 = arith.constant 52 : i32
      %get3A_393 = arith.index_cast %get3A_392 : i32 to index
      %get3A_394 = arith.index_cast %mul3A_26 : i32 to index
      %get3A_395 = tpu.vector_load %arg7[%get3A_393, %get3A_394] {strides = array<i32>} : memref<64x512xf32, #tpu.memory_space<vmem>>, vector<16xf32>,
      %add3A_396 = arith.constant 416 : i32
      %add3A_397 = vector.broadcast %add3A_396 : i32 to vector<16xi32>
      %add3A_398 = arith.addi %iota3A, %add3A_397 : vector<16xi32>
      tpu.vector_store_idx %arg8[%get3A_27, %add3A_398], %get3A_395 {add = true} : memref<16x512xf32, #tpu.memory_space<vmem>>[vector<16xi32>, vector<16xi32>], vector<16xf32>,
      %get3A_399 = arith.constant 53 : i32
      %get3A_400 = arith.index_cast %get3A_399 : i32 to index
      %get3A_401 = arith.index_cast %mul3A_26 : i32 to index
      %get3A_402 = tpu.vector_load %arg7[%get3A_400, %get3A_401] {strides = array<i32>} : memref<64x512xf32, #tpu.memory_space<vmem>>, vector<16xf32>,
      %add3A_403 = arith.constant 416 : i32
      %add3A_404 = vector.broadcast %add3A_403 : i32 to vector<16xi32>
      %add3A_405 = arith.addi %iota3A, %add3A_404 : vector<16xi32>
      tpu.vector_store_idx %arg9[%get3A_27, %add3A_405], %get3A_402 {add = true} : memref<16x512xf32, #tpu.memory_space<vmem>>[vector<16xi32>, vector<16xi32>], vector<16xf32>,
      %get3A_406 = arith.constant 54 : i32
      %get3A_407 = arith.index_cast %get3A_406 : i32 to index
      %get3A_408 = arith.index_cast %mul3A_26 : i32 to index
      %get3A_409 = tpu.vector_load %arg7[%get3A_407, %get3A_408] {strides = array<i32>} : memref<64x512xf32, #tpu.memory_space<vmem>>, vector<16xf32>,
      %add3A_410 = arith.constant 432 : i32
      %add3A_411 = vector.broadcast %add3A_410 : i32 to vector<16xi32>
      %add3A_412 = arith.addi %iota3A, %add3A_411 : vector<16xi32>
      tpu.vector_store_idx %arg8[%get3A_27, %add3A_412], %get3A_409 {add = true} : memref<16x512xf32, #tpu.memory_space<vmem>>[vector<16xi32>, vector<16xi32>], vector<16xf32>,
      %get3A_413 = arith.constant 55 : i32
      %get3A_414 = arith.index_cast %get3A_413 : i32 to index
      %get3A_415 = arith.index_cast %mul3A_26 : i32 to index
      %get3A_416 = tpu.vector_load %arg7[%get3A_414, %get3A_415] {strides = array<i32>} : memref<64x512xf32, #tpu.memory_space<vmem>>, vector<16xf32>,
      %add3A_417 = arith.constant 432 : i32
      %add3A_418 = vector.broadcast %add3A_417 : i32 to vector<16xi32>
      %add3A_419 = arith.addi %iota3A, %add3A_418 : vector<16xi32>
      tpu.vector_store_idx %arg9[%get3A_27, %add3A_419], %get3A_416 {add = true} : memref<16x512xf32, #tpu.memory_space<vmem>>[vector<16xi32>, vector<16xi32>], vector<16xf32>,
      %get3A_420 = arith.constant 56 : i32
      %get3A_421 = arith.index_cast %get3A_420 : i32 to index
      %get3A_422 = arith.index_cast %mul3A_26 : i32 to index
      %get3A_423 = tpu.vector_load %arg7[%get3A_421, %get3A_422] {strides = array<i32>} : memref<64x512xf32, #tpu.memory_space<vmem>>, vector<16xf32>,
      %add3A_424 = arith.constant 448 : i32
      %add3A_425 = vector.broadcast %add3A_424 : i32 to vector<16xi32>
      %add3A_426 = arith.addi %iota3A, %add3A_425 : vector<16xi32>
      tpu.vector_store_idx %arg8[%get3A_27, %add3A_426], %get3A_423 {add = true} : memref<16x512xf32, #tpu.memory_space<vmem>>[vector<16xi32>, vector<16xi32>], vector<16xf32>,
      %get3A_427 = arith.constant 57 : i32
      %get3A_428 = arith.index_cast %get3A_427 : i32 to index
      %get3A_429 = arith.index_cast %mul3A_26 : i32 to index
      %get3A_430 = tpu.vector_load %arg7[%get3A_428, %get3A_429] {strides = array<i32>} : memref<64x512xf32, #tpu.memory_space<vmem>>, vector<16xf32>,
      %add3A_431 = arith.constant 448 : i32
      %add3A_432 = vector.broadcast %add3A_431 : i32 to vector<16xi32>
      %add3A_433 = arith.addi %iota3A, %add3A_432 : vector<16xi32>
      tpu.vector_store_idx %arg9[%get3A_27, %add3A_433], %get3A_430 {add = true} : memref<16x512xf32, #tpu.memory_space<vmem>>[vector<16xi32>, vector<16xi32>], vector<16xf32>,
      %get3A_434 = arith.constant 58 : i32
      %get3A_435 = arith.index_cast %get3A_434 : i32 to index
      %get3A_436 = arith.index_cast %mul3A_26 : i32 to index
      %get3A_437 = tpu.vector_load %arg7[%get3A_435, %get3A_436] {strides = array<i32>} : memref<64x512xf32, #tpu.memory_space<vmem>>, vector<16xf32>,
      %add3A_438 = arith.constant 464 : i32
      %add3A_439 = vector.broadcast %add3A_438 : i32 to vector<16xi32>
      %add3A_440 = arith.addi %iota3A, %add3A_439 : vector<16xi32>
      tpu.vector_store_idx %arg8[%get3A_27, %add3A_440], %get3A_437 {add = true} : memref<16x512xf32, #tpu.memory_space<vmem>>[vector<16xi32>, vector<16xi32>], vector<16xf32>,
      %get3A_441 = arith.constant 59 : i32
      %get3A_442 = arith.index_cast %get3A_441 : i32 to index
      %get3A_443 = arith.index_cast %mul3A_26 : i32 to index
      %get3A_444 = tpu.vector_load %arg7[%get3A_442, %get3A_443] {strides = array<i32>} : memref<64x512xf32, #tpu.memory_space<vmem>>, vector<16xf32>,
      %add3A_445 = arith.constant 464 : i32
      %add3A_446 = vector.broadcast %add3A_445 : i32 to vector<16xi32>
      %add3A_447 = arith.addi %iota3A, %add3A_446 : vector<16xi32>
      tpu.vector_store_idx %arg9[%get3A_27, %add3A_447], %get3A_444 {add = true} : memref<16x512xf32, #tpu.memory_space<vmem>>[vector<16xi32>, vector<16xi32>], vector<16xf32>,
      %get3A_448 = arith.constant 60 : i32
      %get3A_449 = arith.index_cast %get3A_448 : i32 to index
      %get3A_450 = arith.index_cast %mul3A_26 : i32 to index
      %get3A_451 = tpu.vector_load %arg7[%get3A_449, %get3A_450] {strides = array<i32>} : memref<64x512xf32, #tpu.memory_space<vmem>>, vector<16xf32>,
      %add3A_452 = arith.constant 480 : i32
      %add3A_453 = vector.broadcast %add3A_452 : i32 to vector<16xi32>
      %add3A_454 = arith.addi %iota3A, %add3A_453 : vector<16xi32>
      tpu.vector_store_idx %arg8[%get3A_27, %add3A_454], %get3A_451 {add = true} : memref<16x512xf32, #tpu.memory_space<vmem>>[vector<16xi32>, vector<16xi32>], vector<16xf32>,
      %get3A_455 = arith.constant 61 : i32
      %get3A_456 = arith.index_cast %get3A_455 : i32 to index
      %get3A_457 = arith.index_cast %mul3A_26 : i32 to index
      %get3A_458 = tpu.vector_load %arg7[%get3A_456, %get3A_457] {strides = array<i32>} : memref<64x512xf32, #tpu.memory_space<vmem>>, vector<16xf32>,
      %add3A_459 = arith.constant 480 : i32
      %add3A_460 = vector.broadcast %add3A_459 : i32 to vector<16xi32>
      %add3A_461 = arith.addi %iota3A, %add3A_460 : vector<16xi32>
      tpu.vector_store_idx %arg9[%get3A_27, %add3A_461], %get3A_458 {add = true} : memref<16x512xf32, #tpu.memory_space<vmem>>[vector<16xi32>, vector<16xi32>], vector<16xf32>,
      %get3A_462 = arith.constant 62 : i32
      %get3A_463 = arith.index_cast %get3A_462 : i32 to index
      %get3A_464 = arith.index_cast %mul3A_26 : i32 to index
      %get3A_465 = tpu.vector_load %arg7[%get3A_463, %get3A_464] {strides = array<i32>} : memref<64x512xf32, #tpu.memory_space<vmem>>, vector<16xf32>,
      %add3A_466 = arith.constant 496 : i32
      %add3A_467 = vector.broadcast %add3A_466 : i32 to vector<16xi32>
      %add3A_468 = arith.addi %iota3A, %add3A_467 : vector<16xi32>
      tpu.vector_store_idx %arg8[%get3A_27, %add3A_468], %get3A_465 {add = true} : memref<16x512xf32, #tpu.memory_space<vmem>>[vector<16xi32>, vector<16xi32>], vector<16xf32>,
      %get3A_469 = arith.constant 63 : i32
      %get3A_470 = arith.index_cast %get3A_469 : i32 to index
      %get3A_471 = arith.index_cast %mul3A_26 : i32 to index
      %get3A_472 = tpu.vector_load %arg7[%get3A_470, %get3A_471] {strides = array<i32>} : memref<64x512xf32, #tpu.memory_space<vmem>>, vector<16xf32>,
      %add3A_473 = arith.constant 496 : i32
      %add3A_474 = vector.broadcast %add3A_473 : i32 to vector<16xi32>
      %add3A_475 = arith.addi %iota3A, %add3A_474 : vector<16xi32>
      tpu.vector_store_idx %arg9[%get3A_27, %add3A_475], %get3A_472 {add = true} : memref<16x512xf32, #tpu.memory_space<vmem>>[vector<16xi32>, vector<16xi32>], vector<16xf32>,
      %scan3A_476 = arith.constant 0 : i32
      scf.yield %scan3A_476 : i32
    }
    %scan3A_20 = arith.constant 32 : i32
    "tpu.region"() ({
      %run_scoped3A = tpu.sem_alloc : memref<!tpu.dma_semaphore, #tpu.memory_space<semaphore_mem>>
      %dma_start3A = arith.constant 0 : i32
      %dma_start3A_21 = arith.constant 0 : i32
      %dma_start3A_22 = tpu.memref_slice %arg4[%add3A, %dma_start3A, %dma_start3A_21] : memref<32x16x1024xf32, #tpu.memory_space<hbm>> -> memref<1x16x512xf32, #tpu.memory_space<hbm>>
      %dma_start3A_23 = tpu.memref_squeeze %dma_start3A_22 : memref<1x16x512xf32, #tpu.memory_space<hbm>> -> memref<16x512xf32, #tpu.memory_space<hbm>>
      %dma_start3A_24 = arith.constant 0 : i32
      %dma_start3A_25 = arith.constant 0 : i32
      %dma_start3A_26 = tpu.memref_slice %arg4[%add3A, %dma_start3A_24, %dma_start3A_25] : memref<32x16x1024xf32, #tpu.memory_space<hbm>> -> memref<1x16x512xf32, #tpu.memory_space<hbm>>
      %dma_start3A_27 = tpu.memref_squeeze %dma_start3A_26 : memref<1x16x512xf32, #tpu.memory_space<hbm>> -> memref<16x512xf32, #tpu.memory_space<hbm>>
      tpu.enqueue_dma source(%arg8 : memref<16x512xf32, #tpu.memory_space<vmem>>) target(%dma_start3A_27 : memref<16x512xf32, #tpu.memory_space<hbm>>) target_semaphore(%run_scoped3A : memref<!tpu.dma_semaphore, #tpu.memory_space<semaphore_mem>>)
      %dma_wait3A = arith.constant 0 : i32
      %dma_wait3A_28 = arith.constant 0 : i32
      %dma_wait3A_29 = tpu.memref_slice %arg4[%add3A, %dma_wait3A, %dma_wait3A_28] : memref<32x16x1024xf32, #tpu.memory_space<hbm>> -> memref<1x16x512xf32, #tpu.memory_space<hbm>>
      %dma_wait3A_30 = tpu.memref_squeeze %dma_wait3A_29 : memref<1x16x512xf32, #tpu.memory_space<hbm>> -> memref<16x512xf32, #tpu.memory_space<hbm>>
      %dma_wait3A_31 = arith.constant 0 : i32
      %dma_wait3A_32 = arith.constant 0 : i32
      %dma_wait3A_33 = tpu.memref_slice %arg4[%add3A, %dma_wait3A_31, %dma_wait3A_32] : memref<32x16x1024xf32, #tpu.memory_space<hbm>> -> memref<1x16x512xf32, #tpu.memory_space<hbm>>
      %dma_wait3A_34 = tpu.memref_squeeze %dma_wait3A_33 : memref<1x16x512xf32, #tpu.memory_space<hbm>> -> memref<16x512xf32, #tpu.memory_space<hbm>>
      tpu.wait_dma2 semaphore(%run_scoped3A : memref<!tpu.dma_semaphore, #tpu.memory_space<semaphore_mem>>) src(%arg8 : memref<16x512xf32, #tpu.memory_space<vmem>>) dst(%dma_wait3A_34 : memref<16x512xf32, #tpu.memory_space<hbm>>)
      tpu.yield
    }) : () -> ()
    "tpu.region"() ({
      %run_scoped3A = tpu.sem_alloc : memref<!tpu.dma_semaphore, #tpu.memory_space<semaphore_mem>>
      %dma_start3A = arith.constant 0 : i32
      %dma_start3A_21 = arith.constant 512 : i32
      %dma_start3A_22 = tpu.memref_slice %arg4[%add3A, %dma_start3A, %dma_start3A_21] : memref<32x16x1024xf32, #tpu.memory_space<hbm>> -> memref<1x16x512xf32, #tpu.memory_space<hbm>>
      %dma_start3A_23 = tpu.memref_squeeze %dma_start3A_22 : memref<1x16x512xf32, #tpu.memory_space<hbm>> -> memref<16x512xf32, #tpu.memory_space<hbm>>
      %dma_start3A_24 = arith.constant 0 : i32
      %dma_start3A_25 = arith.constant 512 : i32
      %dma_start3A_26 = tpu.memref_slice %arg4[%add3A, %dma_start3A_24, %dma_start3A_25] : memref<32x16x1024xf32, #tpu.memory_space<hbm>> -> memref<1x16x512xf32, #tpu.memory_space<hbm>>
      %dma_start3A_27 = tpu.memref_squeeze %dma_start3A_26 : memref<1x16x512xf32, #tpu.memory_space<hbm>> -> memref<16x512xf32, #tpu.memory_space<hbm>>
      tpu.enqueue_dma source(%arg9 : memref<16x512xf32, #tpu.memory_space<vmem>>) target(%dma_start3A_27 : memref<16x512xf32, #tpu.memory_space<hbm>>) target_semaphore(%run_scoped3A : memref<!tpu.dma_semaphore, #tpu.memory_space<semaphore_mem>>)
      %dma_wait3A = arith.constant 0 : i32
      %dma_wait3A_28 = arith.constant 512 : i32
      %dma_wait3A_29 = tpu.memref_slice %arg4[%add3A, %dma_wait3A, %dma_wait3A_28] : memref<32x16x1024xf32, #tpu.memory_space<hbm>> -> memref<1x16x512xf32, #tpu.memory_space<hbm>>
      %dma_wait3A_30 = tpu.memref_squeeze %dma_wait3A_29 : memref<1x16x512xf32, #tpu.memory_space<hbm>> -> memref<16x512xf32, #tpu.memory_space<hbm>>
      %dma_wait3A_31 = arith.constant 0 : i32
      %dma_wait3A_32 = arith.constant 512 : i32
      %dma_wait3A_33 = tpu.memref_slice %arg4[%add3A, %dma_wait3A_31, %dma_wait3A_32] : memref<32x16x1024xf32, #tpu.memory_space<hbm>> -> memref<1x16x512xf32, #tpu.memory_space<hbm>>
      %dma_wait3A_34 = tpu.memref_squeeze %dma_wait3A_33 : memref<1x16x512xf32, #tpu.memory_space<hbm>> -> memref<16x512xf32, #tpu.memory_space<hbm>>
      tpu.wait_dma2 semaphore(%run_scoped3A : memref<!tpu.dma_semaphore, #tpu.memory_space<semaphore_mem>>) src(%arg9 : memref<16x512xf32, #tpu.memory_space<vmem>>) dst(%dma_wait3A_34 : memref<16x512xf32, #tpu.memory_space<hbm>>)
      tpu.yield
    }) : () -> ()
    "tpu.region"() ({
      %run_scoped3A = tpu.sem_alloc : memref<!tpu.dma_semaphore, #tpu.memory_space<semaphore_mem>>
      %dma_start3A = arith.constant 0 : i32
      %dma_start3A_21 = arith.constant 0 : i32
      %dma_start3A_22 = tpu.memref_slice %arg5[%add3A, %dma_start3A, %dma_start3A_21] : memref<32x16x16xf32, #tpu.memory_space<hbm>> -> memref<1x16x16xf32, #tpu.memory_space<hbm>>
      %dma_start3A_23 = tpu.memref_squeeze %dma_start3A_22 : memref<1x16x16xf32, #tpu.memory_space<hbm>> -> memref<16x16xf32, #tpu.memory_space<hbm>>
      %dma_start3A_24 = arith.constant 0 : i32
      %dma_start3A_25 = arith.constant 0 : i32
      %dma_start3A_26 = tpu.memref_slice %arg5[%add3A, %dma_start3A_24, %dma_start3A_25] : memref<32x16x16xf32, #tpu.memory_space<hbm>> -> memref<1x16x16xf32, #tpu.memory_space<hbm>>
      %dma_start3A_27 = tpu.memref_squeeze %dma_start3A_26 : memref<1x16x16xf32, #tpu.memory_space<hbm>> -> memref<16x16xf32, #tpu.memory_space<hbm>>
      tpu.enqueue_dma source(%arg10 : memref<16x16xf32, #tpu.memory_space<vmem>>) target(%dma_start3A_27 : memref<16x16xf32, #tpu.memory_space<hbm>>) target_semaphore(%run_scoped3A : memref<!tpu.dma_semaphore, #tpu.memory_space<semaphore_mem>>)
      %dma_wait3A = arith.constant 0 : i32
      %dma_wait3A_28 = arith.constant 0 : i32
      %dma_wait3A_29 = tpu.memref_slice %arg5[%add3A, %dma_wait3A, %dma_wait3A_28] : memref<32x16x16xf32, #tpu.memory_space<hbm>> -> memref<1x16x16xf32, #tpu.memory_space<hbm>>
      %dma_wait3A_30 = tpu.memref_squeeze %dma_wait3A_29 : memref<1x16x16xf32, #tpu.memory_space<hbm>> -> memref<16x16xf32, #tpu.memory_space<hbm>>
      %dma_wait3A_31 = arith.constant 0 : i32
      %dma_wait3A_32 = arith.constant 0 : i32
      %dma_wait3A_33 = tpu.memref_slice %arg5[%add3A, %dma_wait3A_31, %dma_wait3A_32] : memref<32x16x16xf32, #tpu.memory_space<hbm>> -> memref<1x16x16xf32, #tpu.memory_space<hbm>>
      %dma_wait3A_34 = tpu.memref_squeeze %dma_wait3A_33 : memref<1x16x16xf32, #tpu.memory_space<hbm>> -> memref<16x16xf32, #tpu.memory_space<hbm>>
      tpu.wait_dma2 semaphore(%run_scoped3A : memref<!tpu.dma_semaphore, #tpu.memory_space<semaphore_mem>>) src(%arg10 : memref<16x16xf32, #tpu.memory_space<vmem>>) dst(%dma_wait3A_34 : memref<16x16xf32, #tpu.memory_space<hbm>>)
      tpu.yield
    }) : () -> ()
    return
  }
}

#map = affine_map<(d0, d1) -> (0, 0)>
#map1 = affine_map<(d0, d1) -> (0)>
#map2 = affine_map<(d0, d1) -> (0, 0, 0)>
module attributes {stable_mosaic.version = 14 : i64} {
  func.func @sc_segment_sums_h0(%arg0: i32, %arg1: i32, %arg2: memref<64x16384xf32, #tpu.memory_space<hbm>>, %arg3: memref<32768xi32, #tpu.memory_space<hbm>>, %arg4: memref<32x16x1024xf32, #tpu.memory_space<hbm>>, %arg5: memref<32x16x16xf32, #tpu.memory_space<hbm>>, %arg6: memref<512xi32, #tpu.memory_space<vmem>>, %arg7: memref<64x512xf32, #tpu.memory_space<vmem>>, %arg8: memref<16x512xf32, #tpu.memory_space<vmem>>, %arg9: memref<16x512xf32, #tpu.memory_space<vmem>>, %arg10: memref<16x16xf32, #tpu.memory_space<vmem>>) attributes {dimension_semantics = [#tpu.dimension_semantics<core_parallel>, #tpu.dimension_semantics<subcore_parallel>], iteration_bounds = array<i64: 2, 16>, scalar_prefetch = 0 : i64, scratch_operands = 5 : i64, tpu.core_type = #tpu.core_type<sc_vector_subcore>, window_params = [{transform_indices = #map}, {transform_indices = #map1}, {transform_indices = #map2}, {transform_indices = #map2}]} {
    %mul3A = arith.constant 2 : i32
    %mul3A_0 = arith.muli %arg1, %mul3A : i32
    %add3A = arith.addi %mul3A_0, %arg0 : i32
    %mul3A_1 = arith.constant 512 : i32
    %mul3A_2 = arith.muli %add3A, %mul3A_1 : i32
    %add3A_3 = arith.constant 0 : i32
    %add3A_4 = arith.addi %add3A_3, %mul3A_2 : i32
    "tpu.region"() ({
      %run_scoped3A = tpu.sem_alloc : memref<!tpu.dma_semaphore, #tpu.memory_space<semaphore_mem>>
      %dma_start3A = tpu.memref_slice %arg3[%add3A_4] : memref<32768xi32, #tpu.memory_space<hbm>> -> memref<512xi32, #tpu.memory_space<hbm>>
      %dma_start3A_21 = tpu.memref_slice %arg3[%add3A_4] : memref<32768xi32, #tpu.memory_space<hbm>> -> memref<512xi32, #tpu.memory_space<hbm>>
      tpu.enqueue_dma source(%dma_start3A_21 : memref<512xi32, #tpu.memory_space<hbm>>) target(%arg6 : memref<512xi32, #tpu.memory_space<vmem>>) target_semaphore(%run_scoped3A : memref<!tpu.dma_semaphore, #tpu.memory_space<semaphore_mem>>)
      %dma_wait3A = tpu.memref_slice %arg3[%add3A_4] : memref<32768xi32, #tpu.memory_space<hbm>> -> memref<512xi32, #tpu.memory_space<hbm>>
      %dma_wait3A_22 = tpu.memref_slice %arg3[%add3A_4] : memref<32768xi32, #tpu.memory_space<hbm>> -> memref<512xi32, #tpu.memory_space<hbm>>
      tpu.wait_dma2 semaphore(%run_scoped3A : memref<!tpu.dma_semaphore, #tpu.memory_space<semaphore_mem>>) src(%dma_wait3A_22 : memref<512xi32, #tpu.memory_space<hbm>>) dst(%arg6 : memref<512xi32, #tpu.memory_space<vmem>>)
      tpu.yield
    }) : () -> ()
    %mul3A_5 = arith.constant 512 : i32
    %mul3A_6 = arith.muli %add3A, %mul3A_5 : i32
    "tpu.region"() ({
      %run_scoped3A = tpu.sem_alloc : memref<!tpu.dma_semaphore, #tpu.memory_space<semaphore_mem>>
      %dma_start3A = arith.constant 0 : i32
      %dma_start3A_21 = tpu.memref_slice %arg2[%dma_start3A, %mul3A_6] : memref<64x16384xf32, #tpu.memory_space<hbm>> -> memref<64x512xf32, #tpu.memory_space<hbm>>
      %dma_start3A_22 = arith.constant 0 : i32
      %dma_start3A_23 = tpu.memref_slice %arg2[%dma_start3A_22, %mul3A_6] : memref<64x16384xf32, #tpu.memory_space<hbm>> -> memref<64x512xf32, #tpu.memory_space<hbm>>
      tpu.enqueue_dma source(%dma_start3A_23 : memref<64x512xf32, #tpu.memory_space<hbm>>) target(%arg7 : memref<64x512xf32, #tpu.memory_space<vmem>>) target_semaphore(%run_scoped3A : memref<!tpu.dma_semaphore, #tpu.memory_space<semaphore_mem>>)
      %dma_wait3A = arith.constant 0 : i32
      %dma_wait3A_24 = tpu.memref_slice %arg2[%dma_wait3A, %mul3A_6] : memref<64x16384xf32, #tpu.memory_space<hbm>> -> memref<64x512xf32, #tpu.memory_space<hbm>>
      %dma_wait3A_25 = arith.constant 0 : i32
      %dma_wait3A_26 = tpu.memref_slice %arg2[%dma_wait3A_25, %mul3A_6] : memref<64x16384xf32, #tpu.memory_space<hbm>> -> memref<64x512xf32, #tpu.memory_space<hbm>>
      tpu.wait_dma2 semaphore(%run_scoped3A : memref<!tpu.dma_semaphore, #tpu.memory_space<semaphore_mem>>) src(%dma_wait3A_26 : memref<64x512xf32, #tpu.memory_space<hbm>>) dst(%arg7 : memref<64x512xf32, #tpu.memory_space<vmem>>)
      tpu.yield
    }) : () -> ()
    %broadcast_in_dim3A = arith.constant 0.000000e+00 : f32
    %broadcast_in_dim3A_7 = vector.broadcast %broadcast_in_dim3A : f32 to vector<16xf32>
    %scan3A = arith.constant 0 : i32
    %scan3A_8 = arith.constant 0 : i32
    %scan3A_9 = arith.constant 16 : i32
    %scan3A_10 = arith.addi %scan3A_8, %scan3A_9 : i32
    %scan3A_11 = arith.constant 1 : i32
    %scan3A_12 = scf.for %scan3A_21 = %scan3A_8 to %scan3A_10 step %scan3A_11 iter_args(%scan3A_22 = %scan3A) -> (i32)  : i32 {
      %swap3A = arith.index_cast %scan3A_21 : i32 to index
      %swap3A_23 = arith.constant 0 : index
      %swap3A_24 = tpu.vector_load %arg8[%swap3A, %swap3A_23] {strides = array<i32>} : memref<16x512xf32, #tpu.memory_space<vmem>>, vector<16xf32>,
      tpu.vector_store %arg8[%swap3A, %swap3A_23], %broadcast_in_dim3A_7 {strides = array<i32>} : memref<16x512xf32, #tpu.memory_space<vmem>>, vector<16xf32>,
      %swap3A_25 = arith.index_cast %scan3A_21 : i32 to index
      %swap3A_26 = arith.constant 0 : index
      %swap3A_27 = tpu.vector_load %arg9[%swap3A_25, %swap3A_26] {strides = array<i32>} : memref<16x512xf32, #tpu.memory_space<vmem>>, vector<16xf32>,
      tpu.vector_store %arg9[%swap3A_25, %swap3A_26], %broadcast_in_dim3A_7 {strides = array<i32>} : memref<16x512xf32, #tpu.memory_space<vmem>>, vector<16xf32>,
      %swap3A_28 = arith.index_cast %scan3A_21 : i32 to index
      %swap3A_29 = arith.constant 16 : index
      %swap3A_30 = tpu.vector_load %arg8[%swap3A_28, %swap3A_29] {strides = array<i32>} : memref<16x512xf32, #tpu.memory_space<vmem>>, vector<16xf32>,
      tpu.vector_store %arg8[%swap3A_28, %swap3A_29], %broadcast_in_dim3A_7 {strides = array<i32>} : memref<16x512xf32, #tpu.memory_space<vmem>>, vector<16xf32>,
      %swap3A_31 = arith.index_cast %scan3A_21 : i32 to index
      %swap3A_32 = arith.constant 16 : index
      %swap3A_33 = tpu.vector_load %arg9[%swap3A_31, %swap3A_32] {strides = array<i32>} : memref<16x512xf32, #tpu.memory_space<vmem>>, vector<16xf32>,
      tpu.vector_store %arg9[%swap3A_31, %swap3A_32], %broadcast_in_dim3A_7 {strides = array<i32>} : memref<16x512xf32, #tpu.memory_space<vmem>>, vector<16xf32>,
      %swap3A_34 = arith.index_cast %scan3A_21 : i32 to index
      %swap3A_35 = arith.constant 32 : index
      %swap3A_36 = tpu.vector_load %arg8[%swap3A_34, %swap3A_35] {strides = array<i32>} : memref<16x512xf32, #tpu.memory_space<vmem>>, vector<16xf32>,
      tpu.vector_store %arg8[%swap3A_34, %swap3A_35], %broadcast_in_dim3A_7 {strides = array<i32>} : memref<16x512xf32, #tpu.memory_space<vmem>>, vector<16xf32>,
      %swap3A_37 = arith.index_cast %scan3A_21 : i32 to index
      %swap3A_38 = arith.constant 32 : index
      %swap3A_39 = tpu.vector_load %arg9[%swap3A_37, %swap3A_38] {strides = array<i32>} : memref<16x512xf32, #tpu.memory_space<vmem>>, vector<16xf32>,
      tpu.vector_store %arg9[%swap3A_37, %swap3A_38], %broadcast_in_dim3A_7 {strides = array<i32>} : memref<16x512xf32, #tpu.memory_space<vmem>>, vector<16xf32>,
      %swap3A_40 = arith.index_cast %scan3A_21 : i32 to index
      %swap3A_41 = arith.constant 48 : index
      %swap3A_42 = tpu.vector_load %arg8[%swap3A_40, %swap3A_41] {strides = array<i32>} : memref<16x512xf32, #tpu.memory_space<vmem>>, vector<16xf32>,
      tpu.vector_store %arg8[%swap3A_40, %swap3A_41], %broadcast_in_dim3A_7 {strides = array<i32>} : memref<16x512xf32, #tpu.memory_space<vmem>>, vector<16xf32>,
      %swap3A_43 = arith.index_cast %scan3A_21 : i32 to index
      %swap3A_44 = arith.constant 48 : index
      %swap3A_45 = tpu.vector_load %arg9[%swap3A_43, %swap3A_44] {strides = array<i32>} : memref<16x512xf32, #tpu.memory_space<vmem>>, vector<16xf32>,
      tpu.vector_store %arg9[%swap3A_43, %swap3A_44], %broadcast_in_dim3A_7 {strides = array<i32>} : memref<16x512xf32, #tpu.memory_space<vmem>>, vector<16xf32>,
      %swap3A_46 = arith.index_cast %scan3A_21 : i32 to index
      %swap3A_47 = arith.constant 64 : index
      %swap3A_48 = tpu.vector_load %arg8[%swap3A_46, %swap3A_47] {strides = array<i32>} : memref<16x512xf32, #tpu.memory_space<vmem>>, vector<16xf32>,
      tpu.vector_store %arg8[%swap3A_46, %swap3A_47], %broadcast_in_dim3A_7 {strides = array<i32>} : memref<16x512xf32, #tpu.memory_space<vmem>>, vector<16xf32>,
      %swap3A_49 = arith.index_cast %scan3A_21 : i32 to index
      %swap3A_50 = arith.constant 64 : index
      %swap3A_51 = tpu.vector_load %arg9[%swap3A_49, %swap3A_50] {strides = array<i32>} : memref<16x512xf32, #tpu.memory_space<vmem>>, vector<16xf32>,
      tpu.vector_store %arg9[%swap3A_49, %swap3A_50], %broadcast_in_dim3A_7 {strides = array<i32>} : memref<16x512xf32, #tpu.memory_space<vmem>>, vector<16xf32>,
      %swap3A_52 = arith.index_cast %scan3A_21 : i32 to index
      %swap3A_53 = arith.constant 80 : index
      %swap3A_54 = tpu.vector_load %arg8[%swap3A_52, %swap3A_53] {strides = array<i32>} : memref<16x512xf32, #tpu.memory_space<vmem>>, vector<16xf32>,
      tpu.vector_store %arg8[%swap3A_52, %swap3A_53], %broadcast_in_dim3A_7 {strides = array<i32>} : memref<16x512xf32, #tpu.memory_space<vmem>>, vector<16xf32>,
      %swap3A_55 = arith.index_cast %scan3A_21 : i32 to index
      %swap3A_56 = arith.constant 80 : index
      %swap3A_57 = tpu.vector_load %arg9[%swap3A_55, %swap3A_56] {strides = array<i32>} : memref<16x512xf32, #tpu.memory_space<vmem>>, vector<16xf32>,
      tpu.vector_store %arg9[%swap3A_55, %swap3A_56], %broadcast_in_dim3A_7 {strides = array<i32>} : memref<16x512xf32, #tpu.memory_space<vmem>>, vector<16xf32>,
      %swap3A_58 = arith.index_cast %scan3A_21 : i32 to index
      %swap3A_59 = arith.constant 96 : index
      %swap3A_60 = tpu.vector_load %arg8[%swap3A_58, %swap3A_59] {strides = array<i32>} : memref<16x512xf32, #tpu.memory_space<vmem>>, vector<16xf32>,
      tpu.vector_store %arg8[%swap3A_58, %swap3A_59], %broadcast_in_dim3A_7 {strides = array<i32>} : memref<16x512xf32, #tpu.memory_space<vmem>>, vector<16xf32>,
      %swap3A_61 = arith.index_cast %scan3A_21 : i32 to index
      %swap3A_62 = arith.constant 96 : index
      %swap3A_63 = tpu.vector_load %arg9[%swap3A_61, %swap3A_62] {strides = array<i32>} : memref<16x512xf32, #tpu.memory_space<vmem>>, vector<16xf32>,
      tpu.vector_store %arg9[%swap3A_61, %swap3A_62], %broadcast_in_dim3A_7 {strides = array<i32>} : memref<16x512xf32, #tpu.memory_space<vmem>>, vector<16xf32>,
      %swap3A_64 = arith.index_cast %scan3A_21 : i32 to index
      %swap3A_65 = arith.constant 112 : index
      %swap3A_66 = tpu.vector_load %arg8[%swap3A_64, %swap3A_65] {strides = array<i32>} : memref<16x512xf32, #tpu.memory_space<vmem>>, vector<16xf32>,
      tpu.vector_store %arg8[%swap3A_64, %swap3A_65], %broadcast_in_dim3A_7 {strides = array<i32>} : memref<16x512xf32, #tpu.memory_space<vmem>>, vector<16xf32>,
      %swap3A_67 = arith.index_cast %scan3A_21 : i32 to index
      %swap3A_68 = arith.constant 112 : index
      %swap3A_69 = tpu.vector_load %arg9[%swap3A_67, %swap3A_68] {strides = array<i32>} : memref<16x512xf32, #tpu.memory_space<vmem>>, vector<16xf32>,
      tpu.vector_store %arg9[%swap3A_67, %swap3A_68], %broadcast_in_dim3A_7 {strides = array<i32>} : memref<16x512xf32, #tpu.memory_space<vmem>>, vector<16xf32>,
      %swap3A_70 = arith.index_cast %scan3A_21 : i32 to index
      %swap3A_71 = arith.constant 128 : index
      %swap3A_72 = tpu.vector_load %arg8[%swap3A_70, %swap3A_71] {strides = array<i32>} : memref<16x512xf32, #tpu.memory_space<vmem>>, vector<16xf32>,
      tpu.vector_store %arg8[%swap3A_70, %swap3A_71], %broadcast_in_dim3A_7 {strides = array<i32>} : memref<16x512xf32, #tpu.memory_space<vmem>>, vector<16xf32>,
      %swap3A_73 = arith.index_cast %scan3A_21 : i32 to index
      %swap3A_74 = arith.constant 128 : index
      %swap3A_75 = tpu.vector_load %arg9[%swap3A_73, %swap3A_74] {strides = array<i32>} : memref<16x512xf32, #tpu.memory_space<vmem>>, vector<16xf32>,
      tpu.vector_store %arg9[%swap3A_73, %swap3A_74], %broadcast_in_dim3A_7 {strides = array<i32>} : memref<16x512xf32, #tpu.memory_space<vmem>>, vector<16xf32>,
      %swap3A_76 = arith.index_cast %scan3A_21 : i32 to index
      %swap3A_77 = arith.constant 144 : index
      %swap3A_78 = tpu.vector_load %arg8[%swap3A_76, %swap3A_77] {strides = array<i32>} : memref<16x512xf32, #tpu.memory_space<vmem>>, vector<16xf32>,
      tpu.vector_store %arg8[%swap3A_76, %swap3A_77], %broadcast_in_dim3A_7 {strides = array<i32>} : memref<16x512xf32, #tpu.memory_space<vmem>>, vector<16xf32>,
      %swap3A_79 = arith.index_cast %scan3A_21 : i32 to index
      %swap3A_80 = arith.constant 144 : index
      %swap3A_81 = tpu.vector_load %arg9[%swap3A_79, %swap3A_80] {strides = array<i32>} : memref<16x512xf32, #tpu.memory_space<vmem>>, vector<16xf32>,
      tpu.vector_store %arg9[%swap3A_79, %swap3A_80], %broadcast_in_dim3A_7 {strides = array<i32>} : memref<16x512xf32, #tpu.memory_space<vmem>>, vector<16xf32>,
      %swap3A_82 = arith.index_cast %scan3A_21 : i32 to index
      %swap3A_83 = arith.constant 160 : index
      %swap3A_84 = tpu.vector_load %arg8[%swap3A_82, %swap3A_83] {strides = array<i32>} : memref<16x512xf32, #tpu.memory_space<vmem>>, vector<16xf32>,
      tpu.vector_store %arg8[%swap3A_82, %swap3A_83], %broadcast_in_dim3A_7 {strides = array<i32>} : memref<16x512xf32, #tpu.memory_space<vmem>>, vector<16xf32>,
      %swap3A_85 = arith.index_cast %scan3A_21 : i32 to index
      %swap3A_86 = arith.constant 160 : index
      %swap3A_87 = tpu.vector_load %arg9[%swap3A_85, %swap3A_86] {strides = array<i32>} : memref<16x512xf32, #tpu.memory_space<vmem>>, vector<16xf32>,
      tpu.vector_store %arg9[%swap3A_85, %swap3A_86], %broadcast_in_dim3A_7 {strides = array<i32>} : memref<16x512xf32, #tpu.memory_space<vmem>>, vector<16xf32>,
      %swap3A_88 = arith.index_cast %scan3A_21 : i32 to index
      %swap3A_89 = arith.constant 176 : index
      %swap3A_90 = tpu.vector_load %arg8[%swap3A_88, %swap3A_89] {strides = array<i32>} : memref<16x512xf32, #tpu.memory_space<vmem>>, vector<16xf32>,
      tpu.vector_store %arg8[%swap3A_88, %swap3A_89], %broadcast_in_dim3A_7 {strides = array<i32>} : memref<16x512xf32, #tpu.memory_space<vmem>>, vector<16xf32>,
      %swap3A_91 = arith.index_cast %scan3A_21 : i32 to index
      %swap3A_92 = arith.constant 176 : index
      %swap3A_93 = tpu.vector_load %arg9[%swap3A_91, %swap3A_92] {strides = array<i32>} : memref<16x512xf32, #tpu.memory_space<vmem>>, vector<16xf32>,
      tpu.vector_store %arg9[%swap3A_91, %swap3A_92], %broadcast_in_dim3A_7 {strides = array<i32>} : memref<16x512xf32, #tpu.memory_space<vmem>>, vector<16xf32>,
      %swap3A_94 = arith.index_cast %scan3A_21 : i32 to index
      %swap3A_95 = arith.constant 192 : index
      %swap3A_96 = tpu.vector_load %arg8[%swap3A_94, %swap3A_95] {strides = array<i32>} : memref<16x512xf32, #tpu.memory_space<vmem>>, vector<16xf32>,
      tpu.vector_store %arg8[%swap3A_94, %swap3A_95], %broadcast_in_dim3A_7 {strides = array<i32>} : memref<16x512xf32, #tpu.memory_space<vmem>>, vector<16xf32>,
      %swap3A_97 = arith.index_cast %scan3A_21 : i32 to index
      %swap3A_98 = arith.constant 192 : index
      %swap3A_99 = tpu.vector_load %arg9[%swap3A_97, %swap3A_98] {strides = array<i32>} : memref<16x512xf32, #tpu.memory_space<vmem>>, vector<16xf32>,
      tpu.vector_store %arg9[%swap3A_97, %swap3A_98], %broadcast_in_dim3A_7 {strides = array<i32>} : memref<16x512xf32, #tpu.memory_space<vmem>>, vector<16xf32>,
      %swap3A_100 = arith.index_cast %scan3A_21 : i32 to index
      %swap3A_101 = arith.constant 208 : index
      %swap3A_102 = tpu.vector_load %arg8[%swap3A_100, %swap3A_101] {strides = array<i32>} : memref<16x512xf32, #tpu.memory_space<vmem>>, vector<16xf32>,
      tpu.vector_store %arg8[%swap3A_100, %swap3A_101], %broadcast_in_dim3A_7 {strides = array<i32>} : memref<16x512xf32, #tpu.memory_space<vmem>>, vector<16xf32>,
      %swap3A_103 = arith.index_cast %scan3A_21 : i32 to index
      %swap3A_104 = arith.constant 208 : index
      %swap3A_105 = tpu.vector_load %arg9[%swap3A_103, %swap3A_104] {strides = array<i32>} : memref<16x512xf32, #tpu.memory_space<vmem>>, vector<16xf32>,
      tpu.vector_store %arg9[%swap3A_103, %swap3A_104], %broadcast_in_dim3A_7 {strides = array<i32>} : memref<16x512xf32, #tpu.memory_space<vmem>>, vector<16xf32>,
      %swap3A_106 = arith.index_cast %scan3A_21 : i32 to index
      %swap3A_107 = arith.constant 224 : index
      %swap3A_108 = tpu.vector_load %arg8[%swap3A_106, %swap3A_107] {strides = array<i32>} : memref<16x512xf32, #tpu.memory_space<vmem>>, vector<16xf32>,
      tpu.vector_store %arg8[%swap3A_106, %swap3A_107], %broadcast_in_dim3A_7 {strides = array<i32>} : memref<16x512xf32, #tpu.memory_space<vmem>>, vector<16xf32>,
      %swap3A_109 = arith.index_cast %scan3A_21 : i32 to index
      %swap3A_110 = arith.constant 224 : index
      %swap3A_111 = tpu.vector_load %arg9[%swap3A_109, %swap3A_110] {strides = array<i32>} : memref<16x512xf32, #tpu.memory_space<vmem>>, vector<16xf32>,
      tpu.vector_store %arg9[%swap3A_109, %swap3A_110], %broadcast_in_dim3A_7 {strides = array<i32>} : memref<16x512xf32, #tpu.memory_space<vmem>>, vector<16xf32>,
      %swap3A_112 = arith.index_cast %scan3A_21 : i32 to index
      %swap3A_113 = arith.constant 240 : index
      %swap3A_114 = tpu.vector_load %arg8[%swap3A_112, %swap3A_113] {strides = array<i32>} : memref<16x512xf32, #tpu.memory_space<vmem>>, vector<16xf32>,
      tpu.vector_store %arg8[%swap3A_112, %swap3A_113], %broadcast_in_dim3A_7 {strides = array<i32>} : memref<16x512xf32, #tpu.memory_space<vmem>>, vector<16xf32>,
      %swap3A_115 = arith.index_cast %scan3A_21 : i32 to index
      %swap3A_116 = arith.constant 240 : index
      %swap3A_117 = tpu.vector_load %arg9[%swap3A_115, %swap3A_116] {strides = array<i32>} : memref<16x512xf32, #tpu.memory_space<vmem>>, vector<16xf32>,
      tpu.vector_store %arg9[%swap3A_115, %swap3A_116], %broadcast_in_dim3A_7 {strides = array<i32>} : memref<16x512xf32, #tpu.memory_space<vmem>>, vector<16xf32>,
      %swap3A_118 = arith.index_cast %scan3A_21 : i32 to index
      %swap3A_119 = arith.constant 256 : index
      %swap3A_120 = tpu.vector_load %arg8[%swap3A_118, %swap3A_119] {strides = array<i32>} : memref<16x512xf32, #tpu.memory_space<vmem>>, vector<16xf32>,
      tpu.vector_store %arg8[%swap3A_118, %swap3A_119], %broadcast_in_dim3A_7 {strides = array<i32>} : memref<16x512xf32, #tpu.memory_space<vmem>>, vector<16xf32>,
      %swap3A_121 = arith.index_cast %scan3A_21 : i32 to index
      %swap3A_122 = arith.constant 256 : index
      %swap3A_123 = tpu.vector_load %arg9[%swap3A_121, %swap3A_122] {strides = array<i32>} : memref<16x512xf32, #tpu.memory_space<vmem>>, vector<16xf32>,
      tpu.vector_store %arg9[%swap3A_121, %swap3A_122], %broadcast_in_dim3A_7 {strides = array<i32>} : memref<16x512xf32, #tpu.memory_space<vmem>>, vector<16xf32>,
      %swap3A_124 = arith.index_cast %scan3A_21 : i32 to index
      %swap3A_125 = arith.constant 272 : index
      %swap3A_126 = tpu.vector_load %arg8[%swap3A_124, %swap3A_125] {strides = array<i32>} : memref<16x512xf32, #tpu.memory_space<vmem>>, vector<16xf32>,
      tpu.vector_store %arg8[%swap3A_124, %swap3A_125], %broadcast_in_dim3A_7 {strides = array<i32>} : memref<16x512xf32, #tpu.memory_space<vmem>>, vector<16xf32>,
      %swap3A_127 = arith.index_cast %scan3A_21 : i32 to index
      %swap3A_128 = arith.constant 272 : index
      %swap3A_129 = tpu.vector_load %arg9[%swap3A_127, %swap3A_128] {strides = array<i32>} : memref<16x512xf32, #tpu.memory_space<vmem>>, vector<16xf32>,
      tpu.vector_store %arg9[%swap3A_127, %swap3A_128], %broadcast_in_dim3A_7 {strides = array<i32>} : memref<16x512xf32, #tpu.memory_space<vmem>>, vector<16xf32>,
      %swap3A_130 = arith.index_cast %scan3A_21 : i32 to index
      %swap3A_131 = arith.constant 288 : index
      %swap3A_132 = tpu.vector_load %arg8[%swap3A_130, %swap3A_131] {strides = array<i32>} : memref<16x512xf32, #tpu.memory_space<vmem>>, vector<16xf32>,
      tpu.vector_store %arg8[%swap3A_130, %swap3A_131], %broadcast_in_dim3A_7 {strides = array<i32>} : memref<16x512xf32, #tpu.memory_space<vmem>>, vector<16xf32>,
      %swap3A_133 = arith.index_cast %scan3A_21 : i32 to index
      %swap3A_134 = arith.constant 288 : index
      %swap3A_135 = tpu.vector_load %arg9[%swap3A_133, %swap3A_134] {strides = array<i32>} : memref<16x512xf32, #tpu.memory_space<vmem>>, vector<16xf32>,
      tpu.vector_store %arg9[%swap3A_133, %swap3A_134], %broadcast_in_dim3A_7 {strides = array<i32>} : memref<16x512xf32, #tpu.memory_space<vmem>>, vector<16xf32>,
      %swap3A_136 = arith.index_cast %scan3A_21 : i32 to index
      %swap3A_137 = arith.constant 304 : index
      %swap3A_138 = tpu.vector_load %arg8[%swap3A_136, %swap3A_137] {strides = array<i32>} : memref<16x512xf32, #tpu.memory_space<vmem>>, vector<16xf32>,
      tpu.vector_store %arg8[%swap3A_136, %swap3A_137], %broadcast_in_dim3A_7 {strides = array<i32>} : memref<16x512xf32, #tpu.memory_space<vmem>>, vector<16xf32>,
      %swap3A_139 = arith.index_cast %scan3A_21 : i32 to index
      %swap3A_140 = arith.constant 304 : index
      %swap3A_141 = tpu.vector_load %arg9[%swap3A_139, %swap3A_140] {strides = array<i32>} : memref<16x512xf32, #tpu.memory_space<vmem>>, vector<16xf32>,
      tpu.vector_store %arg9[%swap3A_139, %swap3A_140], %broadcast_in_dim3A_7 {strides = array<i32>} : memref<16x512xf32, #tpu.memory_space<vmem>>, vector<16xf32>,
      %swap3A_142 = arith.index_cast %scan3A_21 : i32 to index
      %swap3A_143 = arith.constant 320 : index
      %swap3A_144 = tpu.vector_load %arg8[%swap3A_142, %swap3A_143] {strides = array<i32>} : memref<16x512xf32, #tpu.memory_space<vmem>>, vector<16xf32>,
      tpu.vector_store %arg8[%swap3A_142, %swap3A_143], %broadcast_in_dim3A_7 {strides = array<i32>} : memref<16x512xf32, #tpu.memory_space<vmem>>, vector<16xf32>,
      %swap3A_145 = arith.index_cast %scan3A_21 : i32 to index
      %swap3A_146 = arith.constant 320 : index
      %swap3A_147 = tpu.vector_load %arg9[%swap3A_145, %swap3A_146] {strides = array<i32>} : memref<16x512xf32, #tpu.memory_space<vmem>>, vector<16xf32>,
      tpu.vector_store %arg9[%swap3A_145, %swap3A_146], %broadcast_in_dim3A_7 {strides = array<i32>} : memref<16x512xf32, #tpu.memory_space<vmem>>, vector<16xf32>,
      %swap3A_148 = arith.index_cast %scan3A_21 : i32 to index
      %swap3A_149 = arith.constant 336 : index
      %swap3A_150 = tpu.vector_load %arg8[%swap3A_148, %swap3A_149] {strides = array<i32>} : memref<16x512xf32, #tpu.memory_space<vmem>>, vector<16xf32>,
      tpu.vector_store %arg8[%swap3A_148, %swap3A_149], %broadcast_in_dim3A_7 {strides = array<i32>} : memref<16x512xf32, #tpu.memory_space<vmem>>, vector<16xf32>,
      %swap3A_151 = arith.index_cast %scan3A_21 : i32 to index
      %swap3A_152 = arith.constant 336 : index
      %swap3A_153 = tpu.vector_load %arg9[%swap3A_151, %swap3A_152] {strides = array<i32>} : memref<16x512xf32, #tpu.memory_space<vmem>>, vector<16xf32>,
      tpu.vector_store %arg9[%swap3A_151, %swap3A_152], %broadcast_in_dim3A_7 {strides = array<i32>} : memref<16x512xf32, #tpu.memory_space<vmem>>, vector<16xf32>,
      %swap3A_154 = arith.index_cast %scan3A_21 : i32 to index
      %swap3A_155 = arith.constant 352 : index
      %swap3A_156 = tpu.vector_load %arg8[%swap3A_154, %swap3A_155] {strides = array<i32>} : memref<16x512xf32, #tpu.memory_space<vmem>>, vector<16xf32>,
      tpu.vector_store %arg8[%swap3A_154, %swap3A_155], %broadcast_in_dim3A_7 {strides = array<i32>} : memref<16x512xf32, #tpu.memory_space<vmem>>, vector<16xf32>,
      %swap3A_157 = arith.index_cast %scan3A_21 : i32 to index
      %swap3A_158 = arith.constant 352 : index
      %swap3A_159 = tpu.vector_load %arg9[%swap3A_157, %swap3A_158] {strides = array<i32>} : memref<16x512xf32, #tpu.memory_space<vmem>>, vector<16xf32>,
      tpu.vector_store %arg9[%swap3A_157, %swap3A_158], %broadcast_in_dim3A_7 {strides = array<i32>} : memref<16x512xf32, #tpu.memory_space<vmem>>, vector<16xf32>,
      %swap3A_160 = arith.index_cast %scan3A_21 : i32 to index
      %swap3A_161 = arith.constant 368 : index
      %swap3A_162 = tpu.vector_load %arg8[%swap3A_160, %swap3A_161] {strides = array<i32>} : memref<16x512xf32, #tpu.memory_space<vmem>>, vector<16xf32>,
      tpu.vector_store %arg8[%swap3A_160, %swap3A_161], %broadcast_in_dim3A_7 {strides = array<i32>} : memref<16x512xf32, #tpu.memory_space<vmem>>, vector<16xf32>,
      %swap3A_163 = arith.index_cast %scan3A_21 : i32 to index
      %swap3A_164 = arith.constant 368 : index
      %swap3A_165 = tpu.vector_load %arg9[%swap3A_163, %swap3A_164] {strides = array<i32>} : memref<16x512xf32, #tpu.memory_space<vmem>>, vector<16xf32>,
      tpu.vector_store %arg9[%swap3A_163, %swap3A_164], %broadcast_in_dim3A_7 {strides = array<i32>} : memref<16x512xf32, #tpu.memory_space<vmem>>, vector<16xf32>,
      %swap3A_166 = arith.index_cast %scan3A_21 : i32 to index
      %swap3A_167 = arith.constant 384 : index
      %swap3A_168 = tpu.vector_load %arg8[%swap3A_166, %swap3A_167] {strides = array<i32>} : memref<16x512xf32, #tpu.memory_space<vmem>>, vector<16xf32>,
      tpu.vector_store %arg8[%swap3A_166, %swap3A_167], %broadcast_in_dim3A_7 {strides = array<i32>} : memref<16x512xf32, #tpu.memory_space<vmem>>, vector<16xf32>,
      %swap3A_169 = arith.index_cast %scan3A_21 : i32 to index
      %swap3A_170 = arith.constant 384 : index
      %swap3A_171 = tpu.vector_load %arg9[%swap3A_169, %swap3A_170] {strides = array<i32>} : memref<16x512xf32, #tpu.memory_space<vmem>>, vector<16xf32>,
      tpu.vector_store %arg9[%swap3A_169, %swap3A_170], %broadcast_in_dim3A_7 {strides = array<i32>} : memref<16x512xf32, #tpu.memory_space<vmem>>, vector<16xf32>,
      %swap3A_172 = arith.index_cast %scan3A_21 : i32 to index
      %swap3A_173 = arith.constant 400 : index
      %swap3A_174 = tpu.vector_load %arg8[%swap3A_172, %swap3A_173] {strides = array<i32>} : memref<16x512xf32, #tpu.memory_space<vmem>>, vector<16xf32>,
      tpu.vector_store %arg8[%swap3A_172, %swap3A_173], %broadcast_in_dim3A_7 {strides = array<i32>} : memref<16x512xf32, #tpu.memory_space<vmem>>, vector<16xf32>,
      %swap3A_175 = arith.index_cast %scan3A_21 : i32 to index
      %swap3A_176 = arith.constant 400 : index
      %swap3A_177 = tpu.vector_load %arg9[%swap3A_175, %swap3A_176] {strides = array<i32>} : memref<16x512xf32, #tpu.memory_space<vmem>>, vector<16xf32>,
      tpu.vector_store %arg9[%swap3A_175, %swap3A_176], %broadcast_in_dim3A_7 {strides = array<i32>} : memref<16x512xf32, #tpu.memory_space<vmem>>, vector<16xf32>,
      %swap3A_178 = arith.index_cast %scan3A_21 : i32 to index
      %swap3A_179 = arith.constant 416 : index
      %swap3A_180 = tpu.vector_load %arg8[%swap3A_178, %swap3A_179] {strides = array<i32>} : memref<16x512xf32, #tpu.memory_space<vmem>>, vector<16xf32>,
      tpu.vector_store %arg8[%swap3A_178, %swap3A_179], %broadcast_in_dim3A_7 {strides = array<i32>} : memref<16x512xf32, #tpu.memory_space<vmem>>, vector<16xf32>,
      %swap3A_181 = arith.index_cast %scan3A_21 : i32 to index
      %swap3A_182 = arith.constant 416 : index
      %swap3A_183 = tpu.vector_load %arg9[%swap3A_181, %swap3A_182] {strides = array<i32>} : memref<16x512xf32, #tpu.memory_space<vmem>>, vector<16xf32>,
      tpu.vector_store %arg9[%swap3A_181, %swap3A_182], %broadcast_in_dim3A_7 {strides = array<i32>} : memref<16x512xf32, #tpu.memory_space<vmem>>, vector<16xf32>,
      %swap3A_184 = arith.index_cast %scan3A_21 : i32 to index
      %swap3A_185 = arith.constant 432 : index
      %swap3A_186 = tpu.vector_load %arg8[%swap3A_184, %swap3A_185] {strides = array<i32>} : memref<16x512xf32, #tpu.memory_space<vmem>>, vector<16xf32>,
      tpu.vector_store %arg8[%swap3A_184, %swap3A_185], %broadcast_in_dim3A_7 {strides = array<i32>} : memref<16x512xf32, #tpu.memory_space<vmem>>, vector<16xf32>,
      %swap3A_187 = arith.index_cast %scan3A_21 : i32 to index
      %swap3A_188 = arith.constant 432 : index
      %swap3A_189 = tpu.vector_load %arg9[%swap3A_187, %swap3A_188] {strides = array<i32>} : memref<16x512xf32, #tpu.memory_space<vmem>>, vector<16xf32>,
      tpu.vector_store %arg9[%swap3A_187, %swap3A_188], %broadcast_in_dim3A_7 {strides = array<i32>} : memref<16x512xf32, #tpu.memory_space<vmem>>, vector<16xf32>,
      %swap3A_190 = arith.index_cast %scan3A_21 : i32 to index
      %swap3A_191 = arith.constant 448 : index
      %swap3A_192 = tpu.vector_load %arg8[%swap3A_190, %swap3A_191] {strides = array<i32>} : memref<16x512xf32, #tpu.memory_space<vmem>>, vector<16xf32>,
      tpu.vector_store %arg8[%swap3A_190, %swap3A_191], %broadcast_in_dim3A_7 {strides = array<i32>} : memref<16x512xf32, #tpu.memory_space<vmem>>, vector<16xf32>,
      %swap3A_193 = arith.index_cast %scan3A_21 : i32 to index
      %swap3A_194 = arith.constant 448 : index
      %swap3A_195 = tpu.vector_load %arg9[%swap3A_193, %swap3A_194] {strides = array<i32>} : memref<16x512xf32, #tpu.memory_space<vmem>>, vector<16xf32>,
      tpu.vector_store %arg9[%swap3A_193, %swap3A_194], %broadcast_in_dim3A_7 {strides = array<i32>} : memref<16x512xf32, #tpu.memory_space<vmem>>, vector<16xf32>,
      %swap3A_196 = arith.index_cast %scan3A_21 : i32 to index
      %swap3A_197 = arith.constant 464 : index
      %swap3A_198 = tpu.vector_load %arg8[%swap3A_196, %swap3A_197] {strides = array<i32>} : memref<16x512xf32, #tpu.memory_space<vmem>>, vector<16xf32>,
      tpu.vector_store %arg8[%swap3A_196, %swap3A_197], %broadcast_in_dim3A_7 {strides = array<i32>} : memref<16x512xf32, #tpu.memory_space<vmem>>, vector<16xf32>,
      %swap3A_199 = arith.index_cast %scan3A_21 : i32 to index
      %swap3A_200 = arith.constant 464 : index
      %swap3A_201 = tpu.vector_load %arg9[%swap3A_199, %swap3A_200] {strides = array<i32>} : memref<16x512xf32, #tpu.memory_space<vmem>>, vector<16xf32>,
      tpu.vector_store %arg9[%swap3A_199, %swap3A_200], %broadcast_in_dim3A_7 {strides = array<i32>} : memref<16x512xf32, #tpu.memory_space<vmem>>, vector<16xf32>,
      %swap3A_202 = arith.index_cast %scan3A_21 : i32 to index
      %swap3A_203 = arith.constant 480 : index
      %swap3A_204 = tpu.vector_load %arg8[%swap3A_202, %swap3A_203] {strides = array<i32>} : memref<16x512xf32, #tpu.memory_space<vmem>>, vector<16xf32>,
      tpu.vector_store %arg8[%swap3A_202, %swap3A_203], %broadcast_in_dim3A_7 {strides = array<i32>} : memref<16x512xf32, #tpu.memory_space<vmem>>, vector<16xf32>,
      %swap3A_205 = arith.index_cast %scan3A_21 : i32 to index
      %swap3A_206 = arith.constant 480 : index
      %swap3A_207 = tpu.vector_load %arg9[%swap3A_205, %swap3A_206] {strides = array<i32>} : memref<16x512xf32, #tpu.memory_space<vmem>>, vector<16xf32>,
      tpu.vector_store %arg9[%swap3A_205, %swap3A_206], %broadcast_in_dim3A_7 {strides = array<i32>} : memref<16x512xf32, #tpu.memory_space<vmem>>, vector<16xf32>,
      %swap3A_208 = arith.index_cast %scan3A_21 : i32 to index
      %swap3A_209 = arith.constant 496 : index
      %swap3A_210 = tpu.vector_load %arg8[%swap3A_208, %swap3A_209] {strides = array<i32>} : memref<16x512xf32, #tpu.memory_space<vmem>>, vector<16xf32>,
      tpu.vector_store %arg8[%swap3A_208, %swap3A_209], %broadcast_in_dim3A_7 {strides = array<i32>} : memref<16x512xf32, #tpu.memory_space<vmem>>, vector<16xf32>,
      %swap3A_211 = arith.index_cast %scan3A_21 : i32 to index
      %swap3A_212 = arith.constant 496 : index
      %swap3A_213 = tpu.vector_load %arg9[%swap3A_211, %swap3A_212] {strides = array<i32>} : memref<16x512xf32, #tpu.memory_space<vmem>>, vector<16xf32>,
      tpu.vector_store %arg9[%swap3A_211, %swap3A_212], %broadcast_in_dim3A_7 {strides = array<i32>} : memref<16x512xf32, #tpu.memory_space<vmem>>, vector<16xf32>,
      %swap3A_214 = arith.index_cast %scan3A_21 : i32 to index
      %swap3A_215 = arith.constant 0 : index
      %swap3A_216 = tpu.vector_load %arg10[%swap3A_214, %swap3A_215] {strides = array<i32>} : memref<16x16xf32, #tpu.memory_space<vmem>>, vector<16xf32>,
      tpu.vector_store %arg10[%swap3A_214, %swap3A_215], %broadcast_in_dim3A_7 {strides = array<i32>} : memref<16x16xf32, #tpu.memory_space<vmem>>, vector<16xf32>,
      %scan3A_217 = arith.constant 0 : i32
      scf.yield %scan3A_217 : i32
    }
    %scan3A_13 = arith.constant 16 : i32
    %scan3A_14 = arith.constant 0 : i32
    %scan3A_15 = arith.constant 0 : i32
    %scan3A_16 = arith.constant 32 : i32
    %scan3A_17 = arith.addi %scan3A_15, %scan3A_16 : i32
    %scan3A_18 = arith.constant 1 : i32
    %scan3A_19 = scf.for %scan3A_21 = %scan3A_15 to %scan3A_17 step %scan3A_18 iter_args(%scan3A_22 = %scan3A_14) -> (i32)  : i32 {
      %iota3A = tpu.iota {dimensions = array<i32: 0>} : vector<16xi32>
      %broadcast_in_dim3A_23 = arith.constant 1.000000e+00 : f32
      %broadcast_in_dim3A_24 = vector.broadcast %broadcast_in_dim3A_23 : f32 to vector<16xf32>
      %mul3A_25 = arith.constant 16 : i32
      %mul3A_26 = arith.muli %scan3A_21, %mul3A_25 : i32
      %get3A = arith.index_cast %mul3A_26 : i32 to index
      %get3A_27 = tpu.vector_load %arg6[%get3A] {strides = array<i32>} : memref<512xi32, #tpu.memory_space<vmem>>, vector<16xi32>,
      tpu.vector_store_idx %arg10[%get3A_27, %iota3A], %broadcast_in_dim3A_24 {add = true} : memref<16x16xf32, #tpu.memory_space<vmem>>[vector<16xi32>, vector<16xi32>], vector<16xf32>,
      %get3A_28 = arith.constant 0 : i32
      %get3A_29 = arith.index_cast %get3A_28 : i32 to index
      %get3A_30 = arith.index_cast %mul3A_26 : i32 to index
      %get3A_31 = tpu.vector_load %arg7[%get3A_29, %get3A_30] {strides = array<i32>} : memref<64x512xf32, #tpu.memory_space<vmem>>, vector<16xf32>,
      %add3A_32 = arith.constant 0 : i32
      %add3A_33 = vector.broadcast %add3A_32 : i32 to vector<16xi32>
      %add3A_34 = arith.addi %iota3A, %add3A_33 : vector<16xi32>
      tpu.vector_store_idx %arg8[%get3A_27, %add3A_34], %get3A_31 {add = true} : memref<16x512xf32, #tpu.memory_space<vmem>>[vector<16xi32>, vector<16xi32>], vector<16xf32>,
      %get3A_35 = arith.constant 1 : i32
      %get3A_36 = arith.index_cast %get3A_35 : i32 to index
      %get3A_37 = arith.index_cast %mul3A_26 : i32 to index
      %get3A_38 = tpu.vector_load %arg7[%get3A_36, %get3A_37] {strides = array<i32>} : memref<64x512xf32, #tpu.memory_space<vmem>>, vector<16xf32>,
      %add3A_39 = arith.constant 0 : i32
      %add3A_40 = vector.broadcast %add3A_39 : i32 to vector<16xi32>
      %add3A_41 = arith.addi %iota3A, %add3A_40 : vector<16xi32>
      tpu.vector_store_idx %arg9[%get3A_27, %add3A_41], %get3A_38 {add = true} : memref<16x512xf32, #tpu.memory_space<vmem>>[vector<16xi32>, vector<16xi32>], vector<16xf32>,
      %get3A_42 = arith.constant 2 : i32
      %get3A_43 = arith.index_cast %get3A_42 : i32 to index
      %get3A_44 = arith.index_cast %mul3A_26 : i32 to index
      %get3A_45 = tpu.vector_load %arg7[%get3A_43, %get3A_44] {strides = array<i32>} : memref<64x512xf32, #tpu.memory_space<vmem>>, vector<16xf32>,
      %add3A_46 = arith.constant 16 : i32
      %add3A_47 = vector.broadcast %add3A_46 : i32 to vector<16xi32>
      %add3A_48 = arith.addi %iota3A, %add3A_47 : vector<16xi32>
      tpu.vector_store_idx %arg8[%get3A_27, %add3A_48], %get3A_45 {add = true} : memref<16x512xf32, #tpu.memory_space<vmem>>[vector<16xi32>, vector<16xi32>], vector<16xf32>,
      %get3A_49 = arith.constant 3 : i32
      %get3A_50 = arith.index_cast %get3A_49 : i32 to index
      %get3A_51 = arith.index_cast %mul3A_26 : i32 to index
      %get3A_52 = tpu.vector_load %arg7[%get3A_50, %get3A_51] {strides = array<i32>} : memref<64x512xf32, #tpu.memory_space<vmem>>, vector<16xf32>,
      %add3A_53 = arith.constant 16 : i32
      %add3A_54 = vector.broadcast %add3A_53 : i32 to vector<16xi32>
      %add3A_55 = arith.addi %iota3A, %add3A_54 : vector<16xi32>
      tpu.vector_store_idx %arg9[%get3A_27, %add3A_55], %get3A_52 {add = true} : memref<16x512xf32, #tpu.memory_space<vmem>>[vector<16xi32>, vector<16xi32>], vector<16xf32>,
      %get3A_56 = arith.constant 4 : i32
      %get3A_57 = arith.index_cast %get3A_56 : i32 to index
      %get3A_58 = arith.index_cast %mul3A_26 : i32 to index
      %get3A_59 = tpu.vector_load %arg7[%get3A_57, %get3A_58] {strides = array<i32>} : memref<64x512xf32, #tpu.memory_space<vmem>>, vector<16xf32>,
      %add3A_60 = arith.constant 32 : i32
      %add3A_61 = vector.broadcast %add3A_60 : i32 to vector<16xi32>
      %add3A_62 = arith.addi %iota3A, %add3A_61 : vector<16xi32>
      tpu.vector_store_idx %arg8[%get3A_27, %add3A_62], %get3A_59 {add = true} : memref<16x512xf32, #tpu.memory_space<vmem>>[vector<16xi32>, vector<16xi32>], vector<16xf32>,
      %get3A_63 = arith.constant 5 : i32
      %get3A_64 = arith.index_cast %get3A_63 : i32 to index
      %get3A_65 = arith.index_cast %mul3A_26 : i32 to index
      %get3A_66 = tpu.vector_load %arg7[%get3A_64, %get3A_65] {strides = array<i32>} : memref<64x512xf32, #tpu.memory_space<vmem>>, vector<16xf32>,
      %add3A_67 = arith.constant 32 : i32
      %add3A_68 = vector.broadcast %add3A_67 : i32 to vector<16xi32>
      %add3A_69 = arith.addi %iota3A, %add3A_68 : vector<16xi32>
      tpu.vector_store_idx %arg9[%get3A_27, %add3A_69], %get3A_66 {add = true} : memref<16x512xf32, #tpu.memory_space<vmem>>[vector<16xi32>, vector<16xi32>], vector<16xf32>,
      %get3A_70 = arith.constant 6 : i32
      %get3A_71 = arith.index_cast %get3A_70 : i32 to index
      %get3A_72 = arith.index_cast %mul3A_26 : i32 to index
      %get3A_73 = tpu.vector_load %arg7[%get3A_71, %get3A_72] {strides = array<i32>} : memref<64x512xf32, #tpu.memory_space<vmem>>, vector<16xf32>,
      %add3A_74 = arith.constant 48 : i32
      %add3A_75 = vector.broadcast %add3A_74 : i32 to vector<16xi32>
      %add3A_76 = arith.addi %iota3A, %add3A_75 : vector<16xi32>
      tpu.vector_store_idx %arg8[%get3A_27, %add3A_76], %get3A_73 {add = true} : memref<16x512xf32, #tpu.memory_space<vmem>>[vector<16xi32>, vector<16xi32>], vector<16xf32>,
      %get3A_77 = arith.constant 7 : i32
      %get3A_78 = arith.index_cast %get3A_77 : i32 to index
      %get3A_79 = arith.index_cast %mul3A_26 : i32 to index
      %get3A_80 = tpu.vector_load %arg7[%get3A_78, %get3A_79] {strides = array<i32>} : memref<64x512xf32, #tpu.memory_space<vmem>>, vector<16xf32>,
      %add3A_81 = arith.constant 48 : i32
      %add3A_82 = vector.broadcast %add3A_81 : i32 to vector<16xi32>
      %add3A_83 = arith.addi %iota3A, %add3A_82 : vector<16xi32>
      tpu.vector_store_idx %arg9[%get3A_27, %add3A_83], %get3A_80 {add = true} : memref<16x512xf32, #tpu.memory_space<vmem>>[vector<16xi32>, vector<16xi32>], vector<16xf32>,
      %get3A_84 = arith.constant 8 : i32
      %get3A_85 = arith.index_cast %get3A_84 : i32 to index
      %get3A_86 = arith.index_cast %mul3A_26 : i32 to index
      %get3A_87 = tpu.vector_load %arg7[%get3A_85, %get3A_86] {strides = array<i32>} : memref<64x512xf32, #tpu.memory_space<vmem>>, vector<16xf32>,
      %add3A_88 = arith.constant 64 : i32
      %add3A_89 = vector.broadcast %add3A_88 : i32 to vector<16xi32>
      %add3A_90 = arith.addi %iota3A, %add3A_89 : vector<16xi32>
      tpu.vector_store_idx %arg8[%get3A_27, %add3A_90], %get3A_87 {add = true} : memref<16x512xf32, #tpu.memory_space<vmem>>[vector<16xi32>, vector<16xi32>], vector<16xf32>,
      %get3A_91 = arith.constant 9 : i32
      %get3A_92 = arith.index_cast %get3A_91 : i32 to index
      %get3A_93 = arith.index_cast %mul3A_26 : i32 to index
      %get3A_94 = tpu.vector_load %arg7[%get3A_92, %get3A_93] {strides = array<i32>} : memref<64x512xf32, #tpu.memory_space<vmem>>, vector<16xf32>,
      %add3A_95 = arith.constant 64 : i32
      %add3A_96 = vector.broadcast %add3A_95 : i32 to vector<16xi32>
      %add3A_97 = arith.addi %iota3A, %add3A_96 : vector<16xi32>
      tpu.vector_store_idx %arg9[%get3A_27, %add3A_97], %get3A_94 {add = true} : memref<16x512xf32, #tpu.memory_space<vmem>>[vector<16xi32>, vector<16xi32>], vector<16xf32>,
      %get3A_98 = arith.constant 10 : i32
      %get3A_99 = arith.index_cast %get3A_98 : i32 to index
      %get3A_100 = arith.index_cast %mul3A_26 : i32 to index
      %get3A_101 = tpu.vector_load %arg7[%get3A_99, %get3A_100] {strides = array<i32>} : memref<64x512xf32, #tpu.memory_space<vmem>>, vector<16xf32>,
      %add3A_102 = arith.constant 80 : i32
      %add3A_103 = vector.broadcast %add3A_102 : i32 to vector<16xi32>
      %add3A_104 = arith.addi %iota3A, %add3A_103 : vector<16xi32>
      tpu.vector_store_idx %arg8[%get3A_27, %add3A_104], %get3A_101 {add = true} : memref<16x512xf32, #tpu.memory_space<vmem>>[vector<16xi32>, vector<16xi32>], vector<16xf32>,
      %get3A_105 = arith.constant 11 : i32
      %get3A_106 = arith.index_cast %get3A_105 : i32 to index
      %get3A_107 = arith.index_cast %mul3A_26 : i32 to index
      %get3A_108 = tpu.vector_load %arg7[%get3A_106, %get3A_107] {strides = array<i32>} : memref<64x512xf32, #tpu.memory_space<vmem>>, vector<16xf32>,
      %add3A_109 = arith.constant 80 : i32
      %add3A_110 = vector.broadcast %add3A_109 : i32 to vector<16xi32>
      %add3A_111 = arith.addi %iota3A, %add3A_110 : vector<16xi32>
      tpu.vector_store_idx %arg9[%get3A_27, %add3A_111], %get3A_108 {add = true} : memref<16x512xf32, #tpu.memory_space<vmem>>[vector<16xi32>, vector<16xi32>], vector<16xf32>,
      %get3A_112 = arith.constant 12 : i32
      %get3A_113 = arith.index_cast %get3A_112 : i32 to index
      %get3A_114 = arith.index_cast %mul3A_26 : i32 to index
      %get3A_115 = tpu.vector_load %arg7[%get3A_113, %get3A_114] {strides = array<i32>} : memref<64x512xf32, #tpu.memory_space<vmem>>, vector<16xf32>,
      %add3A_116 = arith.constant 96 : i32
      %add3A_117 = vector.broadcast %add3A_116 : i32 to vector<16xi32>
      %add3A_118 = arith.addi %iota3A, %add3A_117 : vector<16xi32>
      tpu.vector_store_idx %arg8[%get3A_27, %add3A_118], %get3A_115 {add = true} : memref<16x512xf32, #tpu.memory_space<vmem>>[vector<16xi32>, vector<16xi32>], vector<16xf32>,
      %get3A_119 = arith.constant 13 : i32
      %get3A_120 = arith.index_cast %get3A_119 : i32 to index
      %get3A_121 = arith.index_cast %mul3A_26 : i32 to index
      %get3A_122 = tpu.vector_load %arg7[%get3A_120, %get3A_121] {strides = array<i32>} : memref<64x512xf32, #tpu.memory_space<vmem>>, vector<16xf32>,
      %add3A_123 = arith.constant 96 : i32
      %add3A_124 = vector.broadcast %add3A_123 : i32 to vector<16xi32>
      %add3A_125 = arith.addi %iota3A, %add3A_124 : vector<16xi32>
      tpu.vector_store_idx %arg9[%get3A_27, %add3A_125], %get3A_122 {add = true} : memref<16x512xf32, #tpu.memory_space<vmem>>[vector<16xi32>, vector<16xi32>], vector<16xf32>,
      %get3A_126 = arith.constant 14 : i32
      %get3A_127 = arith.index_cast %get3A_126 : i32 to index
      %get3A_128 = arith.index_cast %mul3A_26 : i32 to index
      %get3A_129 = tpu.vector_load %arg7[%get3A_127, %get3A_128] {strides = array<i32>} : memref<64x512xf32, #tpu.memory_space<vmem>>, vector<16xf32>,
      %add3A_130 = arith.constant 112 : i32
      %add3A_131 = vector.broadcast %add3A_130 : i32 to vector<16xi32>
      %add3A_132 = arith.addi %iota3A, %add3A_131 : vector<16xi32>
      tpu.vector_store_idx %arg8[%get3A_27, %add3A_132], %get3A_129 {add = true} : memref<16x512xf32, #tpu.memory_space<vmem>>[vector<16xi32>, vector<16xi32>], vector<16xf32>,
      %get3A_133 = arith.constant 15 : i32
      %get3A_134 = arith.index_cast %get3A_133 : i32 to index
      %get3A_135 = arith.index_cast %mul3A_26 : i32 to index
      %get3A_136 = tpu.vector_load %arg7[%get3A_134, %get3A_135] {strides = array<i32>} : memref<64x512xf32, #tpu.memory_space<vmem>>, vector<16xf32>,
      %add3A_137 = arith.constant 112 : i32
      %add3A_138 = vector.broadcast %add3A_137 : i32 to vector<16xi32>
      %add3A_139 = arith.addi %iota3A, %add3A_138 : vector<16xi32>
      tpu.vector_store_idx %arg9[%get3A_27, %add3A_139], %get3A_136 {add = true} : memref<16x512xf32, #tpu.memory_space<vmem>>[vector<16xi32>, vector<16xi32>], vector<16xf32>,
      %get3A_140 = arith.constant 16 : i32
      %get3A_141 = arith.index_cast %get3A_140 : i32 to index
      %get3A_142 = arith.index_cast %mul3A_26 : i32 to index
      %get3A_143 = tpu.vector_load %arg7[%get3A_141, %get3A_142] {strides = array<i32>} : memref<64x512xf32, #tpu.memory_space<vmem>>, vector<16xf32>,
      %add3A_144 = arith.constant 128 : i32
      %add3A_145 = vector.broadcast %add3A_144 : i32 to vector<16xi32>
      %add3A_146 = arith.addi %iota3A, %add3A_145 : vector<16xi32>
      tpu.vector_store_idx %arg8[%get3A_27, %add3A_146], %get3A_143 {add = true} : memref<16x512xf32, #tpu.memory_space<vmem>>[vector<16xi32>, vector<16xi32>], vector<16xf32>,
      %get3A_147 = arith.constant 17 : i32
      %get3A_148 = arith.index_cast %get3A_147 : i32 to index
      %get3A_149 = arith.index_cast %mul3A_26 : i32 to index
      %get3A_150 = tpu.vector_load %arg7[%get3A_148, %get3A_149] {strides = array<i32>} : memref<64x512xf32, #tpu.memory_space<vmem>>, vector<16xf32>,
      %add3A_151 = arith.constant 128 : i32
      %add3A_152 = vector.broadcast %add3A_151 : i32 to vector<16xi32>
      %add3A_153 = arith.addi %iota3A, %add3A_152 : vector<16xi32>
      tpu.vector_store_idx %arg9[%get3A_27, %add3A_153], %get3A_150 {add = true} : memref<16x512xf32, #tpu.memory_space<vmem>>[vector<16xi32>, vector<16xi32>], vector<16xf32>,
      %get3A_154 = arith.constant 18 : i32
      %get3A_155 = arith.index_cast %get3A_154 : i32 to index
      %get3A_156 = arith.index_cast %mul3A_26 : i32 to index
      %get3A_157 = tpu.vector_load %arg7[%get3A_155, %get3A_156] {strides = array<i32>} : memref<64x512xf32, #tpu.memory_space<vmem>>, vector<16xf32>,
      %add3A_158 = arith.constant 144 : i32
      %add3A_159 = vector.broadcast %add3A_158 : i32 to vector<16xi32>
      %add3A_160 = arith.addi %iota3A, %add3A_159 : vector<16xi32>
      tpu.vector_store_idx %arg8[%get3A_27, %add3A_160], %get3A_157 {add = true} : memref<16x512xf32, #tpu.memory_space<vmem>>[vector<16xi32>, vector<16xi32>], vector<16xf32>,
      %get3A_161 = arith.constant 19 : i32
      %get3A_162 = arith.index_cast %get3A_161 : i32 to index
      %get3A_163 = arith.index_cast %mul3A_26 : i32 to index
      %get3A_164 = tpu.vector_load %arg7[%get3A_162, %get3A_163] {strides = array<i32>} : memref<64x512xf32, #tpu.memory_space<vmem>>, vector<16xf32>,
      %add3A_165 = arith.constant 144 : i32
      %add3A_166 = vector.broadcast %add3A_165 : i32 to vector<16xi32>
      %add3A_167 = arith.addi %iota3A, %add3A_166 : vector<16xi32>
      tpu.vector_store_idx %arg9[%get3A_27, %add3A_167], %get3A_164 {add = true} : memref<16x512xf32, #tpu.memory_space<vmem>>[vector<16xi32>, vector<16xi32>], vector<16xf32>,
      %get3A_168 = arith.constant 20 : i32
      %get3A_169 = arith.index_cast %get3A_168 : i32 to index
      %get3A_170 = arith.index_cast %mul3A_26 : i32 to index
      %get3A_171 = tpu.vector_load %arg7[%get3A_169, %get3A_170] {strides = array<i32>} : memref<64x512xf32, #tpu.memory_space<vmem>>, vector<16xf32>,
      %add3A_172 = arith.constant 160 : i32
      %add3A_173 = vector.broadcast %add3A_172 : i32 to vector<16xi32>
      %add3A_174 = arith.addi %iota3A, %add3A_173 : vector<16xi32>
      tpu.vector_store_idx %arg8[%get3A_27, %add3A_174], %get3A_171 {add = true} : memref<16x512xf32, #tpu.memory_space<vmem>>[vector<16xi32>, vector<16xi32>], vector<16xf32>,
      %get3A_175 = arith.constant 21 : i32
      %get3A_176 = arith.index_cast %get3A_175 : i32 to index
      %get3A_177 = arith.index_cast %mul3A_26 : i32 to index
      %get3A_178 = tpu.vector_load %arg7[%get3A_176, %get3A_177] {strides = array<i32>} : memref<64x512xf32, #tpu.memory_space<vmem>>, vector<16xf32>,
      %add3A_179 = arith.constant 160 : i32
      %add3A_180 = vector.broadcast %add3A_179 : i32 to vector<16xi32>
      %add3A_181 = arith.addi %iota3A, %add3A_180 : vector<16xi32>
      tpu.vector_store_idx %arg9[%get3A_27, %add3A_181], %get3A_178 {add = true} : memref<16x512xf32, #tpu.memory_space<vmem>>[vector<16xi32>, vector<16xi32>], vector<16xf32>,
      %get3A_182 = arith.constant 22 : i32
      %get3A_183 = arith.index_cast %get3A_182 : i32 to index
      %get3A_184 = arith.index_cast %mul3A_26 : i32 to index
      %get3A_185 = tpu.vector_load %arg7[%get3A_183, %get3A_184] {strides = array<i32>} : memref<64x512xf32, #tpu.memory_space<vmem>>, vector<16xf32>,
      %add3A_186 = arith.constant 176 : i32
      %add3A_187 = vector.broadcast %add3A_186 : i32 to vector<16xi32>
      %add3A_188 = arith.addi %iota3A, %add3A_187 : vector<16xi32>
      tpu.vector_store_idx %arg8[%get3A_27, %add3A_188], %get3A_185 {add = true} : memref<16x512xf32, #tpu.memory_space<vmem>>[vector<16xi32>, vector<16xi32>], vector<16xf32>,
      %get3A_189 = arith.constant 23 : i32
      %get3A_190 = arith.index_cast %get3A_189 : i32 to index
      %get3A_191 = arith.index_cast %mul3A_26 : i32 to index
      %get3A_192 = tpu.vector_load %arg7[%get3A_190, %get3A_191] {strides = array<i32>} : memref<64x512xf32, #tpu.memory_space<vmem>>, vector<16xf32>,
      %add3A_193 = arith.constant 176 : i32
      %add3A_194 = vector.broadcast %add3A_193 : i32 to vector<16xi32>
      %add3A_195 = arith.addi %iota3A, %add3A_194 : vector<16xi32>
      tpu.vector_store_idx %arg9[%get3A_27, %add3A_195], %get3A_192 {add = true} : memref<16x512xf32, #tpu.memory_space<vmem>>[vector<16xi32>, vector<16xi32>], vector<16xf32>,
      %get3A_196 = arith.constant 24 : i32
      %get3A_197 = arith.index_cast %get3A_196 : i32 to index
      %get3A_198 = arith.index_cast %mul3A_26 : i32 to index
      %get3A_199 = tpu.vector_load %arg7[%get3A_197, %get3A_198] {strides = array<i32>} : memref<64x512xf32, #tpu.memory_space<vmem>>, vector<16xf32>,
      %add3A_200 = arith.constant 192 : i32
      %add3A_201 = vector.broadcast %add3A_200 : i32 to vector<16xi32>
      %add3A_202 = arith.addi %iota3A, %add3A_201 : vector<16xi32>
      tpu.vector_store_idx %arg8[%get3A_27, %add3A_202], %get3A_199 {add = true} : memref<16x512xf32, #tpu.memory_space<vmem>>[vector<16xi32>, vector<16xi32>], vector<16xf32>,
      %get3A_203 = arith.constant 25 : i32
      %get3A_204 = arith.index_cast %get3A_203 : i32 to index
      %get3A_205 = arith.index_cast %mul3A_26 : i32 to index
      %get3A_206 = tpu.vector_load %arg7[%get3A_204, %get3A_205] {strides = array<i32>} : memref<64x512xf32, #tpu.memory_space<vmem>>, vector<16xf32>,
      %add3A_207 = arith.constant 192 : i32
      %add3A_208 = vector.broadcast %add3A_207 : i32 to vector<16xi32>
      %add3A_209 = arith.addi %iota3A, %add3A_208 : vector<16xi32>
      tpu.vector_store_idx %arg9[%get3A_27, %add3A_209], %get3A_206 {add = true} : memref<16x512xf32, #tpu.memory_space<vmem>>[vector<16xi32>, vector<16xi32>], vector<16xf32>,
      %get3A_210 = arith.constant 26 : i32
      %get3A_211 = arith.index_cast %get3A_210 : i32 to index
      %get3A_212 = arith.index_cast %mul3A_26 : i32 to index
      %get3A_213 = tpu.vector_load %arg7[%get3A_211, %get3A_212] {strides = array<i32>} : memref<64x512xf32, #tpu.memory_space<vmem>>, vector<16xf32>,
      %add3A_214 = arith.constant 208 : i32
      %add3A_215 = vector.broadcast %add3A_214 : i32 to vector<16xi32>
      %add3A_216 = arith.addi %iota3A, %add3A_215 : vector<16xi32>
      tpu.vector_store_idx %arg8[%get3A_27, %add3A_216], %get3A_213 {add = true} : memref<16x512xf32, #tpu.memory_space<vmem>>[vector<16xi32>, vector<16xi32>], vector<16xf32>,
      %get3A_217 = arith.constant 27 : i32
      %get3A_218 = arith.index_cast %get3A_217 : i32 to index
      %get3A_219 = arith.index_cast %mul3A_26 : i32 to index
      %get3A_220 = tpu.vector_load %arg7[%get3A_218, %get3A_219] {strides = array<i32>} : memref<64x512xf32, #tpu.memory_space<vmem>>, vector<16xf32>,
      %add3A_221 = arith.constant 208 : i32
      %add3A_222 = vector.broadcast %add3A_221 : i32 to vector<16xi32>
      %add3A_223 = arith.addi %iota3A, %add3A_222 : vector<16xi32>
      tpu.vector_store_idx %arg9[%get3A_27, %add3A_223], %get3A_220 {add = true} : memref<16x512xf32, #tpu.memory_space<vmem>>[vector<16xi32>, vector<16xi32>], vector<16xf32>,
      %get3A_224 = arith.constant 28 : i32
      %get3A_225 = arith.index_cast %get3A_224 : i32 to index
      %get3A_226 = arith.index_cast %mul3A_26 : i32 to index
      %get3A_227 = tpu.vector_load %arg7[%get3A_225, %get3A_226] {strides = array<i32>} : memref<64x512xf32, #tpu.memory_space<vmem>>, vector<16xf32>,
      %add3A_228 = arith.constant 224 : i32
      %add3A_229 = vector.broadcast %add3A_228 : i32 to vector<16xi32>
      %add3A_230 = arith.addi %iota3A, %add3A_229 : vector<16xi32>
      tpu.vector_store_idx %arg8[%get3A_27, %add3A_230], %get3A_227 {add = true} : memref<16x512xf32, #tpu.memory_space<vmem>>[vector<16xi32>, vector<16xi32>], vector<16xf32>,
      %get3A_231 = arith.constant 29 : i32
      %get3A_232 = arith.index_cast %get3A_231 : i32 to index
      %get3A_233 = arith.index_cast %mul3A_26 : i32 to index
      %get3A_234 = tpu.vector_load %arg7[%get3A_232, %get3A_233] {strides = array<i32>} : memref<64x512xf32, #tpu.memory_space<vmem>>, vector<16xf32>,
      %add3A_235 = arith.constant 224 : i32
      %add3A_236 = vector.broadcast %add3A_235 : i32 to vector<16xi32>
      %add3A_237 = arith.addi %iota3A, %add3A_236 : vector<16xi32>
      tpu.vector_store_idx %arg9[%get3A_27, %add3A_237], %get3A_234 {add = true} : memref<16x512xf32, #tpu.memory_space<vmem>>[vector<16xi32>, vector<16xi32>], vector<16xf32>,
      %get3A_238 = arith.constant 30 : i32
      %get3A_239 = arith.index_cast %get3A_238 : i32 to index
      %get3A_240 = arith.index_cast %mul3A_26 : i32 to index
      %get3A_241 = tpu.vector_load %arg7[%get3A_239, %get3A_240] {strides = array<i32>} : memref<64x512xf32, #tpu.memory_space<vmem>>, vector<16xf32>,
      %add3A_242 = arith.constant 240 : i32
      %add3A_243 = vector.broadcast %add3A_242 : i32 to vector<16xi32>
      %add3A_244 = arith.addi %iota3A, %add3A_243 : vector<16xi32>
      tpu.vector_store_idx %arg8[%get3A_27, %add3A_244], %get3A_241 {add = true} : memref<16x512xf32, #tpu.memory_space<vmem>>[vector<16xi32>, vector<16xi32>], vector<16xf32>,
      %get3A_245 = arith.constant 31 : i32
      %get3A_246 = arith.index_cast %get3A_245 : i32 to index
      %get3A_247 = arith.index_cast %mul3A_26 : i32 to index
      %get3A_248 = tpu.vector_load %arg7[%get3A_246, %get3A_247] {strides = array<i32>} : memref<64x512xf32, #tpu.memory_space<vmem>>, vector<16xf32>,
      %add3A_249 = arith.constant 240 : i32
      %add3A_250 = vector.broadcast %add3A_249 : i32 to vector<16xi32>
      %add3A_251 = arith.addi %iota3A, %add3A_250 : vector<16xi32>
      tpu.vector_store_idx %arg9[%get3A_27, %add3A_251], %get3A_248 {add = true} : memref<16x512xf32, #tpu.memory_space<vmem>>[vector<16xi32>, vector<16xi32>], vector<16xf32>,
      %get3A_252 = arith.constant 32 : i32
      %get3A_253 = arith.index_cast %get3A_252 : i32 to index
      %get3A_254 = arith.index_cast %mul3A_26 : i32 to index
      %get3A_255 = tpu.vector_load %arg7[%get3A_253, %get3A_254] {strides = array<i32>} : memref<64x512xf32, #tpu.memory_space<vmem>>, vector<16xf32>,
      %add3A_256 = arith.constant 256 : i32
      %add3A_257 = vector.broadcast %add3A_256 : i32 to vector<16xi32>
      %add3A_258 = arith.addi %iota3A, %add3A_257 : vector<16xi32>
      tpu.vector_store_idx %arg8[%get3A_27, %add3A_258], %get3A_255 {add = true} : memref<16x512xf32, #tpu.memory_space<vmem>>[vector<16xi32>, vector<16xi32>], vector<16xf32>,
      %get3A_259 = arith.constant 33 : i32
      %get3A_260 = arith.index_cast %get3A_259 : i32 to index
      %get3A_261 = arith.index_cast %mul3A_26 : i32 to index
      %get3A_262 = tpu.vector_load %arg7[%get3A_260, %get3A_261] {strides = array<i32>} : memref<64x512xf32, #tpu.memory_space<vmem>>, vector<16xf32>,
      %add3A_263 = arith.constant 256 : i32
      %add3A_264 = vector.broadcast %add3A_263 : i32 to vector<16xi32>
      %add3A_265 = arith.addi %iota3A, %add3A_264 : vector<16xi32>
      tpu.vector_store_idx %arg9[%get3A_27, %add3A_265], %get3A_262 {add = true} : memref<16x512xf32, #tpu.memory_space<vmem>>[vector<16xi32>, vector<16xi32>], vector<16xf32>,
      %get3A_266 = arith.constant 34 : i32
      %get3A_267 = arith.index_cast %get3A_266 : i32 to index
      %get3A_268 = arith.index_cast %mul3A_26 : i32 to index
      %get3A_269 = tpu.vector_load %arg7[%get3A_267, %get3A_268] {strides = array<i32>} : memref<64x512xf32, #tpu.memory_space<vmem>>, vector<16xf32>,
      %add3A_270 = arith.constant 272 : i32
      %add3A_271 = vector.broadcast %add3A_270 : i32 to vector<16xi32>
      %add3A_272 = arith.addi %iota3A, %add3A_271 : vector<16xi32>
      tpu.vector_store_idx %arg8[%get3A_27, %add3A_272], %get3A_269 {add = true} : memref<16x512xf32, #tpu.memory_space<vmem>>[vector<16xi32>, vector<16xi32>], vector<16xf32>,
      %get3A_273 = arith.constant 35 : i32
      %get3A_274 = arith.index_cast %get3A_273 : i32 to index
      %get3A_275 = arith.index_cast %mul3A_26 : i32 to index
      %get3A_276 = tpu.vector_load %arg7[%get3A_274, %get3A_275] {strides = array<i32>} : memref<64x512xf32, #tpu.memory_space<vmem>>, vector<16xf32>,
      %add3A_277 = arith.constant 272 : i32
      %add3A_278 = vector.broadcast %add3A_277 : i32 to vector<16xi32>
      %add3A_279 = arith.addi %iota3A, %add3A_278 : vector<16xi32>
      tpu.vector_store_idx %arg9[%get3A_27, %add3A_279], %get3A_276 {add = true} : memref<16x512xf32, #tpu.memory_space<vmem>>[vector<16xi32>, vector<16xi32>], vector<16xf32>,
      %get3A_280 = arith.constant 36 : i32
      %get3A_281 = arith.index_cast %get3A_280 : i32 to index
      %get3A_282 = arith.index_cast %mul3A_26 : i32 to index
      %get3A_283 = tpu.vector_load %arg7[%get3A_281, %get3A_282] {strides = array<i32>} : memref<64x512xf32, #tpu.memory_space<vmem>>, vector<16xf32>,
      %add3A_284 = arith.constant 288 : i32
      %add3A_285 = vector.broadcast %add3A_284 : i32 to vector<16xi32>
      %add3A_286 = arith.addi %iota3A, %add3A_285 : vector<16xi32>
      tpu.vector_store_idx %arg8[%get3A_27, %add3A_286], %get3A_283 {add = true} : memref<16x512xf32, #tpu.memory_space<vmem>>[vector<16xi32>, vector<16xi32>], vector<16xf32>,
      %get3A_287 = arith.constant 37 : i32
      %get3A_288 = arith.index_cast %get3A_287 : i32 to index
      %get3A_289 = arith.index_cast %mul3A_26 : i32 to index
      %get3A_290 = tpu.vector_load %arg7[%get3A_288, %get3A_289] {strides = array<i32>} : memref<64x512xf32, #tpu.memory_space<vmem>>, vector<16xf32>,
      %add3A_291 = arith.constant 288 : i32
      %add3A_292 = vector.broadcast %add3A_291 : i32 to vector<16xi32>
      %add3A_293 = arith.addi %iota3A, %add3A_292 : vector<16xi32>
      tpu.vector_store_idx %arg9[%get3A_27, %add3A_293], %get3A_290 {add = true} : memref<16x512xf32, #tpu.memory_space<vmem>>[vector<16xi32>, vector<16xi32>], vector<16xf32>,
      %get3A_294 = arith.constant 38 : i32
      %get3A_295 = arith.index_cast %get3A_294 : i32 to index
      %get3A_296 = arith.index_cast %mul3A_26 : i32 to index
      %get3A_297 = tpu.vector_load %arg7[%get3A_295, %get3A_296] {strides = array<i32>} : memref<64x512xf32, #tpu.memory_space<vmem>>, vector<16xf32>,
      %add3A_298 = arith.constant 304 : i32
      %add3A_299 = vector.broadcast %add3A_298 : i32 to vector<16xi32>
      %add3A_300 = arith.addi %iota3A, %add3A_299 : vector<16xi32>
      tpu.vector_store_idx %arg8[%get3A_27, %add3A_300], %get3A_297 {add = true} : memref<16x512xf32, #tpu.memory_space<vmem>>[vector<16xi32>, vector<16xi32>], vector<16xf32>,
      %get3A_301 = arith.constant 39 : i32
      %get3A_302 = arith.index_cast %get3A_301 : i32 to index
      %get3A_303 = arith.index_cast %mul3A_26 : i32 to index
      %get3A_304 = tpu.vector_load %arg7[%get3A_302, %get3A_303] {strides = array<i32>} : memref<64x512xf32, #tpu.memory_space<vmem>>, vector<16xf32>,
      %add3A_305 = arith.constant 304 : i32
      %add3A_306 = vector.broadcast %add3A_305 : i32 to vector<16xi32>
      %add3A_307 = arith.addi %iota3A, %add3A_306 : vector<16xi32>
      tpu.vector_store_idx %arg9[%get3A_27, %add3A_307], %get3A_304 {add = true} : memref<16x512xf32, #tpu.memory_space<vmem>>[vector<16xi32>, vector<16xi32>], vector<16xf32>,
      %get3A_308 = arith.constant 40 : i32
      %get3A_309 = arith.index_cast %get3A_308 : i32 to index
      %get3A_310 = arith.index_cast %mul3A_26 : i32 to index
      %get3A_311 = tpu.vector_load %arg7[%get3A_309, %get3A_310] {strides = array<i32>} : memref<64x512xf32, #tpu.memory_space<vmem>>, vector<16xf32>,
      %add3A_312 = arith.constant 320 : i32
      %add3A_313 = vector.broadcast %add3A_312 : i32 to vector<16xi32>
      %add3A_314 = arith.addi %iota3A, %add3A_313 : vector<16xi32>
      tpu.vector_store_idx %arg8[%get3A_27, %add3A_314], %get3A_311 {add = true} : memref<16x512xf32, #tpu.memory_space<vmem>>[vector<16xi32>, vector<16xi32>], vector<16xf32>,
      %get3A_315 = arith.constant 41 : i32
      %get3A_316 = arith.index_cast %get3A_315 : i32 to index
      %get3A_317 = arith.index_cast %mul3A_26 : i32 to index
      %get3A_318 = tpu.vector_load %arg7[%get3A_316, %get3A_317] {strides = array<i32>} : memref<64x512xf32, #tpu.memory_space<vmem>>, vector<16xf32>,
      %add3A_319 = arith.constant 320 : i32
      %add3A_320 = vector.broadcast %add3A_319 : i32 to vector<16xi32>
      %add3A_321 = arith.addi %iota3A, %add3A_320 : vector<16xi32>
      tpu.vector_store_idx %arg9[%get3A_27, %add3A_321], %get3A_318 {add = true} : memref<16x512xf32, #tpu.memory_space<vmem>>[vector<16xi32>, vector<16xi32>], vector<16xf32>,
      %get3A_322 = arith.constant 42 : i32
      %get3A_323 = arith.index_cast %get3A_322 : i32 to index
      %get3A_324 = arith.index_cast %mul3A_26 : i32 to index
      %get3A_325 = tpu.vector_load %arg7[%get3A_323, %get3A_324] {strides = array<i32>} : memref<64x512xf32, #tpu.memory_space<vmem>>, vector<16xf32>,
      %add3A_326 = arith.constant 336 : i32
      %add3A_327 = vector.broadcast %add3A_326 : i32 to vector<16xi32>
      %add3A_328 = arith.addi %iota3A, %add3A_327 : vector<16xi32>
      tpu.vector_store_idx %arg8[%get3A_27, %add3A_328], %get3A_325 {add = true} : memref<16x512xf32, #tpu.memory_space<vmem>>[vector<16xi32>, vector<16xi32>], vector<16xf32>,
      %get3A_329 = arith.constant 43 : i32
      %get3A_330 = arith.index_cast %get3A_329 : i32 to index
      %get3A_331 = arith.index_cast %mul3A_26 : i32 to index
      %get3A_332 = tpu.vector_load %arg7[%get3A_330, %get3A_331] {strides = array<i32>} : memref<64x512xf32, #tpu.memory_space<vmem>>, vector<16xf32>,
      %add3A_333 = arith.constant 336 : i32
      %add3A_334 = vector.broadcast %add3A_333 : i32 to vector<16xi32>
      %add3A_335 = arith.addi %iota3A, %add3A_334 : vector<16xi32>
      tpu.vector_store_idx %arg9[%get3A_27, %add3A_335], %get3A_332 {add = true} : memref<16x512xf32, #tpu.memory_space<vmem>>[vector<16xi32>, vector<16xi32>], vector<16xf32>,
      %get3A_336 = arith.constant 44 : i32
      %get3A_337 = arith.index_cast %get3A_336 : i32 to index
      %get3A_338 = arith.index_cast %mul3A_26 : i32 to index
      %get3A_339 = tpu.vector_load %arg7[%get3A_337, %get3A_338] {strides = array<i32>} : memref<64x512xf32, #tpu.memory_space<vmem>>, vector<16xf32>,
      %add3A_340 = arith.constant 352 : i32
      %add3A_341 = vector.broadcast %add3A_340 : i32 to vector<16xi32>
      %add3A_342 = arith.addi %iota3A, %add3A_341 : vector<16xi32>
      tpu.vector_store_idx %arg8[%get3A_27, %add3A_342], %get3A_339 {add = true} : memref<16x512xf32, #tpu.memory_space<vmem>>[vector<16xi32>, vector<16xi32>], vector<16xf32>,
      %get3A_343 = arith.constant 45 : i32
      %get3A_344 = arith.index_cast %get3A_343 : i32 to index
      %get3A_345 = arith.index_cast %mul3A_26 : i32 to index
      %get3A_346 = tpu.vector_load %arg7[%get3A_344, %get3A_345] {strides = array<i32>} : memref<64x512xf32, #tpu.memory_space<vmem>>, vector<16xf32>,
      %add3A_347 = arith.constant 352 : i32
      %add3A_348 = vector.broadcast %add3A_347 : i32 to vector<16xi32>
      %add3A_349 = arith.addi %iota3A, %add3A_348 : vector<16xi32>
      tpu.vector_store_idx %arg9[%get3A_27, %add3A_349], %get3A_346 {add = true} : memref<16x512xf32, #tpu.memory_space<vmem>>[vector<16xi32>, vector<16xi32>], vector<16xf32>,
      %get3A_350 = arith.constant 46 : i32
      %get3A_351 = arith.index_cast %get3A_350 : i32 to index
      %get3A_352 = arith.index_cast %mul3A_26 : i32 to index
      %get3A_353 = tpu.vector_load %arg7[%get3A_351, %get3A_352] {strides = array<i32>} : memref<64x512xf32, #tpu.memory_space<vmem>>, vector<16xf32>,
      %add3A_354 = arith.constant 368 : i32
      %add3A_355 = vector.broadcast %add3A_354 : i32 to vector<16xi32>
      %add3A_356 = arith.addi %iota3A, %add3A_355 : vector<16xi32>
      tpu.vector_store_idx %arg8[%get3A_27, %add3A_356], %get3A_353 {add = true} : memref<16x512xf32, #tpu.memory_space<vmem>>[vector<16xi32>, vector<16xi32>], vector<16xf32>,
      %get3A_357 = arith.constant 47 : i32
      %get3A_358 = arith.index_cast %get3A_357 : i32 to index
      %get3A_359 = arith.index_cast %mul3A_26 : i32 to index
      %get3A_360 = tpu.vector_load %arg7[%get3A_358, %get3A_359] {strides = array<i32>} : memref<64x512xf32, #tpu.memory_space<vmem>>, vector<16xf32>,
      %add3A_361 = arith.constant 368 : i32
      %add3A_362 = vector.broadcast %add3A_361 : i32 to vector<16xi32>
      %add3A_363 = arith.addi %iota3A, %add3A_362 : vector<16xi32>
      tpu.vector_store_idx %arg9[%get3A_27, %add3A_363], %get3A_360 {add = true} : memref<16x512xf32, #tpu.memory_space<vmem>>[vector<16xi32>, vector<16xi32>], vector<16xf32>,
      %get3A_364 = arith.constant 48 : i32
      %get3A_365 = arith.index_cast %get3A_364 : i32 to index
      %get3A_366 = arith.index_cast %mul3A_26 : i32 to index
      %get3A_367 = tpu.vector_load %arg7[%get3A_365, %get3A_366] {strides = array<i32>} : memref<64x512xf32, #tpu.memory_space<vmem>>, vector<16xf32>,
      %add3A_368 = arith.constant 384 : i32
      %add3A_369 = vector.broadcast %add3A_368 : i32 to vector<16xi32>
      %add3A_370 = arith.addi %iota3A, %add3A_369 : vector<16xi32>
      tpu.vector_store_idx %arg8[%get3A_27, %add3A_370], %get3A_367 {add = true} : memref<16x512xf32, #tpu.memory_space<vmem>>[vector<16xi32>, vector<16xi32>], vector<16xf32>,
      %get3A_371 = arith.constant 49 : i32
      %get3A_372 = arith.index_cast %get3A_371 : i32 to index
      %get3A_373 = arith.index_cast %mul3A_26 : i32 to index
      %get3A_374 = tpu.vector_load %arg7[%get3A_372, %get3A_373] {strides = array<i32>} : memref<64x512xf32, #tpu.memory_space<vmem>>, vector<16xf32>,
      %add3A_375 = arith.constant 384 : i32
      %add3A_376 = vector.broadcast %add3A_375 : i32 to vector<16xi32>
      %add3A_377 = arith.addi %iota3A, %add3A_376 : vector<16xi32>
      tpu.vector_store_idx %arg9[%get3A_27, %add3A_377], %get3A_374 {add = true} : memref<16x512xf32, #tpu.memory_space<vmem>>[vector<16xi32>, vector<16xi32>], vector<16xf32>,
      %get3A_378 = arith.constant 50 : i32
      %get3A_379 = arith.index_cast %get3A_378 : i32 to index
      %get3A_380 = arith.index_cast %mul3A_26 : i32 to index
      %get3A_381 = tpu.vector_load %arg7[%get3A_379, %get3A_380] {strides = array<i32>} : memref<64x512xf32, #tpu.memory_space<vmem>>, vector<16xf32>,
      %add3A_382 = arith.constant 400 : i32
      %add3A_383 = vector.broadcast %add3A_382 : i32 to vector<16xi32>
      %add3A_384 = arith.addi %iota3A, %add3A_383 : vector<16xi32>
      tpu.vector_store_idx %arg8[%get3A_27, %add3A_384], %get3A_381 {add = true} : memref<16x512xf32, #tpu.memory_space<vmem>>[vector<16xi32>, vector<16xi32>], vector<16xf32>,
      %get3A_385 = arith.constant 51 : i32
      %get3A_386 = arith.index_cast %get3A_385 : i32 to index
      %get3A_387 = arith.index_cast %mul3A_26 : i32 to index
      %get3A_388 = tpu.vector_load %arg7[%get3A_386, %get3A_387] {strides = array<i32>} : memref<64x512xf32, #tpu.memory_space<vmem>>, vector<16xf32>,
      %add3A_389 = arith.constant 400 : i32
      %add3A_390 = vector.broadcast %add3A_389 : i32 to vector<16xi32>
      %add3A_391 = arith.addi %iota3A, %add3A_390 : vector<16xi32>
      tpu.vector_store_idx %arg9[%get3A_27, %add3A_391], %get3A_388 {add = true} : memref<16x512xf32, #tpu.memory_space<vmem>>[vector<16xi32>, vector<16xi32>], vector<16xf32>,
      %get3A_392 = arith.constant 52 : i32
      %get3A_393 = arith.index_cast %get3A_392 : i32 to index
      %get3A_394 = arith.index_cast %mul3A_26 : i32 to index
      %get3A_395 = tpu.vector_load %arg7[%get3A_393, %get3A_394] {strides = array<i32>} : memref<64x512xf32, #tpu.memory_space<vmem>>, vector<16xf32>,
      %add3A_396 = arith.constant 416 : i32
      %add3A_397 = vector.broadcast %add3A_396 : i32 to vector<16xi32>
      %add3A_398 = arith.addi %iota3A, %add3A_397 : vector<16xi32>
      tpu.vector_store_idx %arg8[%get3A_27, %add3A_398], %get3A_395 {add = true} : memref<16x512xf32, #tpu.memory_space<vmem>>[vector<16xi32>, vector<16xi32>], vector<16xf32>,
      %get3A_399 = arith.constant 53 : i32
      %get3A_400 = arith.index_cast %get3A_399 : i32 to index
      %get3A_401 = arith.index_cast %mul3A_26 : i32 to index
      %get3A_402 = tpu.vector_load %arg7[%get3A_400, %get3A_401] {strides = array<i32>} : memref<64x512xf32, #tpu.memory_space<vmem>>, vector<16xf32>,
      %add3A_403 = arith.constant 416 : i32
      %add3A_404 = vector.broadcast %add3A_403 : i32 to vector<16xi32>
      %add3A_405 = arith.addi %iota3A, %add3A_404 : vector<16xi32>
      tpu.vector_store_idx %arg9[%get3A_27, %add3A_405], %get3A_402 {add = true} : memref<16x512xf32, #tpu.memory_space<vmem>>[vector<16xi32>, vector<16xi32>], vector<16xf32>,
      %get3A_406 = arith.constant 54 : i32
      %get3A_407 = arith.index_cast %get3A_406 : i32 to index
      %get3A_408 = arith.index_cast %mul3A_26 : i32 to index
      %get3A_409 = tpu.vector_load %arg7[%get3A_407, %get3A_408] {strides = array<i32>} : memref<64x512xf32, #tpu.memory_space<vmem>>, vector<16xf32>,
      %add3A_410 = arith.constant 432 : i32
      %add3A_411 = vector.broadcast %add3A_410 : i32 to vector<16xi32>
      %add3A_412 = arith.addi %iota3A, %add3A_411 : vector<16xi32>
      tpu.vector_store_idx %arg8[%get3A_27, %add3A_412], %get3A_409 {add = true} : memref<16x512xf32, #tpu.memory_space<vmem>>[vector<16xi32>, vector<16xi32>], vector<16xf32>,
      %get3A_413 = arith.constant 55 : i32
      %get3A_414 = arith.index_cast %get3A_413 : i32 to index
      %get3A_415 = arith.index_cast %mul3A_26 : i32 to index
      %get3A_416 = tpu.vector_load %arg7[%get3A_414, %get3A_415] {strides = array<i32>} : memref<64x512xf32, #tpu.memory_space<vmem>>, vector<16xf32>,
      %add3A_417 = arith.constant 432 : i32
      %add3A_418 = vector.broadcast %add3A_417 : i32 to vector<16xi32>
      %add3A_419 = arith.addi %iota3A, %add3A_418 : vector<16xi32>
      tpu.vector_store_idx %arg9[%get3A_27, %add3A_419], %get3A_416 {add = true} : memref<16x512xf32, #tpu.memory_space<vmem>>[vector<16xi32>, vector<16xi32>], vector<16xf32>,
      %get3A_420 = arith.constant 56 : i32
      %get3A_421 = arith.index_cast %get3A_420 : i32 to index
      %get3A_422 = arith.index_cast %mul3A_26 : i32 to index
      %get3A_423 = tpu.vector_load %arg7[%get3A_421, %get3A_422] {strides = array<i32>} : memref<64x512xf32, #tpu.memory_space<vmem>>, vector<16xf32>,
      %add3A_424 = arith.constant 448 : i32
      %add3A_425 = vector.broadcast %add3A_424 : i32 to vector<16xi32>
      %add3A_426 = arith.addi %iota3A, %add3A_425 : vector<16xi32>
      tpu.vector_store_idx %arg8[%get3A_27, %add3A_426], %get3A_423 {add = true} : memref<16x512xf32, #tpu.memory_space<vmem>>[vector<16xi32>, vector<16xi32>], vector<16xf32>,
      %get3A_427 = arith.constant 57 : i32
      %get3A_428 = arith.index_cast %get3A_427 : i32 to index
      %get3A_429 = arith.index_cast %mul3A_26 : i32 to index
      %get3A_430 = tpu.vector_load %arg7[%get3A_428, %get3A_429] {strides = array<i32>} : memref<64x512xf32, #tpu.memory_space<vmem>>, vector<16xf32>,
      %add3A_431 = arith.constant 448 : i32
      %add3A_432 = vector.broadcast %add3A_431 : i32 to vector<16xi32>
      %add3A_433 = arith.addi %iota3A, %add3A_432 : vector<16xi32>
      tpu.vector_store_idx %arg9[%get3A_27, %add3A_433], %get3A_430 {add = true} : memref<16x512xf32, #tpu.memory_space<vmem>>[vector<16xi32>, vector<16xi32>], vector<16xf32>,
      %get3A_434 = arith.constant 58 : i32
      %get3A_435 = arith.index_cast %get3A_434 : i32 to index
      %get3A_436 = arith.index_cast %mul3A_26 : i32 to index
      %get3A_437 = tpu.vector_load %arg7[%get3A_435, %get3A_436] {strides = array<i32>} : memref<64x512xf32, #tpu.memory_space<vmem>>, vector<16xf32>,
      %add3A_438 = arith.constant 464 : i32
      %add3A_439 = vector.broadcast %add3A_438 : i32 to vector<16xi32>
      %add3A_440 = arith.addi %iota3A, %add3A_439 : vector<16xi32>
      tpu.vector_store_idx %arg8[%get3A_27, %add3A_440], %get3A_437 {add = true} : memref<16x512xf32, #tpu.memory_space<vmem>>[vector<16xi32>, vector<16xi32>], vector<16xf32>,
      %get3A_441 = arith.constant 59 : i32
      %get3A_442 = arith.index_cast %get3A_441 : i32 to index
      %get3A_443 = arith.index_cast %mul3A_26 : i32 to index
      %get3A_444 = tpu.vector_load %arg7[%get3A_442, %get3A_443] {strides = array<i32>} : memref<64x512xf32, #tpu.memory_space<vmem>>, vector<16xf32>,
      %add3A_445 = arith.constant 464 : i32
      %add3A_446 = vector.broadcast %add3A_445 : i32 to vector<16xi32>
      %add3A_447 = arith.addi %iota3A, %add3A_446 : vector<16xi32>
      tpu.vector_store_idx %arg9[%get3A_27, %add3A_447], %get3A_444 {add = true} : memref<16x512xf32, #tpu.memory_space<vmem>>[vector<16xi32>, vector<16xi32>], vector<16xf32>,
      %get3A_448 = arith.constant 60 : i32
      %get3A_449 = arith.index_cast %get3A_448 : i32 to index
      %get3A_450 = arith.index_cast %mul3A_26 : i32 to index
      %get3A_451 = tpu.vector_load %arg7[%get3A_449, %get3A_450] {strides = array<i32>} : memref<64x512xf32, #tpu.memory_space<vmem>>, vector<16xf32>,
      %add3A_452 = arith.constant 480 : i32
      %add3A_453 = vector.broadcast %add3A_452 : i32 to vector<16xi32>
      %add3A_454 = arith.addi %iota3A, %add3A_453 : vector<16xi32>
      tpu.vector_store_idx %arg8[%get3A_27, %add3A_454], %get3A_451 {add = true} : memref<16x512xf32, #tpu.memory_space<vmem>>[vector<16xi32>, vector<16xi32>], vector<16xf32>,
      %get3A_455 = arith.constant 61 : i32
      %get3A_456 = arith.index_cast %get3A_455 : i32 to index
      %get3A_457 = arith.index_cast %mul3A_26 : i32 to index
      %get3A_458 = tpu.vector_load %arg7[%get3A_456, %get3A_457] {strides = array<i32>} : memref<64x512xf32, #tpu.memory_space<vmem>>, vector<16xf32>,
      %add3A_459 = arith.constant 480 : i32
      %add3A_460 = vector.broadcast %add3A_459 : i32 to vector<16xi32>
      %add3A_461 = arith.addi %iota3A, %add3A_460 : vector<16xi32>
      tpu.vector_store_idx %arg9[%get3A_27, %add3A_461], %get3A_458 {add = true} : memref<16x512xf32, #tpu.memory_space<vmem>>[vector<16xi32>, vector<16xi32>], vector<16xf32>,
      %get3A_462 = arith.constant 62 : i32
      %get3A_463 = arith.index_cast %get3A_462 : i32 to index
      %get3A_464 = arith.index_cast %mul3A_26 : i32 to index
      %get3A_465 = tpu.vector_load %arg7[%get3A_463, %get3A_464] {strides = array<i32>} : memref<64x512xf32, #tpu.memory_space<vmem>>, vector<16xf32>,
      %add3A_466 = arith.constant 496 : i32
      %add3A_467 = vector.broadcast %add3A_466 : i32 to vector<16xi32>
      %add3A_468 = arith.addi %iota3A, %add3A_467 : vector<16xi32>
      tpu.vector_store_idx %arg8[%get3A_27, %add3A_468], %get3A_465 {add = true} : memref<16x512xf32, #tpu.memory_space<vmem>>[vector<16xi32>, vector<16xi32>], vector<16xf32>,
      %get3A_469 = arith.constant 63 : i32
      %get3A_470 = arith.index_cast %get3A_469 : i32 to index
      %get3A_471 = arith.index_cast %mul3A_26 : i32 to index
      %get3A_472 = tpu.vector_load %arg7[%get3A_470, %get3A_471] {strides = array<i32>} : memref<64x512xf32, #tpu.memory_space<vmem>>, vector<16xf32>,
      %add3A_473 = arith.constant 496 : i32
      %add3A_474 = vector.broadcast %add3A_473 : i32 to vector<16xi32>
      %add3A_475 = arith.addi %iota3A, %add3A_474 : vector<16xi32>
      tpu.vector_store_idx %arg9[%get3A_27, %add3A_475], %get3A_472 {add = true} : memref<16x512xf32, #tpu.memory_space<vmem>>[vector<16xi32>, vector<16xi32>], vector<16xf32>,
      %scan3A_476 = arith.constant 0 : i32
      scf.yield %scan3A_476 : i32
    }
    %scan3A_20 = arith.constant 32 : i32
    "tpu.region"() ({
      %run_scoped3A = tpu.sem_alloc : memref<!tpu.dma_semaphore, #tpu.memory_space<semaphore_mem>>
      %dma_start3A = arith.constant 0 : i32
      %dma_start3A_21 = arith.constant 0 : i32
      %dma_start3A_22 = tpu.memref_slice %arg4[%add3A, %dma_start3A, %dma_start3A_21] : memref<32x16x1024xf32, #tpu.memory_space<hbm>> -> memref<1x16x512xf32, #tpu.memory_space<hbm>>
      %dma_start3A_23 = tpu.memref_squeeze %dma_start3A_22 : memref<1x16x512xf32, #tpu.memory_space<hbm>> -> memref<16x512xf32, #tpu.memory_space<hbm>>
      %dma_start3A_24 = arith.constant 0 : i32
      %dma_start3A_25 = arith.constant 0 : i32
      %dma_start3A_26 = tpu.memref_slice %arg4[%add3A, %dma_start3A_24, %dma_start3A_25] : memref<32x16x1024xf32, #tpu.memory_space<hbm>> -> memref<1x16x512xf32, #tpu.memory_space<hbm>>
      %dma_start3A_27 = tpu.memref_squeeze %dma_start3A_26 : memref<1x16x512xf32, #tpu.memory_space<hbm>> -> memref<16x512xf32, #tpu.memory_space<hbm>>
      tpu.enqueue_dma source(%arg8 : memref<16x512xf32, #tpu.memory_space<vmem>>) target(%dma_start3A_27 : memref<16x512xf32, #tpu.memory_space<hbm>>) target_semaphore(%run_scoped3A : memref<!tpu.dma_semaphore, #tpu.memory_space<semaphore_mem>>)
      %dma_wait3A = arith.constant 0 : i32
      %dma_wait3A_28 = arith.constant 0 : i32
      %dma_wait3A_29 = tpu.memref_slice %arg4[%add3A, %dma_wait3A, %dma_wait3A_28] : memref<32x16x1024xf32, #tpu.memory_space<hbm>> -> memref<1x16x512xf32, #tpu.memory_space<hbm>>
      %dma_wait3A_30 = tpu.memref_squeeze %dma_wait3A_29 : memref<1x16x512xf32, #tpu.memory_space<hbm>> -> memref<16x512xf32, #tpu.memory_space<hbm>>
      %dma_wait3A_31 = arith.constant 0 : i32
      %dma_wait3A_32 = arith.constant 0 : i32
      %dma_wait3A_33 = tpu.memref_slice %arg4[%add3A, %dma_wait3A_31, %dma_wait3A_32] : memref<32x16x1024xf32, #tpu.memory_space<hbm>> -> memref<1x16x512xf32, #tpu.memory_space<hbm>>
      %dma_wait3A_34 = tpu.memref_squeeze %dma_wait3A_33 : memref<1x16x512xf32, #tpu.memory_space<hbm>> -> memref<16x512xf32, #tpu.memory_space<hbm>>
      tpu.wait_dma2 semaphore(%run_scoped3A : memref<!tpu.dma_semaphore, #tpu.memory_space<semaphore_mem>>) src(%arg8 : memref<16x512xf32, #tpu.memory_space<vmem>>) dst(%dma_wait3A_34 : memref<16x512xf32, #tpu.memory_space<hbm>>)
      tpu.yield
    }) : () -> ()
    "tpu.region"() ({
      %run_scoped3A = tpu.sem_alloc : memref<!tpu.dma_semaphore, #tpu.memory_space<semaphore_mem>>
      %dma_start3A = arith.constant 0 : i32
      %dma_start3A_21 = arith.constant 512 : i32
      %dma_start3A_22 = tpu.memref_slice %arg4[%add3A, %dma_start3A, %dma_start3A_21] : memref<32x16x1024xf32, #tpu.memory_space<hbm>> -> memref<1x16x512xf32, #tpu.memory_space<hbm>>
      %dma_start3A_23 = tpu.memref_squeeze %dma_start3A_22 : memref<1x16x512xf32, #tpu.memory_space<hbm>> -> memref<16x512xf32, #tpu.memory_space<hbm>>
      %dma_start3A_24 = arith.constant 0 : i32
      %dma_start3A_25 = arith.constant 512 : i32
      %dma_start3A_26 = tpu.memref_slice %arg4[%add3A, %dma_start3A_24, %dma_start3A_25] : memref<32x16x1024xf32, #tpu.memory_space<hbm>> -> memref<1x16x512xf32, #tpu.memory_space<hbm>>
      %dma_start3A_27 = tpu.memref_squeeze %dma_start3A_26 : memref<1x16x512xf32, #tpu.memory_space<hbm>> -> memref<16x512xf32, #tpu.memory_space<hbm>>
      tpu.enqueue_dma source(%arg9 : memref<16x512xf32, #tpu.memory_space<vmem>>) target(%dma_start3A_27 : memref<16x512xf32, #tpu.memory_space<hbm>>) target_semaphore(%run_scoped3A : memref<!tpu.dma_semaphore, #tpu.memory_space<semaphore_mem>>)
      %dma_wait3A = arith.constant 0 : i32
      %dma_wait3A_28 = arith.constant 512 : i32
      %dma_wait3A_29 = tpu.memref_slice %arg4[%add3A, %dma_wait3A, %dma_wait3A_28] : memref<32x16x1024xf32, #tpu.memory_space<hbm>> -> memref<1x16x512xf32, #tpu.memory_space<hbm>>
      %dma_wait3A_30 = tpu.memref_squeeze %dma_wait3A_29 : memref<1x16x512xf32, #tpu.memory_space<hbm>> -> memref<16x512xf32, #tpu.memory_space<hbm>>
      %dma_wait3A_31 = arith.constant 0 : i32
      %dma_wait3A_32 = arith.constant 512 : i32
      %dma_wait3A_33 = tpu.memref_slice %arg4[%add3A, %dma_wait3A_31, %dma_wait3A_32] : memref<32x16x1024xf32, #tpu.memory_space<hbm>> -> memref<1x16x512xf32, #tpu.memory_space<hbm>>
      %dma_wait3A_34 = tpu.memref_squeeze %dma_wait3A_33 : memref<1x16x512xf32, #tpu.memory_space<hbm>> -> memref<16x512xf32, #tpu.memory_space<hbm>>
      tpu.wait_dma2 semaphore(%run_scoped3A : memref<!tpu.dma_semaphore, #tpu.memory_space<semaphore_mem>>) src(%arg9 : memref<16x512xf32, #tpu.memory_space<vmem>>) dst(%dma_wait3A_34 : memref<16x512xf32, #tpu.memory_space<hbm>>)
      tpu.yield
    }) : () -> ()
    "tpu.region"() ({
      %run_scoped3A = tpu.sem_alloc : memref<!tpu.dma_semaphore, #tpu.memory_space<semaphore_mem>>
      %dma_start3A = arith.constant 0 : i32
      %dma_start3A_21 = arith.constant 0 : i32
      %dma_start3A_22 = tpu.memref_slice %arg5[%add3A, %dma_start3A, %dma_start3A_21] : memref<32x16x16xf32, #tpu.memory_space<hbm>> -> memref<1x16x16xf32, #tpu.memory_space<hbm>>
      %dma_start3A_23 = tpu.memref_squeeze %dma_start3A_22 : memref<1x16x16xf32, #tpu.memory_space<hbm>> -> memref<16x16xf32, #tpu.memory_space<hbm>>
      %dma_start3A_24 = arith.constant 0 : i32
      %dma_start3A_25 = arith.constant 0 : i32
      %dma_start3A_26 = tpu.memref_slice %arg5[%add3A, %dma_start3A_24, %dma_start3A_25] : memref<32x16x16xf32, #tpu.memory_space<hbm>> -> memref<1x16x16xf32, #tpu.memory_space<hbm>>
      %dma_start3A_27 = tpu.memref_squeeze %dma_start3A_26 : memref<1x16x16xf32, #tpu.memory_space<hbm>> -> memref<16x16xf32, #tpu.memory_space<hbm>>
      tpu.enqueue_dma source(%arg10 : memref<16x16xf32, #tpu.memory_space<vmem>>) target(%dma_start3A_27 : memref<16x16xf32, #tpu.memory_space<hbm>>) target_semaphore(%run_scoped3A : memref<!tpu.dma_semaphore, #tpu.memory_space<semaphore_mem>>)
      %dma_wait3A = arith.constant 0 : i32
      %dma_wait3A_28 = arith.constant 0 : i32
      %dma_wait3A_29 = tpu.memref_slice %arg5[%add3A, %dma_wait3A, %dma_wait3A_28] : memref<32x16x16xf32, #tpu.memory_space<hbm>> -> memref<1x16x16xf32, #tpu.memory_space<hbm>>
      %dma_wait3A_30 = tpu.memref_squeeze %dma_wait3A_29 : memref<1x16x16xf32, #tpu.memory_space<hbm>> -> memref<16x16xf32, #tpu.memory_space<hbm>>
      %dma_wait3A_31 = arith.constant 0 : i32
      %dma_wait3A_32 = arith.constant 0 : i32
      %dma_wait3A_33 = tpu.memref_slice %arg5[%add3A, %dma_wait3A_31, %dma_wait3A_32] : memref<32x16x16xf32, #tpu.memory_space<hbm>> -> memref<1x16x16xf32, #tpu.memory_space<hbm>>
      %dma_wait3A_34 = tpu.memref_squeeze %dma_wait3A_33 : memref<1x16x16xf32, #tpu.memory_space<hbm>> -> memref<16x16xf32, #tpu.memory_space<hbm>>
      tpu.wait_dma2 semaphore(%run_scoped3A : memref<!tpu.dma_semaphore, #tpu.memory_space<semaphore_mem>>) src(%arg10 : memref<16x16xf32, #tpu.memory_space<vmem>>) dst(%dma_wait3A_34 : memref<16x16xf32, #tpu.memory_space<hbm>>)
      tpu.yield
    }) : () -> ()
    return
  }
}

module attributes {stable_mosaic.version = 14 : i64} {
  func.func @_tc_matmul(%arg0: i32, %arg1: memref<4096x512xf32, #tpu.memory_space<vmem>>, %arg2: memref<64x512xf32, #tpu.memory_space<vmem>>, %arg3: memref<64x4096xf32, #tpu.memory_space<vmem>>) attributes {dimension_semantics = [#tpu.dimension_semantics<arbitrary>], iteration_bounds = array<i64: 4>, scalar_prefetch = 0 : i64, scratch_operands = 0 : i64, tpu.core_type = #tpu.core_type<tc>, window_params = [{transform_indices = @transform_0, window_bounds = array<i64: 4096, 512>}, {pipeline_mode = #tpu.pipeline_mode<synchronous>, transform_indices = @transform_1, window_bounds = array<i64: 64, 512>}, {transform_indices = @transform_2, window_bounds = array<i64: 64, 4096>}]} {
    %get3A = arith.constant 0 : index
    %get3A_0 = arith.constant 0 : index
    %get3A_1 = vector.load %arg2[%get3A, %get3A_0] : memref<64x512xf32, #tpu.memory_space<vmem>>, vector<64x512xf32>
    %get3A_2 = arith.constant 0 : index
    %get3A_3 = arith.constant 0 : index
    %get3A_4 = vector.load %arg1[%get3A_2, %get3A_3] : memref<4096x512xf32, #tpu.memory_space<vmem>>, vector<4096x512xf32>
    %dot_general3A = arith.constant dense<0.000000e+00> : vector<64x4096xf32>
    %dot_general3A_5 = tpu.matmul %get3A_1, %get3A_4, %dot_general3A {dimension_numbers = #tpu.dot_dimension_numbers<[1], [1], [0], [0], [0, 0, 1, 0], [], []>, transpose_lhs_hint = false} : vector<64x512xf32>, vector<4096x512xf32>, vector<64x4096xf32> -> vector<64x4096xf32>
    %swap3A = arith.constant 0 : index
    %swap3A_6 = arith.constant 0 : index
    %swap3A_7 = vector.load %arg3[%swap3A, %swap3A_6] : memref<64x4096xf32, #tpu.memory_space<vmem>>, vector<64x4096xf32>
    tpu.vector_store %arg3[%swap3A, %swap3A_6], %dot_general3A_5 {strides = array<i32>} : memref<64x4096xf32, #tpu.memory_space<vmem>>, vector<64x4096xf32>,
    return
  }
  func.func @transform_0(%arg0: i32) -> (i32, i32) {
    %add3A = arith.constant 4 : i32
    %add3A_0 = arith.addi %add3A, %arg0 : i32
    %c0_i32 = arith.constant 0 : i32
    %c0_i32_1 = arith.constant 0 : i32
    return %add3A_0, %c0_i32 : i32, i32
  }
  func.func @transform_1(%arg0: i32) -> (i32, i32) {
    %c0_i32 = arith.constant 0 : i32
    %c0_i32_0 = arith.constant 0 : i32
    %c0_i32_1 = arith.constant 0 : i32
    return %c0_i32, %c0_i32_0 : i32, i32
  }
  func.func @transform_2(%arg0: i32) -> (i32, i32) {
    %c0_i32 = arith.constant 0 : i32
    %c0_i32_0 = arith.constant 0 : i32
    return %c0_i32, %arg0 : i32, i32
  }
}

module attributes {stable_mosaic.version = 14 : i64} {
  func.func @_tc_finish(%arg0: memref<32x16x1024xf32, #tpu.memory_space<vmem>>, %arg1: memref<32x16x1024xf32, #tpu.memory_space<vmem>>, %arg2: memref<32x16x16xf32, #tpu.memory_space<vmem>>, %arg3: memref<32x16x16xf32, #tpu.memory_space<vmem>>, %arg4: memref<1x64xf32, #tpu.memory_space<vmem>>, %arg5: memref<16x64xf32, #tpu.memory_space<vmem>>) attributes {dimension_semantics = [], scalar_prefetch = 0 : i64, scratch_operands = 0 : i64, tpu.core_type = #tpu.core_type<tc>} {
    %get3A = arith.constant 0 : index
    %get3A_0 = arith.constant 0 : index
    %get3A_1 = arith.constant 0 : index
    %get3A_2 = vector.load %arg0[%get3A, %get3A_0, %get3A_1] : memref<32x16x1024xf32, #tpu.memory_space<vmem>>, vector<32x16x1024xf32>
    %reduce_sum3A = arith.constant dense<0.000000e+00> : vector<16x1024xf32>
    %reduce_sum3A_3 = vector.multi_reduction <add>, %get3A_2, %reduce_sum3A [0] : vector<32x16x1024xf32> to vector<16x1024xf32>
    %get3A_4 = arith.constant 0 : index
    %get3A_5 = arith.constant 0 : index
    %get3A_6 = arith.constant 0 : index
    %get3A_7 = vector.load %arg1[%get3A_4, %get3A_5, %get3A_6] : memref<32x16x1024xf32, #tpu.memory_space<vmem>>, vector<32x16x1024xf32>
    %reduce_sum3A_8 = arith.constant dense<0.000000e+00> : vector<16x1024xf32>
    %reduce_sum3A_9 = vector.multi_reduction <add>, %get3A_7, %reduce_sum3A_8 [0] : vector<32x16x1024xf32> to vector<16x1024xf32>
    %add3A = arith.addf %reduce_sum3A_3, %reduce_sum3A_9 : vector<16x1024xf32>
    %iota3A = tpu.iota {dimensions = array<i32: 0>} : vector<1024x64xi32>
    %iota3A_10 = tpu.iota {dimensions = array<i32: 1>} : vector<1024x64xi32>
    %lt3A = arith.constant 512 : i32
    %lt3A_11 = vector.broadcast %lt3A : i32 to vector<1024x64xi32>
    %lt3A_12 = arith.cmpi slt, %iota3A, %lt3A_11 : vector<1024x64xi32>
    %jit3A = arith.constant 16 : i32
    %div3A = vector.broadcast %jit3A : i32 to vector<1024x64xi32>
    %div3A_13 = arith.divsi %iota3A, %div3A : vector<1024x64xi32>
    %sign3A = arith.constant 0 : i32
    %sign3A_14 = vector.broadcast %sign3A : i32 to vector<1024x64xi32>
    %sign3A_15 = arith.cmpi sgt, %iota3A, %sign3A_14 : vector<1024x64xi32>
    %sign3A_16 = arith.extui %sign3A_15 : vector<1024x64xi1> to vector<1024x64xi32>
    %sign3A_17 = arith.constant 0 : i32
    %sign3A_18 = vector.broadcast %sign3A_17 : i32 to vector<1024x64xi32>
    %sign3A_19 = arith.cmpi slt, %iota3A, %sign3A_18 : vector<1024x64xi32>
    %sign3A_20 = arith.extui %sign3A_19 : vector<1024x64xi1> to vector<1024x64xi32>
    %sign3A_21 = arith.subi %sign3A_16, %sign3A_20 : vector<1024x64xi32>
    %sign3A_22 = arith.constant 0 : i32
    %sign3A_23 = arith.cmpi sgt, %jit3A, %sign3A_22 : i32
    %sign3A_24 = arith.extui %sign3A_23 : i1 to i32
    %sign3A_25 = arith.constant 0 : i32
    %sign3A_26 = arith.cmpi slt, %jit3A, %sign3A_25 : i32
    %sign3A_27 = arith.extui %sign3A_26 : i1 to i32
    %sign3A_28 = arith.subi %sign3A_24, %sign3A_27 : i32
    %ne3A = vector.broadcast %sign3A_28 : i32 to vector<1024x64xi32>
    %ne3A_29 = arith.cmpi ne, %sign3A_21, %ne3A : vector<1024x64xi32>
    %rem3A = vector.broadcast %jit3A : i32 to vector<1024x64xi32>
    %rem3A_30 = arith.remsi %iota3A, %rem3A : vector<1024x64xi32>
    %ne3A_31 = arith.constant 0 : i32
    %ne3A_32 = vector.broadcast %ne3A_31 : i32 to vector<1024x64xi32>
    %ne3A_33 = arith.cmpi ne, %rem3A_30, %ne3A_32 : vector<1024x64xi32>
    %and3A = arith.andi %ne3A_29, %ne3A_33 : vector<1024x64xi1>
    %sub3A = arith.constant 1 : i32
    %sub3A_34 = vector.broadcast %sub3A : i32 to vector<1024x64xi32>
    %sub3A_35 = arith.subi %div3A_13, %sub3A_34 : vector<1024x64xi32>
    %select_n3A = arith.select %and3A, %sub3A_35, %div3A_13 : vector<1024x64xi1>, vector<1024x64xi32>
    %mul3A = arith.constant 2 : i32
    %mul3A_36 = vector.broadcast %mul3A : i32 to vector<1024x64xi32>
    %mul3A_37 = arith.muli %mul3A_36, %select_n3A : vector<1024x64xi32>
    %eq3A = arith.cmpi eq, %iota3A_10, %mul3A_37 : vector<1024x64xi32>
    %and3A_38 = arith.andi %lt3A_12, %eq3A : vector<1024x64xi1>
    %ge3A = arith.constant 512 : i32
    %ge3A_39 = vector.broadcast %ge3A : i32 to vector<1024x64xi32>
    %ge3A_40 = arith.cmpi sge, %iota3A, %ge3A_39 : vector<1024x64xi32>
    %sub3A_41 = arith.constant 512 : i32
    %sub3A_42 = vector.broadcast %sub3A_41 : i32 to vector<1024x64xi32>
    %sub3A_43 = arith.subi %iota3A, %sub3A_42 : vector<1024x64xi32>
    %jit3A_44 = arith.constant 16 : i32
    %div3A_45 = vector.broadcast %jit3A_44 : i32 to vector<1024x64xi32>
    %div3A_46 = arith.divsi %sub3A_43, %div3A_45 : vector<1024x64xi32>
    %sign3A_47 = arith.constant 0 : i32
    %sign3A_48 = vector.broadcast %sign3A_47 : i32 to vector<1024x64xi32>
    %sign3A_49 = arith.cmpi sgt, %sub3A_43, %sign3A_48 : vector<1024x64xi32>
    %sign3A_50 = arith.extui %sign3A_49 : vector<1024x64xi1> to vector<1024x64xi32>
    %sign3A_51 = arith.constant 0 : i32
    %sign3A_52 = vector.broadcast %sign3A_51 : i32 to vector<1024x64xi32>
    %sign3A_53 = arith.cmpi slt, %sub3A_43, %sign3A_52 : vector<1024x64xi32>
    %sign3A_54 = arith.extui %sign3A_53 : vector<1024x64xi1> to vector<1024x64xi32>
    %sign3A_55 = arith.subi %sign3A_50, %sign3A_54 : vector<1024x64xi32>
    %sign3A_56 = arith.constant 0 : i32
    %sign3A_57 = arith.cmpi sgt, %jit3A_44, %sign3A_56 : i32
    %sign3A_58 = arith.extui %sign3A_57 : i1 to i32
    %sign3A_59 = arith.constant 0 : i32
    %sign3A_60 = arith.cmpi slt, %jit3A_44, %sign3A_59 : i32
    %sign3A_61 = arith.extui %sign3A_60 : i1 to i32
    %sign3A_62 = arith.subi %sign3A_58, %sign3A_61 : i32
    %ne3A_63 = vector.broadcast %sign3A_62 : i32 to vector<1024x64xi32>
    %ne3A_64 = arith.cmpi ne, %sign3A_55, %ne3A_63 : vector<1024x64xi32>
    %rem3A_65 = vector.broadcast %jit3A_44 : i32 to vector<1024x64xi32>
    %rem3A_66 = arith.remsi %sub3A_43, %rem3A_65 : vector<1024x64xi32>
    %ne3A_67 = arith.constant 0 : i32
    %ne3A_68 = vector.broadcast %ne3A_67 : i32 to vector<1024x64xi32>
    %ne3A_69 = arith.cmpi ne, %rem3A_66, %ne3A_68 : vector<1024x64xi32>
    %and3A_70 = arith.andi %ne3A_64, %ne3A_69 : vector<1024x64xi1>
    %sub3A_71 = arith.constant 1 : i32
    %sub3A_72 = vector.broadcast %sub3A_71 : i32 to vector<1024x64xi32>
    %sub3A_73 = arith.subi %div3A_46, %sub3A_72 : vector<1024x64xi32>
    %select_n3A_74 = arith.select %and3A_70, %sub3A_73, %div3A_46 : vector<1024x64xi1>, vector<1024x64xi32>
    %mul3A_75 = arith.constant 2 : i32
    %mul3A_76 = vector.broadcast %mul3A_75 : i32 to vector<1024x64xi32>
    %mul3A_77 = arith.muli %mul3A_76, %select_n3A_74 : vector<1024x64xi32>
    %add3A_78 = arith.constant 1 : i32
    %add3A_79 = vector.broadcast %add3A_78 : i32 to vector<1024x64xi32>
    %add3A_80 = arith.addi %mul3A_77, %add3A_79 : vector<1024x64xi32>
    %eq3A_81 = arith.cmpi eq, %iota3A_10, %add3A_80 : vector<1024x64xi32>
    %and3A_82 = arith.andi %ge3A_40, %eq3A_81 : vector<1024x64xi1>
    %or3A = arith.ori %and3A_38, %and3A_82 : vector<1024x64xi1>
    %convert_element_type3A = arith.extui %or3A : vector<1024x64xi1> to vector<1024x64xi32>
    %convert_element_type3A_83 = arith.sitofp %convert_element_type3A : vector<1024x64xi32> to vector<1024x64xf32>
    %dot_general3A = arith.constant dense<0.000000e+00> : vector<16x64xf32>
    %dot_general3A_84 = tpu.matmul %add3A, %convert_element_type3A_83, %dot_general3A {dimension_numbers = #tpu.dot_dimension_numbers<[1], [0], [0], [1], [0, 0, 1, 1], [], []>, transpose_lhs_hint = false} : vector<16x1024xf32>, vector<1024x64xf32>, vector<16x64xf32> -> vector<16x64xf32>
    %get3A_85 = arith.constant 0 : index
    %get3A_86 = arith.constant 0 : index
    %get3A_87 = arith.constant 0 : index
    %get3A_88 = vector.load %arg2[%get3A_85, %get3A_86, %get3A_87] : memref<32x16x16xf32, #tpu.memory_space<vmem>>, vector<32x16x16xf32>
    %reduce_sum3A_89 = arith.constant dense<0.000000e+00> : vector<16x16xf32>
    %reduce_sum3A_90 = vector.multi_reduction <add>, %get3A_88, %reduce_sum3A_89 [0] : vector<32x16x16xf32> to vector<16x16xf32>
    %get3A_91 = arith.constant 0 : index
    %get3A_92 = arith.constant 0 : index
    %get3A_93 = arith.constant 0 : index
    %get3A_94 = vector.load %arg3[%get3A_91, %get3A_92, %get3A_93] : memref<32x16x16xf32, #tpu.memory_space<vmem>>, vector<32x16x16xf32>
    %reduce_sum3A_95 = arith.constant dense<0.000000e+00> : vector<16x16xf32>
    %reduce_sum3A_96 = vector.multi_reduction <add>, %get3A_94, %reduce_sum3A_95 [0] : vector<32x16x16xf32> to vector<16x16xf32>
    %add3A_97 = arith.addf %reduce_sum3A_90, %reduce_sum3A_96 : vector<16x16xf32>
    %reduce_sum3A_98 = arith.constant dense<0.000000e+00> : vector<16xf32>
    %reduce_sum3A_99 = vector.multi_reduction <add>, %add3A_97, %reduce_sum3A_98 [1] : vector<16x16xf32> to vector<16xf32>
    %broadcast_in_dim3A = vector.shape_cast %reduce_sum3A_99 : vector<16xf32> to vector<16x1xf32>
    %max3A = arith.constant 1.000000e+00 : f32
    %max3A_100 = vector.broadcast %max3A : f32 to vector<16x1xf32>
    %max3A_101 = arith.maximumf %broadcast_in_dim3A, %max3A_100 : vector<16x1xf32>
    %div3A_102 = vector.broadcast %max3A_101 : vector<16x1xf32> to vector<16x64xf32>
    %div3A_103 = arith.divf %dot_general3A_84, %div3A_102 : vector<16x64xf32>
    %get3A_104 = arith.constant 0 : index
    %get3A_105 = arith.constant 0 : index
    %get3A_106 = vector.load %arg4[%get3A_104, %get3A_105] : memref<1x64xf32, #tpu.memory_space<vmem>>, vector<1x64xf32>
    %add3A_107 = vector.broadcast %get3A_106 : vector<1x64xf32> to vector<16x64xf32>
    %add3A_108 = arith.addf %div3A_103, %add3A_107 : vector<16x64xf32>
    %swap3A = arith.constant 0 : index
    %swap3A_109 = arith.constant 0 : index
    %swap3A_110 = vector.load %arg5[%swap3A, %swap3A_109] : memref<16x64xf32, #tpu.memory_space<vmem>>, vector<16x64xf32>
    tpu.vector_store %arg5[%swap3A, %swap3A_109], %add3A_108 {strides = array<i32>} : memref<16x64xf32, #tpu.memory_space<vmem>>, vector<16x64xf32>,
    return
  }
}

module attributes {stable_mosaic.version = 14 : i64} {
  func.func @_tc_matmul(%arg0: i32, %arg1: memref<4096x512xf32, #tpu.memory_space<vmem>>, %arg2: memref<64x512xf32, #tpu.memory_space<vmem>>, %arg3: memref<64x4096xf32, #tpu.memory_space<vmem>>) attributes {dimension_semantics = [#tpu.dimension_semantics<arbitrary>], iteration_bounds = array<i64: 4>, scalar_prefetch = 0 : i64, scratch_operands = 0 : i64, tpu.core_type = #tpu.core_type<tc>, window_params = [{transform_indices = @transform_0, window_bounds = array<i64: 4096, 512>}, {pipeline_mode = #tpu.pipeline_mode<synchronous>, transform_indices = @transform_1, window_bounds = array<i64: 64, 512>}, {transform_indices = @transform_2, window_bounds = array<i64: 64, 4096>}]} {
    %get3A = arith.constant 0 : index
    %get3A_0 = arith.constant 0 : index
    %get3A_1 = vector.load %arg2[%get3A, %get3A_0] : memref<64x512xf32, #tpu.memory_space<vmem>>, vector<64x512xf32>
    %get3A_2 = arith.constant 0 : index
    %get3A_3 = arith.constant 0 : index
    %get3A_4 = vector.load %arg1[%get3A_2, %get3A_3] : memref<4096x512xf32, #tpu.memory_space<vmem>>, vector<4096x512xf32>
    %dot_general3A = arith.constant dense<0.000000e+00> : vector<64x4096xf32>
    %dot_general3A_5 = tpu.matmul %get3A_1, %get3A_4, %dot_general3A {dimension_numbers = #tpu.dot_dimension_numbers<[1], [1], [0], [0], [0, 0, 1, 0], [], []>, transpose_lhs_hint = false} : vector<64x512xf32>, vector<4096x512xf32>, vector<64x4096xf32> -> vector<64x4096xf32>
    %swap3A = arith.constant 0 : index
    %swap3A_6 = arith.constant 0 : index
    %swap3A_7 = vector.load %arg3[%swap3A, %swap3A_6] : memref<64x4096xf32, #tpu.memory_space<vmem>>, vector<64x4096xf32>
    tpu.vector_store %arg3[%swap3A, %swap3A_6], %dot_general3A_5 {strides = array<i32>} : memref<64x4096xf32, #tpu.memory_space<vmem>>, vector<64x4096xf32>,
    return
  }
  func.func @transform_0(%arg0: i32) -> (i32, i32) {
    %add3A = arith.constant 0 : i32
    %add3A_0 = arith.addi %add3A, %arg0 : i32
    %c0_i32 = arith.constant 0 : i32
    %c0_i32_1 = arith.constant 0 : i32
    return %add3A_0, %c0_i32 : i32, i32
  }
  func.func @transform_1(%arg0: i32) -> (i32, i32) {
    %c0_i32 = arith.constant 0 : i32
    %c0_i32_0 = arith.constant 0 : i32
    %c0_i32_1 = arith.constant 0 : i32
    return %c0_i32, %c0_i32_0 : i32, i32
  }
  func.func @transform_2(%arg0: i32) -> (i32, i32) {
    %c0_i32 = arith.constant 0 : i32
    %c0_i32_0 = arith.constant 0 : i32
    return %c0_i32, %arg0 : i32, i32
  }
}

</mosaic_0001>

<sc_bundles>
// kernel: sc_segment_sums_h0.3.cloned.1.call-start
scs
__scs_entry_jumppad:
0x0: {  	(pc) =	sbr.rel $0x88, $3  }
0x1: {  	(tag) =	ssettag $0x0;
	lr =	simm.s32 $0x1  }
0x2: {  	[smem:$0x3F9D] =	sst lr;
	_ =	strace $0xD0000000  }
0x3: {  	_ = 	snop  }
0x4: {  	_ = 	snop  }
0x5: {  	_ = 	snop  }
0x6: {  	_ = 	snop  }
0x7: {  	_ = 	snop  }
__scs_overlays_trampoline_lowered:
0x8: {  	[smem:$0x3FAC] =	sst s0  }
0x9: {  	[smem:$0x3FAD] =	sst s1  }
0xa: {  	[smem:$0x3FAE] =	sst s2  }
0xb: {  	[smem:$0x3FAF] =	sst s3  }
0xc: {  	[smem:$0x3FB0] =	sst s4  }
0xd: {  	[smem:$0x3FB1] =	sst s5  }
0xe: {  	[smem:$0x3FB2] =	sst s6  }
0xf: {  	[smem:$0x3FB3] =	sst s7  }
0x10: {  	[smem:$0x3FB4] =	sst s8  }
0x11: {  	[smem:$0x3FB5] =	sst s9;
	s0 =	simm.s32 @!p0 $0x0  }
0x12: {  	s1 =	sld [smem:$0x3F9B];
	s0 =	simm.s32 @p0 $0x1  }
0x13: {  	[smem:$0x3FB6] =	sst s0;
	s0 =	simm.s32 @!p1 $0x0  }
0x14: {  	s2 =	sld [smem:$0x3F9A];
	s0 =	simm.s32 @p1 $0x1  }
0x15: {  	[smem:$0x3FB7] =	sst s0;
	s0 =	simm.s32 @!p2 $0x0  }
0x16: {  	s3 =	sld [smem:$0x3FDB];
	s0 =	simm.s32 @p2 $0x1  }
0x17: {  	s4 =	simm.s32 $0x1BF5;
	[smem:$0x3FB9] =	sst s0  }
0x18: {  	s0 =	sld [smem:$0x3F9C];
	_ =	swait.ge [sflag:s4], $0x0  }
0x19: {  	s7 =	sld [smem:$0x3F9D]  }
0x1a: {  	s8 =	sadd.s32 $0xFFFFE003, lr  }
0x1b: {  	s9 =	sadd.s32 $0xFFFFFEF7, lr;
	s5 =	simm.s32 $0xFFFFFFFF;
	p2 =	slt.u32 s8, $0xFFFFF086  }
0x1c: {  	p1 =	slt.u32 s9, $0xF7A;
	s5 =	simm.s32 @!p2 $0x0  }
0x1d: {  	s5 =	simm.s32 @p1 $0x1;
	p0 =	seq.s32 s7, s2  }
0x1e: {  	s7 =	smul.u32 @!p0 $0xF7A, s2;
	p2 =	seq.s32 @!p0 s5, $0x0  }
0x1f: {  	s9 =	smul.u32 $0xF7A, s1;
	s8 =	simm.s32 @!p0 $0x1BF5;
	p2 =	por !p2, p0  }
0x20: {  	[sflag:s8] =	ssyncset.s32 @!p0 $0xFFFFF086;
	s6 =	sadd.s32 @!p0 s3, s7;
	s7 =	simm.s32 @!p0 $0x108  }
0x21: {  	s3 =	sadd.s32 s3, s9;
	s6 =	sadd.s32 @!p0 $0x88, s6;
	s7 =	simm.s32 @p2 $0x1082  }
0x22: {  	[simem:s7], [sflag:s8] =	dma.local @!p0 [hbm:s6], $0xF7A  }
0x23: {  	s9 =	sor.u32 $0xD0000000, s2;
	s6 =	simm.s32 $0x108;
	_ =	swait.ge @!p0 [sflag:s8], $0x0  }
0x24: {  	s3 =	sadd.s32 $0x88, s3;
	s6 =	simm.s32 @!p1 $0x1082;
	[sflag:s4] =	ssyncset.s32 $0xFFFFF086  }
0x25: {  	[simem:s6], [sflag:s4] =	dma.local [hbm:s3], $0xF7A  }
0x26: {  	[smem:$0x3F9D] =	sst s1;
	(tag) =	ssettag s2;
	_ =	strace s9  }
0x27: {  	s1 =	sld [smem:$0x3FAD]  }
0x28: {  	s2 =	sld [smem:$0x3FAE]  }
0x29: {  	s4 =	sld [smem:$0x3FB0]  }
0x2a: {  	p0 =	seq.s32 s5, $0x0;
	s5 =	sld [smem:$0x3FB1]  }
0x2b: {  	s6 =	sld [smem:$0x3FB2]  }
0x2c: {  	s7 =	sld [smem:$0x3FB3]  }
0x2d: {  	s3 =	simm.s32 $0x108;
	s8 =	sld [smem:$0x3FB4]  }
0x2e: {  	s3 =	simm.s32 @!p0 $0x1082;
	s9 =	sld [smem:$0x3FB5]  }
0x2f: {  	lr =	sadd.s32 s0, s3;
	s0 =	sld [smem:$0x3FAC]  }
0x30: {  	s3 =	sld [smem:$0x3FAF]  }
0x31: {  	[smem:$0x3FB8] =	sst s10  }
0x32: {  	s10 =	sld [smem:$0x3FB6];
	_ =	sdelay $0x3  }
0x33: {  	p0 =	seq.s32 s10, $0x1;
	s10 =	sld [smem:$0x3FB8];
	_ =	sdelay $0x3  }
0x34: {  	[smem:$0x3FB8] =	sst s10  }
0x35: {  	s10 =	sld [smem:$0x3FB7];
	_ =	sdelay $0x3  }
0x36: {  	p1 =	seq.s32 s10, $0x1;
	s10 =	sld [smem:$0x3FB8];
	_ =	sdelay $0x3  }
0x37: {  	[smem:$0x3FB8] =	sst s10  }
0x38: {  	s10 =	sld [smem:$0x3FB9]  }
0x39: {  	_ = 	snop;
	(pc) =	sbr.ind lr, $3  }
0x3a: {  	_ = 	snop  }
0x3b: {  	_ = 	snop  }
0x3c: {  	p2 =	seq.s32 s10, $0x1;
	s10 =	sld [smem:$0x3FB8]  }
0x3d: {  	_ =	shalt  }
0x3e: {  	_ =	shalt  }
0x3f: {  	_ =	shalt  }
0x40: {  	_ =	shalt  }
0x41: {  	_ =	shalt  }
0x42: {  	_ =	shalt  }
0x43: {  	_ =	shalt  }
0x44: {  	_ =	shalt  }
0x45: {  	_ =	shalt  }
0x46: {  	_ =	shalt  }
0x47: {  	_ =	shalt  }
0x48: {  	_ =	shalt  }
0x49: {  	_ =	shalt  }
0x4a: {  	_ =	shalt  }
0x4b: {  	_ =	shalt  }
0x4c: {  	_ =	shalt  }
0x4d: {  	_ =	shalt  }
0x4e: {  	_ =	shalt  }
0x4f: {  	_ =	shalt  }
0x50: {  	_ =	shalt  }
0x51: {  	_ =	shalt  }
0x52: {  	_ =	shalt  }
0x53: {  	_ =	shalt  }
0x54: {  	_ =	shalt  }
0x55: {  	_ =	shalt  }
0x56: {  	_ =	shalt  }
0x57: {  	_ =	shalt  }
0x58: {  	_ =	shalt  }
0x59: {  	_ =	shalt  }
0x5a: {  	_ =	shalt  }
0x5b: {  	_ =	shalt  }
0x5c: {  	_ =	shalt  }
0x5d: {  	_ =	shalt  }
0x5e: {  	_ =	shalt  }
0x5f: {  	_ =	shalt  }
0x60: {  	_ =	shalt  }
0x61: {  	_ =	shalt  }
0x62: {  	_ =	shalt  }
0x63: {  	_ =	shalt  }
0x64: {  	_ =	shalt  }
0x65: {  	_ =	shalt  }
0x66: {  	_ =	shalt  }
0x67: {  	_ =	shalt  }
0x68: {  	_ =	shalt  }
0x69: {  	_ =	shalt  }
0x6a: {  	_ =	shalt  }
0x6b: {  	_ =	shalt  }
0x6c: {  	_ =	shalt  }
0x6d: {  	_ =	shalt  }
0x6e: {  	_ =	shalt  }
0x6f: {  	_ =	shalt  }
0x70: {  	_ =	shalt  }
0x71: {  	_ =	shalt  }
0x72: {  	_ =	shalt  }
0x73: {  	_ =	shalt  }
0x74: {  	_ =	shalt  }
0x75: {  	_ =	shalt  }
0x76: {  	_ =	shalt  }
0x77: {  	_ =	shalt  }
0x78: {  	_ =	shalt  }
0x79: {  	_ =	shalt  }
0x7a: {  	_ =	shalt  }
0x7b: {  	_ =	shalt  }
0x7c: {  	_ =	shalt  }
0x7d: {  	_ =	shalt  }
0x7e: {  	_ =	shalt  }
0x7f: {  	_ =	shalt  }
0x80: {  	_ =	shalt  }
0x81: {  	_ =	shalt  }
0x82: {  	_ =	shalt  }
0x83: {  	_ =	shalt  }
0x84: {  	_ =	shalt  }
0x85: {  	_ =	shalt  }
0x86: {  	_ =	shalt  }
0x87: {  	_ =	shalt  }
.Lfunc_end0:
.L_simem_size_0:
called_computation_lowered:
.L_overlay_start_0:
0x88: {  	s2 =	sld [smem:$0x3FD9]  }
0x89: {  	s3 =	sld [smem:$0x3FFE];
	_ =	sdelay $0x1  }
0x8a: {  	s1 =	srdreg.scid  }
0x8b: {  	s0 =	sand.u32 $0x1, s1  }
0x8c: {  	s17 =	sshll.u32 s0, $0xA;
	s2 =	sadd.s32 s3, s2  }
0x8d: {  	s2 =	sadd.s32 s2, s17  }
0x8e: {  	[smem:$0x3FC4] =	sst s2  }
0x8f: {  	_ = 	snop  }
0x90: {  	s18 =	sld [smem:$0x3FC8];
	(tm) =	ssettm $0x1  }
0x91: {  	s19 =	sld [smem:$0x3FFB];
	_ =	sdelay $0x3  }
0x92: {  	_ =	strace s19  }
0x93: {  	s2 =	sld [smem:$0x3FFC];
	_ =	sdelay $0x3  }
0x94: {  	_ =	strace s2  }
0x95: {  	s2 =	sld [smem:$0x3FFD];
	_ =	sdelay $0x3  }
0x96: {  	_ =	strace s2  }
0x97: {  	_ =	strace $0x8FFFFFFF  }
0x98: {  	s20 =	sld [smem:$0x3FDB];
	_ =	sdelay $0x1  }
0x99: {  	s4 =	simm.s32 $_scs_section_size  }
0x9a: {  	s5 =	simm.s32 $_size__tile_overlayer_lowered;
	s6 =	simm.s32 $_tile_overlayer_lowered  }
0x9b: {  	s7 =	simm.s32 $0x1BFF;
	s21 =	sshll.u32 s6, $0x1;
	s4 =	sadd.s32 s4, s20  }
0x9c: {  	s22 =	simm.s32 $0x0;
	s5 =	sshll.u32 s5, $0x1;
	s6 =	sadd.s32 s21, s4  }
0x9d: {  	[timem:s22], [sflag:s7] =	dma.local [hbm:s6], s5  }
0x9e: {  	_ =	swait.ge [sflag:s7], s5  }
0x9f: {  	s5 =	ssub.s32 $0x0, s5;
	[sflag:s7] =	ssyncset.done $0x0  }
0xa0: {  	[sflag:s7] =	ssyncadd.s32 s5;
	_ =	sdelay $0x1  }
0xa1: {  	s23 =	simm.s32 $0x1B8B  }
0xa2: {  	_ =	swait.ge [sflag:s23], $0x1  }
0xa3: {  	[sflag:s23] =	ssyncset.done $0x0  }
0xa4: {  	[sflag:s23] =	ssyncadd.s32 $0xFFFFFFFF  }
0xa5: {  	s5 =	sld [smem:$0x0]  }
0xa6: {  	s6 =	sand.u32 $0xFFFFFFFE, s1  }
0xa7: {  	p0 =	sne.s32 s1, s6  }
0xa8: {  	s6 =	sshll.u32 @p0 s6, $0xE  }
0xa9: {  	s6 =	sadd.s32 @p0 $0x11B8D, s6;
	s7 =	sshll.u32 @p0 s5, $0x11  }
0xaa: {  	s6 =	sor.u32 @p0 s7, s6  }
0xab: {  	[sflag:s6] =	ssyncadd.remote.s32 @p0 $0x1;
	_ =	sdelay $0x1  }
0xac: {  	s6 =	simm.s32 @p0 $0x1B8D  }
0xad: {  	_ =	swait.eq @p0 [sflag:s6], $0x1  }
0xae: {  	[sflag:s6] =	ssyncadd.s32 @p0 $0xFFFFFFFF  }
0xaf: {  	s7 =	sshll.u32 @!p0 s1, $0xE  }
0xb0: {  	s7 =	sor.u32 @!p0 $0x4000, s7;
	s6 =	simm.s32 @!p0 $0x1B8D  }
0xb1: {  	s5 =	sshll.u32 @!p0 s5, $0x11;
	s7 =	sadd.s32 @!p0 $0x11B8D, s7;
	_ =	swait.eq @!p0 [sflag:s6], $0x1  }
0xb2: {  	s5 =	sor.u32 @!p0 s5, s7;
	[sflag:s6] =	ssyncadd.s32 @!p0 $0xFFFFFFFF  }
0xb3: {  	s25 =	simm.s32 $0x1B8E;
	s24 =	sld [smem:$0x3FFE];
	[sflag:s5] =	ssyncadd.remote.s32 @!p0 $0x1  }
0xb4: {  	s26 =	simm.s32 $execute0_lowered;
	[smem:$0x3FD2] =	sst s25  }
0xb5: {  	s6 =	sshll.u32 s26, $0x1;
	_ =	strace $0x80000049;
	[dreg:$0x1] =	wrdreg $0xFFFFFFFF  }
0xb6: {  	s28 =	simm.s32 $_size_execute0_lowered;
	s4 =	sadd.s32 s4, s6;
	[dreg:$0x0] =	wrdreg $0x0  }
0xb7: {  	s6 =	sshll.u32 s28, $0x1;
	[dreg:$0x2] =	wrdreg s4  }
0xb8: {  	[dreg:$0x3] =	wrdreg s6  }
0xb9: {  	[dreg:$0x4] =	wrdreg $0xC0  }
0xba: {  	_ =	task [dreg:s22], $0x5FFFF  }
0xbb: {  	[dreg:$0x1] =	wrdreg $0xFFFFFFFF  }
0xbc: {  	[dreg:$0x0] =	wrdreg $0x60  }
0xbd: {  	[dreg:$0x2] =	wrdreg s24  }
0xbe: {  	[dreg:$0x3] =	wrdreg s18  }
0xbf: {  	[dreg:$0x4] =	wrdreg $0x9  }
0xc0: {  	_ =	task.clear_ibuf [dreg:s22], $0x5FFFF;
	_ =	strace $0x90000049  }
0xc1: {  	s29 =	simm.s32 $0x9;
	_ =	strace $0x8000004B  }
0xc2: {  	_ =	swait.ge [sflag:s29], $0x1  }
0xc3: {  	[sflag:s29] =	ssyncadd.s32 $0xFFFFFFFF  }
0xc4: {  	_ =	strace $0x9000004B  }
0xc5: {  	_ =	sfence  }
0xc6: {  	s30 =	sld [smem:$0x0];
	_ =	sdelay $0x2  }
0xc7: {  	s31 =	sshll.u32 s1, $0xD;
	s1 =	sshrl.u32 s1, $0x2  }
0xc8: {  	s4 =	sand.u32 $0x4000, s31;
	s1 =	sadd.s32 s1, s30  }
0xc9: {  	s0 =	sor.u32 s4, s0;
	s1 =	sshll.u32 s1, $0x11  }
0xca: {  	s0 =	sor.u32 s1, s0  }
0xcb: {  	s0 =	sadd.s32 $0x8F2B, s0  }
0xcc: {  	[sflag:s0] =	ssyncadd.remote.s32 $0x1  }
0xcd: {  	_ =	sfence.sel $0xFFFF  }
0xce: {  	[dreg:$0x0] =	wrdreg $0xFFFFFFFF;
	(pc) =	sbr.abs _section_cstart, $3  }
0xcf: {  	[dreg:$0x1] =	wrdreg $0xFFFFFFFF  }
0xd0: {  	_ =	task.clear_ibuf [dreg:s22], $0x2FFFF;
	_ =	strace $0x9FFFFFFF  }
0xd1: {  	(tm) =	ssettm $0x7FFFFFFF  }
tec
execute0_lowered:
.L_overlay_start_1:
0x0: {  	(tag) =	ssettag $0x1  }
0x1: {  	s3 =	rddreg [dreg:$0x0]  }
0x2: {  	s4 =	rddreg [dreg:$0x1]  }
0x3: {  	s0 =	rddreg [dreg:$0x2];
	v0 =	vlaneseq.u32  }
0x4: {  	s5 =	srdreg.scid;
	s1 =	stileid.u32;
	s2 =	simm.s32 $0x0;
	v1 =	vimm.f32 $0.0e+00;
	v2 =	vimm.f32 $1.000000000e+00;
	v3 =	vor.u32 $0x10, v0  }
0x5: {  	s11 =	simm.s32 $0x20000;
	s12 =	simm.s32 $0x200;
	s13 =	simm.s32 $0xC200;
	v4 =	vor.u32 $0x20, v0;
	v5 =	vor.u32 $0x30, v0;
	v6 =	vor.u32 $0x40, v0  }
0x6: {  	s14 =	simm.s32 $0x8200;
	s15 =	simm.s32 $0xA200;
	s16 =	simm.s32 $0x2000;
	v7 =	vor.u32 $0x50, v0;
	v8 =	vor.u32 $0x60, v0;
	v9 =	vor.u32 $0x70, v0  }
0x7: {  	s5 =	sand.u32 $0x1, s5;
	s6 =	sshll.u32 s1, $0x1;
	[smem:$0x7FF] =	sst s2;
	v10 =	vor.u32 $0x400, v0;
	v11 =	vor.u32 $0x410, v0;
	v12 =	vor.u32 $0x420, v0  }
0x8: {  	s17 =	simm.s32 $0x0;
	v13 =	vor.u32 $0x430, v0;
	v14 =	vor.u32 $0x440, v0;
	v15 =	vor.u32 $0x450, v0;
	s6 =	sor.u32 s5, s6;
	_ =	strace $0x8000004A  }
0x9: {  	v16 =	vor.u32 $0x460, v0;
	v17 =	vor.u32 $0x470, v0;
	v18 =	vor.u32 $0x800, v0;
	s5 =	ssub.s32 $0x2, s5;
	s7 =	sshll.u32 s6, $0x9;
	s8 =	sshll.u32 s6, $0xB  }
0xa: {  	v19 =	vor.u32 $0x810, v0;
	v20 =	vor.u32 $0x820, v0;
	v21 =	vor.u32 $0x830, v0;
	s9 =	sshll.u32 s6, $0x8;
	s10 =	sshrl.u32 s5, $0x1;
	s31 =	sshll.u32 s6, $0x6  }
0xb: {  	v22 =	vor.u32 $0x840, v0;
	v23 =	vor.u32 $0x850, v0;
	v24 =	vor.u32 $0x860, v0;
	s7 =	sadd.s32 s7, s3;
	s8 =	sadd.s32 s8, s3;
	s9 =	sadd.s32 s9, s3  }
0xc: {  	v25 =	vor.u32 $0x870, v0;
	v26 =	vor.u32 $0xC00, v0;
	v27 =	vor.u32 $0xC10, v0;
	s10 =	ssub.s32 s5, s10;
	s3 =	sadd.s32 s4, s31;
	s4 =	sadd.s32 $0x34000, s7  }
0xd: {  	v28 =	vor.u32 $0xC20, v0;
	v29 =	vor.u32 $0xC30, v0;
	v30 =	vor.u32 $0xC40, v0;
	s5 =	sadd.s32 $0x54000, s8;
	s6 =	sadd.s32 $0x54200, s8;
	s7 =	sadd.s32 $0x64000, s9  }
0xe: {  	v31 =	vor.u32 $0xC50, v0;
	v32 =	vor.u32 $0xC60, v0;
	v33 =	vor.u32 $0xC70, v0;
	s8 =	smax.u32 s10, $0x1;
	s9 =	simm.s32 $0x1;
	s10 =	simm.s32 $0x1000  }
.LBB2_1:
0xf: {  	[tilespmem:s2], [sflag:$0x1] =	stream.linear.gather [hbm4b:s3+s2], $0x200, $0x38;
	[tilespmem:$0xCA00] =	vst v63  }
0x10: {  	_ =	swait.ge [sflag:s9], $0x200  }
0x11: {  	[sflag:s9] =	ssyncset.done $0x0  }
0x12: {  	[sflag:s9] =	ssyncadd.s32 $0xFFFFFE00  }
0x13: {  	[tilespmem:s12], [sflag:$0x1] =	stream.strided.gather [hbm4b:s4+s10], $0x8000, s11, s10, $0x38;
	[tilespmem:$0xCA00] =	vst v63  }
0x14: {  	_ =	swait.ge [sflag:s9], $0x8000  }
0x15: {  	s18 =	sand.u32 $0x1000, s2;
	s19 =	sand.u32 $0x380, s2;
	[sflag:s9] =	ssyncset.done $0x0  }
0x16: {  	s18 =	sor.u32 s19, s18;
	[sflag:s9] =	ssyncadd.s32 $0xFFFF8000  }
0x17: {  	[tilespmem:s18+$0xA200] =	vst v1  }
0x18: {  	[tilespmem:s18+$0x8210] =	vst v1  }
0x19: {  	[tilespmem:s18+$0xA210] =	vst v1  }
0x1a: {  	[tilespmem:s18+$0x8220] =	vst v1  }
0x1b: {  	[tilespmem:s18+$0xA220] =	vst v1  }
0x1c: {  	[tilespmem:s18+$0x8230] =	vst v1  }
0x1d: {  	[tilespmem:s18+$0xA230] =	vst v1  }
0x1e: {  	[tilespmem:s18+$0x8240] =	vst v1  }
0x1f: {  	[tilespmem:s18+$0xA240] =	vst v1  }
0x20: {  	[tilespmem:s18+$0x8250] =	vst v1  }
0x21: {  	[tilespmem:s18+$0xA250] =	vst v1  }
0x22: {  	[tilespmem:s18+$0x8260] =	vst v1  }
0x23: {  	[tilespmem:s18+$0xA260] =	vst v1  }
0x24: {  	[tilespmem:s18+$0x8270] =	vst v1  }
0x25: {  	[tilespmem:s18+$0xA270] =	vst v1  }
0x26: {  	[tilespmem:s18+$0x8600] =	vst v1  }
0x27: {  	[tilespmem:s18+$0xA600] =	vst v1  }
0x28: {  	[tilespmem:s18+$0x8610] =	vst v1  }
0x29: {  	[tilespmem:s18+$0xA610] =	vst v1  }
0x2a: {  	[tilespmem:s18+$0x8620] =	vst v1  }
0x2b: {  	[tilespmem:s18+$0xA620] =	vst v1  }
0x2c: {  	[tilespmem:s18+$0x8630] =	vst v1  }
0x2d: {  	[tilespmem:s18+$0xA630] =	vst v1  }
0x2e: {  	[tilespmem:s18+$0x8640] =	vst v1  }
0x2f: {  	[tilespmem:s18+$0xA640] =	vst v1  }
0x30: {  	[tilespmem:s18+$0x8650] =	vst v1  }
0x31: {  	[tilespmem:s18+$0xA650] =	vst v1  }
0x32: {  	[tilespmem:s18+$0x8660] =	vst v1  }
0x33: {  	[tilespmem:s18+$0xA660] =	vst v1  }
0x34: {  	[tilespmem:s18+$0x8670] =	vst v1  }
0x35: {  	[tilespmem:s18+$0xA670] =	vst v1  }
0x36: {  	[tilespmem:s18+$0x8A00] =	vst v1  }
0x37: {  	[tilespmem:s18+$0xAA00] =	vst v1  }
0x38: {  	[tilespmem:s18+$0x8A10] =	vst v1  }
0x39: {  	[tilespmem:s18+$0xAA10] =	vst v1  }
0x3a: {  	[tilespmem:s18+$0x8A20] =	vst v1  }
0x3b: {  	[tilespmem:s18+$0xAA20] =	vst v1  }
0x3c: {  	[tilespmem:s18+$0x8A30] =	vst v1  }
0x3d: {  	[tilespmem:s18+$0xAA30] =	vst v1  }
0x3e: {  	[tilespmem:s18+$0x8A40] =	vst v1  }
0x3f: {  	[tilespmem:s18+$0xAA40] =	vst v1  }
0x40: {  	[tilespmem:s18+$0x8A50] =	vst v1  }
0x41: {  	[tilespmem:s18+$0xAA50] =	vst v1  }
0x42: {  	[tilespmem:s18+$0x8A60] =	vst v1  }
0x43: {  	[tilespmem:s18+$0xAA60] =	vst v1  }
0x44: {  	[tilespmem:s18+$0x8A70] =	vst v1  }
0x45: {  	[tilespmem:s18+$0xAA70] =	vst v1  }
0x46: {  	[tilespmem:s18+$0x8E00] =	vst v1  }
0x47: {  	[tilespmem:s18+$0xAE00] =	vst v1  }
0x48: {  	[tilespmem:s18+$0x8E10] =	vst v1  }
0x49: {  	[tilespmem:s18+$0xAE10] =	vst v1  }
0x4a: {  	[tilespmem:s18+$0x8E20] =	vst v1  }
0x4b: {  	[tilespmem:s18+$0xAE20] =	vst v1  }
0x4c: {  	[tilespmem:s18+$0x8E30] =	vst v1  }
0x4d: {  	[tilespmem:s18+$0xAE30] =	vst v1  }
0x4e: {  	[tilespmem:s18+$0x8E40] =	vst v1  }
0x4f: {  	[tilespmem:s18+$0xAE40] =	vst v1  }
0x50: {  	[tilespmem:s18+$0x8E50] =	vst v1  }
0x51: {  	[tilespmem:s18+$0xAE50] =	vst v1  }
0x52: {  	[tilespmem:s18+$0x8E60] =	vst v1  }
0x53: {  	[tilespmem:s18+$0xAE60] =	vst v1  }
0x54: {  	[tilespmem:s18+$0x8E70] =	vst v1  }
0x55: {  	s21 =	simm.s32 $0x0;
	s20 =	simm.s32 $0x200;
	s19 =	simm.s32 $0x80;
	[tilespmem:s18+$0xAE70] =	vst v1  }
.LBB2_2:
0x56: {  	s22 =	sand.u32 $0x1000, s20;
	s23 =	sand.u32 $0x380, s19;
	p0 =	sne.s32 s20, $0x1E00;
	[tilespmem:s18+$0x8200] =	vst v1  }
0x57: {  	s18 =	sor.u32 s23, s22;
	[tilespmem:s21+$0xC200] =	vst v1  }
0x58: {  	[tilespmem:s18+$0xA200] =	vst v1  }
0x59: {  	[tilespmem:s18+$0x8210] =	vst v1  }
0x5a: {  	[tilespmem:s18+$0xA210] =	vst v1  }
0x5b: {  	[tilespmem:s18+$0x8220] =	vst v1  }
0x5c: {  	[tilespmem:s18+$0xA220] =	vst v1  }
0x5d: {  	[tilespmem:s18+$0x8230] =	vst v1  }
0x5e: {  	[tilespmem:s18+$0xA230] =	vst v1  }
0x5f: {  	[tilespmem:s18+$0x8240] =	vst v1  }
0x60: {  	[tilespmem:s18+$0xA240] =	vst v1  }
0x61: {  	[tilespmem:s18+$0x8250] =	vst v1  }
0x62: {  	[tilespmem:s18+$0xA250] =	vst v1  }
0x63: {  	[tilespmem:s18+$0x8260] =	vst v1  }
0x64: {  	[tilespmem:s18+$0xA260] =	vst v1  }
0x65: {  	[tilespmem:s18+$0x8270] =	vst v1  }
0x66: {  	[tilespmem:s18+$0xA270] =	vst v1  }
0x67: {  	[tilespmem:s18+$0x8600] =	vst v1  }
0x68: {  	[tilespmem:s18+$0xA600] =	vst v1  }
0x69: {  	[tilespmem:s18+$0x8610] =	vst v1  }
0x6a: {  	[tilespmem:s18+$0xA610] =	vst v1  }
0x6b: {  	[tilespmem:s18+$0x8620] =	vst v1  }
0x6c: {  	[tilespmem:s18+$0xA620] =	vst v1  }
0x6d: {  	[tilespmem:s18+$0x8630] =	vst v1  }
0x6e: {  	[tilespmem:s18+$0xA630] =	vst v1  }
0x6f: {  	[tilespmem:s18+$0x8640] =	vst v1  }
0x70: {  	[tilespmem:s18+$0xA640] =	vst v1  }
0x71: {  	[tilespmem:s18+$0x8650] =	vst v1  }
0x72: {  	[tilespmem:s18+$0xA650] =	vst v1  }
0x73: {  	[tilespmem:s18+$0x8660] =	vst v1  }
0x74: {  	[tilespmem:s18+$0xA660] =	vst v1  }
0x75: {  	[tilespmem:s18+$0x8670] =	vst v1  }
0x76: {  	[tilespmem:s18+$0xA670] =	vst v1  }
0x77: {  	[tilespmem:s18+$0x8A00] =	vst v1  }
0x78: {  	[tilespmem:s18+$0xAA00] =	vst v1  }
0x79: {  	[tilespmem:s18+$0x8A10] =	vst v1  }
0x7a: {  	[tilespmem:s18+$0xAA10] =	vst v1  }
0x7b: {  	[tilespmem:s18+$0x8A20] =	vst v1  }
0x7c: {  	[tilespmem:s18+$0xAA20] =	vst v1  }
0x7d: {  	[tilespmem:s18+$0x8A30] =	vst v1  }
0x7e: {  	[tilespmem:s18+$0xAA30] =	vst v1  }
0x7f: {  	[tilespmem:s18+$0x8A40] =	vst v1  }
0x80: {  	[tilespmem:s18+$0xAA40] =	vst v1  }
0x81: {  	[tilespmem:s18+$0x8A50] =	vst v1  }
0x82: {  	[tilespmem:s18+$0xAA50] =	vst v1  }
0x83: {  	[tilespmem:s18+$0x8A60] =	vst v1  }
0x84: {  	[tilespmem:s18+$0xAA60] =	vst v1  }
0x85: {  	[tilespmem:s18+$0x8A70] =	vst v1  }
0x86: {  	[tilespmem:s18+$0xAA70] =	vst v1  }
0x87: {  	[tilespmem:s18+$0x8E00] =	vst v1  }
0x88: {  	[tilespmem:s18+$0xAE00] =	vst v1  }
0x89: {  	[tilespmem:s18+$0x8E10] =	vst v1  }
0x8a: {  	[tilespmem:s18+$0xAE10] =	vst v1  }
0x8b: {  	[tilespmem:s18+$0x8E20] =	vst v1  }
0x8c: {  	[tilespmem:s18+$0xAE20] =	vst v1  }
0x8d: {  	[tilespmem:s18+$0x8E30] =	vst v1  }
0x8e: {  	[tilespmem:s18+$0xAE30] =	vst v1  }
0x8f: {  	[tilespmem:s18+$0x8E40] =	vst v1  }
0x90: {  	[tilespmem:s18+$0xAE40] =	vst v1  }
0x91: {  	[tilespmem:s18+$0x8E50] =	vst v1  }
.Ltmp0:
0x92: {  	[tilespmem:s18+$0xAE50] =	vst v1;
	(pc) =	sbr.rel @p0 .LBB2_2-.Ltmp0, $4  }
0x93: {  	[tilespmem:s18+$0x8E60] =	vst v1  }
0x94: {  	[tilespmem:s18+$0xAE60] =	vst v1  }
0x95: {  	[tilespmem:s18+$0x8E70] =	vst v1  }
0x96: {  	s19 =	sadd.s32 $0x80, s19;
	s21 =	sshra.s32 s20, $0x2;
	s20 =	sadd.s32 $0x200, s20;
	[tilespmem:s18+$0xAE70] =	vst v1  }
0x97: {  	[tilespmem:s18+$0x8200] =	vst v1  }
0x98: {  	s18 =	simm.s32 $0x0;
	s19 =	simm.s32 $0x0;
	s20 =	simm.s32 $0x0;
	[tilespmem:s21+$0xC200] =	vst v1  }
.LBB2_4:
0x99: {  	v34 =	vld [tilespmem:s18+$0x0];
	_ =	sdelay $0x4  }
0x9a: {  	v35 =	vshll.u32 v34, $0x7  }
0x9b: {  	v36 =	vor.u32 v0, v35;
	_ =	sdelay $0x2  }
0x9c: {  	v34 =	vshll.u32 v34, $0x9  }
0x9d: {  	s21 =	sand.u32 $0x70, s20;
	s22 =	sand.u32 $0xC00, s19;
	v34 =	vand.u32 $0xFFFFF000, v34;
	v35 =	vand.u32 $0x380, v35  }
0x9e: {  	s21 =	sor.u32 s21, s22;
	v34 =	vor.u32 v35, v34;
	[tilespmem:v36+s13+$0x0] =	vst.idx.add.f32.msk $0xffff, v2  }
0x9f: {  	v57 =	vor.u32 v0, v34;
	v56 =	vld [tilespmem:s21+$0x200];
	_ =	sdelay $0x4  }
0xa0: {  	[tilespmem:v57+s14+$0x0] =	vst.idx.add.f32.msk $0xffff, v56  }
0xa1: {  	v35 =	vld [tilespmem:s21+$0x280];
	_ =	sdelay $0x4  }
0xa2: {  	[tilespmem:v57+s15+$0x0] =	vst.idx.add.f32.msk $0xffff, v35  }
0xa3: {  	v58 =	vor.u32 v3, v34;
	v35 =	vld [tilespmem:s21+$0x300];
	_ =	sdelay $0x4  }
0xa4: {  	[tilespmem:v58+s14+$0x0] =	vst.idx.add.f32.msk $0xffff, v35  }
0xa5: {  	v35 =	vld [tilespmem:s21+$0x380];
	_ =	sdelay $0x4  }
0xa6: {  	[tilespmem:v58+s15+$0x0] =	vst.idx.add.f32.msk $0xffff, v35  }
0xa7: {  	v59 =	vor.u32 v4, v34;
	v35 =	vld [tilespmem:s21+$0x400];
	_ =	sdelay $0x4  }
0xa8: {  	[tilespmem:v59+s14+$0x0] =	vst.idx.add.f32.msk $0xffff, v35  }
0xa9: {  	v35 =	vld [tilespmem:s21+$0x480];
	_ =	sdelay $0x4  }
0xaa: {  	[tilespmem:v59+s15+$0x0] =	vst.idx.add.f32.msk $0xffff, v35  }
0xab: {  	v60 =	vor.u32 v5, v34;
	v35 =	vld [tilespmem:s21+$0x500];
	_ =	sdelay $0x3  }
0xac: {  	s31 =	sor.u32 s19, s20  }
0xad: {  	s22 =	sor.u32 $0x380, s31;
	[tilespmem:v60+s14+$0x0] =	vst.idx.add.f32.msk $0xffff, v35  }
0xae: {  	v35 =	vld [tilespmem:s22+$0x200];
	_ =	sdelay $0x4  }
0xaf: {  	[tilespmem:v60+s15+$0x0] =	vst.idx.add.f32.msk $0xffff, v35  }
0xb0: {  	v61 =	vor.u32 v6, v34;
	v35 =	vld [tilespmem:s21+$0x1200];
	_ =	sdelay $0x4  }
0xb1: {  	[tilespmem:v61+s14+$0x0] =	vst.idx.add.f32.msk $0xffff, v35  }
0xb2: {  	v35 =	vld [tilespmem:s21+$0x1280];
	_ =	sdelay $0x4  }
0xb3: {  	[tilespmem:v61+s15+$0x0] =	vst.idx.add.f32.msk $0xffff, v35  }
0xb4: {  	v62 =	vor.u32 v7, v34;
	v35 =	vld [tilespmem:s21+$0x1300];
	_ =	sdelay $0x4  }
0xb5: {  	[tilespmem:v62+s14+$0x0] =	vst.idx.add.f32.msk $0xffff, v35  }
0xb6: {  	v35 =	vld [tilespmem:s21+$0x1380];
	_ =	sdelay $0x4  }
0xb7: {  	[tilespmem:v62+s15+$0x0] =	vst.idx.add.f32.msk $0xffff, v35  }
0xb8: {  	v63 =	vor.u32 v8, v34;
	v35 =	vld [tilespmem:s21+$0x1400];
	_ =	sdelay $0x4  }
0xb9: {  	[tilespmem:v63+s14+$0x0] =	vst.idx.add.f32.msk $0xffff, v35  }
0xba: {  	v35 =	vld [tilespmem:s21+$0x1480];
	_ =	sdelay $0x4  }
0xbb: {  	[tilespmem:v63+s15+$0x0] =	vst.idx.add.f32.msk $0xffff, v35  }
0xbc: {  	v40 =	vor.u32 v9, v34;
	v35 =	vld [tilespmem:s21+$0x1500];
	_ =	sdelay $0x4  }
0xbd: {  	[tilespmem:v40+s14+$0x0] =	vst.idx.add.f32.msk $0xffff, v35  }
0xbe: {  	v35 =	vld [tilespmem:s21+$0x1580];
	_ =	sdelay $0x4  }
0xbf: {  	[tilespmem:v40+s15+$0x0] =	vst.idx.add.f32.msk $0xffff, v35  }
0xc0: {  	v41 =	vor.u32 v10, v34;
	v35 =	vld [tilespmem:s21+$0x2200];
	_ =	sdelay $0x4  }
0xc1: {  	[tilespmem:v41+s14+$0x0] =	vst.idx.add.f32.msk $0xffff, v35  }
0xc2: {  	v35 =	vld [tilespmem:s21+$0x2280];
	_ =	sdelay $0x4  }
0xc3: {  	[tilespmem:v41+s15+$0x0] =	vst.idx.add.f32.msk $0xffff, v35  }
0xc4: {  	v42 =	vor.u32 v11, v34;
	v35 =	vld [tilespmem:s21+$0x2300];
	_ =	sdelay $0x4  }
0xc5: {  	[tilespmem:v42+s14+$0x0] =	vst.idx.add.f32.msk $0xffff, v35  }
0xc6: {  	v35 =	vld [tilespmem:s21+$0x2380];
	_ =	sdelay $0x4  }
0xc7: {  	[tilespmem:v42+s15+$0x0] =	vst.idx.add.f32.msk $0xffff, v35  }
0xc8: {  	v43 =	vor.u32 v12, v34;
	v35 =	vld [tilespmem:s21+$0x2400];
	_ =	sdelay $0x4  }
0xc9: {  	[tilespmem:v43+s14+$0x0] =	vst.idx.add.f32.msk $0xffff, v35  }
0xca: {  	v35 =	vld [tilespmem:s21+$0x2480];
	_ =	sdelay $0x4  }
0xcb: {  	[tilespmem:v43+s15+$0x0] =	vst.idx.add.f32.msk $0xffff, v35  }
0xcc: {  	v44 =	vor.u32 v13, v34;
	v35 =	vld [tilespmem:s21+$0x2500];
	_ =	sdelay $0x4  }
0xcd: {  	[tilespmem:v44+s14+$0x0] =	vst.idx.add.f32.msk $0xffff, v35  }
0xce: {  	v35 =	vld [tilespmem:s21+$0x2580];
	_ =	sdelay $0x4  }
0xcf: {  	[tilespmem:v44+s15+$0x0] =	vst.idx.add.f32.msk $0xffff, v35  }
0xd0: {  	v45 =	vor.u32 v14, v34;
	v35 =	vld [tilespmem:s21+$0x3200];
	_ =	sdelay $0x4  }
0xd1: {  	[tilespmem:v45+s14+$0x0] =	vst.idx.add.f32.msk $0xffff, v35  }
0xd2: {  	v35 =	vld [tilespmem:s21+$0x3280];
	_ =	sdelay $0x4  }
0xd3: {  	[tilespmem:v45+s15+$0x0] =	vst.idx.add.f32.msk $0xffff, v35  }
0xd4: {  	v46 =	vor.u32 v15, v34;
	v35 =	vld [tilespmem:s21+$0x3300];
	_ =	sdelay $0x4  }
0xd5: {  	[tilespmem:v46+s14+$0x0] =	vst.idx.add.f32.msk $0xffff, v35  }
0xd6: {  	v35 =	vld [tilespmem:s21+$0x3380];
	_ =	sdelay $0x4  }
0xd7: {  	[tilespmem:v46+s15+$0x0] =	vst.idx.add.f32.msk $0xffff, v35  }
0xd8: {  	v47 =	vor.u32 v16, v34;
	v35 =	vld [tilespmem:s21+$0x3400];
	_ =	sdelay $0x4  }
0xd9: {  	[tilespmem:v47+s14+$0x0] =	vst.idx.add.f32.msk $0xffff, v35  }
0xda: {  	v35 =	vld [tilespmem:s21+$0x3480];
	_ =	sdelay $0x4  }
0xdb: {  	[tilespmem:v47+s15+$0x0] =	vst.idx.add.f32.msk $0xffff, v35  }
0xdc: {  	v48 =	vor.u32 v17, v34;
	v35 =	vld [tilespmem:s21+$0x3500];
	_ =	sdelay $0x4  }
0xdd: {  	[tilespmem:v48+s14+$0x0] =	vst.idx.add.f32.msk $0xffff, v35  }
0xde: {  	v35 =	vld [tilespmem:s21+$0x3580];
	_ =	sdelay $0x4  }
0xdf: {  	[tilespmem:v48+s15+$0x0] =	vst.idx.add.f32.msk $0xffff, v35  }
0xe0: {  	v49 =	vor.u32 v18, v34;
	v35 =	vld [tilespmem:s21+$0x4200];
	_ =	sdelay $0x4  }
0xe1: {  	[tilespmem:v49+s14+$0x0] =	vst.idx.add.f32.msk $0xffff, v35  }
0xe2: {  	v35 =	vld [tilespmem:s21+$0x4280];
	_ =	sdelay $0x4  }
0xe3: {  	[tilespmem:v49+s15+$0x0] =	vst.idx.add.f32.msk $0xffff, v35  }
0xe4: {  	v50 =	vor.u32 v19, v34;
	v35 =	vld [tilespmem:s21+$0x4300];
	_ =	sdelay $0x4  }
0xe5: {  	[tilespmem:v50+s14+$0x0] =	vst.idx.add.f32.msk $0xffff, v35  }
0xe6: {  	v35 =	vld [tilespmem:s21+$0x4380];
	_ =	sdelay $0x4  }
0xe7: {  	[tilespmem:v50+s15+$0x0] =	vst.idx.add.f32.msk $0xffff, v35  }
0xe8: {  	v51 =	vor.u32 v20, v34;
	v35 =	vld [tilespmem:s21+$0x4400];
	_ =	sdelay $0x4  }
0xe9: {  	[tilespmem:v51+s14+$0x0] =	vst.idx.add.f32.msk $0xffff, v35  }
0xea: {  	v35 =	vld [tilespmem:s21+$0x4480];
	_ =	sdelay $0x4  }
0xeb: {  	[tilespmem:v51+s15+$0x0] =	vst.idx.add.f32.msk $0xffff, v35  }
0xec: {  	v52 =	vor.u32 v21, v34;
	v35 =	vld [tilespmem:s21+$0x4500];
	_ =	sdelay $0x4  }
0xed: {  	[tilespmem:v52+s14+$0x0] =	vst.idx.add.f32.msk $0xffff, v35  }
0xee: {  	v35 =	vld [tilespmem:s21+$0x4580];
	_ =	sdelay $0x4  }
0xef: {  	[tilespmem:v52+s15+$0x0] =	vst.idx.add.f32.msk $0xffff, v35  }
0xf0: {  	v53 =	vor.u32 v22, v34;
	v35 =	vld [tilespmem:s21+$0x5200];
	_ =	sdelay $0x4  }
0xf1: {  	[tilespmem:v53+s14+$0x0] =	vst.idx.add.f32.msk $0xffff, v35  }
0xf2: {  	v35 =	vld [tilespmem:s21+$0x5280];
	_ =	sdelay $0x4  }
0xf3: {  	[tilespmem:v53+s15+$0x0] =	vst.idx.add.f32.msk $0xffff, v35  }
0xf4: {  	v54 =	vor.u32 v23, v34;
	v35 =	vld [tilespmem:s21+$0x5300];
	_ =	sdelay $0x4  }
0xf5: {  	[tilespmem:v54+s14+$0x0] =	vst.idx.add.f32.msk $0xffff, v35  }
0xf6: {  	v35 =	vld [tilespmem:s21+$0x5380];
	_ =	sdelay $0x4  }
0xf7: {  	[tilespmem:v54+s15+$0x0] =	vst.idx.add.f32.msk $0xffff, v35  }
0xf8: {  	v55 =	vor.u32 v24, v34;
	v35 =	vld [tilespmem:s21+$0x5400];
	_ =	sdelay $0x4  }
0xf9: {  	[tilespmem:v55+s14+$0x0] =	vst.idx.add.f32.msk $0xffff, v35  }
0xfa: {  	v35 =	vld [tilespmem:s21+$0x5480];
	_ =	sdelay $0x4  }
0xfb: {  	[tilespmem:v55+s15+$0x0] =	vst.idx.add.f32.msk $0xffff, v35  }
0xfc: {  	v56 =	vor.u32 v25, v34;
	v35 =	vld [tilespmem:s21+$0x5500];
	_ =	sdelay $0x4  }
0xfd: {  	[tilespmem:v56+s14+$0x0] =	vst.idx.add.f32.msk $0xffff, v35  }
0xfe: {  	v35 =	vld [tilespmem:s21+$0x5580];
	_ =	sdelay $0x4  }
0xff: {  	[tilespmem:v56+s15+$0x0] =	vst.idx.add.f32.msk $0xffff, v35  }
0x100: {  	v57 =	vor.u32 v26, v34;
	v35 =	vld [tilespmem:s21+$0x6200];
	_ =	sdelay $0x4  }
0x101: {  	[tilespmem:v57+s14+$0x0] =	vst.idx.add.f32.msk $0xffff, v35  }
0x102: {  	v35 =	vld [tilespmem:s21+$0x6280];
	_ =	sdelay $0x4  }
0x103: {  	[tilespmem:v57+s15+$0x0] =	vst.idx.add.f32.msk $0xffff, v35  }
0x104: {  	v58 =	vor.u32 v27, v34;
	v35 =	vld [tilespmem:s21+$0x6300];
	_ =	sdelay $0x4  }
0x105: {  	[tilespmem:v58+s14+$0x0] =	vst.idx.add.f32.msk $0xffff, v35  }
0x106: {  	v35 =	vld [tilespmem:s21+$0x6380];
	_ =	sdelay $0x4  }
0x107: {  	[tilespmem:v58+s15+$0x0] =	vst.idx.add.f32.msk $0xffff, v35  }
0x108: {  	v59 =	vor.u32 v28, v34;
	v35 =	vld [tilespmem:s21+$0x6400];
	_ =	sdelay $0x4  }
0x109: {  	[tilespmem:v59+s14+$0x0] =	vst.idx.add.f32.msk $0xffff, v35  }
0x10a: {  	v35 =	vld [tilespmem:s21+$0x6480];
	_ =	sdelay $0x4  }
0x10b: {  	[tilespmem:v59+s15+$0x0] =	vst.idx.add.f32.msk $0xffff, v35  }
0x10c: {  	v60 =	vor.u32 v29, v34;
	v35 =	vld [tilespmem:s21+$0x6500];
	_ =	sdelay $0x4  }
0x10d: {  	[tilespmem:v60+s14+$0x0] =	vst.idx.add.f32.msk $0xffff, v35  }
0x10e: {  	v35 =	vld [tilespmem:s21+$0x6580];
	_ =	sdelay $0x4  }
0x10f: {  	[tilespmem:v60+s15+$0x0] =	vst.idx.add.f32.msk $0xffff, v35  }
0x110: {  	v61 =	vor.u32 v30, v34;
	v35 =	vld [tilespmem:s21+$0x7200];
	_ =	sdelay $0x4  }
0x111: {  	[tilespmem:v61+s14+$0x0] =	vst.idx.add.f32.msk $0xffff, v35  }
0x112: {  	v35 =	vld [tilespmem:s21+$0x7280];
	_ =	sdelay $0x4  }
0x113: {  	[tilespmem:v61+s15+$0x0] =	vst.idx.add.f32.msk $0xffff, v35  }
0x114: {  	v62 =	vor.u32 v31, v34;
	v35 =	vld [tilespmem:s21+$0x7300];
	_ =	sdelay $0x4  }
0x115: {  	[tilespmem:v62+s14+$0x0] =	vst.idx.add.f32.msk $0xffff, v35  }
0x116: {  	v35 =	vld [tilespmem:s21+$0x7380];
	_ =	sdelay $0x4  }
0x117: {  	[tilespmem:v62+s15+$0x0] =	vst.idx.add.f32.msk $0xffff, v35  }
0x118: {  	v63 =	vor.u32 v32, v34;
	v35 =	vld [tilespmem:s21+$0x7400];
	_ =	sdelay $0x4  }
0x119: {  	[tilespmem:v63+s14+$0x0] =	vst.idx.add.f32.msk $0xffff, v35  }
0x11a: {  	v35 =	vld [tilespmem:s21+$0x7480];
	_ =	sdelay $0x4  }
0x11b: {  	[tilespmem:v63+s15+$0x0] =	vst.idx.add.f32.msk $0xffff, v35  }
0x11c: {  	v34 =	vor.u32 v33, v34;
	v35 =	vld [tilespmem:s21+$0x7500];
	_ =	sdelay $0x4  }
0x11d: {  	[tilespmem:v34+s14+$0x0] =	vst.idx.add.f32.msk $0xffff, v35  }
0x11e: {  	p0 =	sne.s32 s20, $0x1F0;
	v35 =	vld [tilespmem:s21+$0x7580]  }
.Ltmp1:
0x11f: {  	_ = 	snop;
	(pc) =	sbr.rel @p0 .LBB2_4-.Ltmp1, $2  }
0x120: {  	_ =	sdelay $0x2  }
0x121: {  	s19 =	sadd.s32 $0x80, s19;
	s18 =	sadd.s32 $0x10, s18;
	s20 =	sadd.s32 $0x10, s20;
	[tilespmem:v34+s15+$0x0] =	vst.idx.add.f32.msk $0xffff, v35  }
0x122: {  	[hbm4b:s5+s10] =	stream.strided.scatter [tilespmem:s14], [sflag:$0x1], $0x2000, s16, s10, $0x38;
	[tilespmem:$0xCA00] =	vst v63  }
0x123: {  	_ =	swait.ge [sflag:s9], $0x2000  }
0x124: {  	[sflag:s9] =	ssyncset.done $0x0  }
0x125: {  	[sflag:s9] =	ssyncadd.s32 $0xFFFFE000  }
0x126: {  	[hbm4b:s6+s10] =	stream.strided.scatter [tilespmem:s15], [sflag:$0x1], $0x2000, s16, s10, $0x38;
	[tilespmem:$0xCA00] =	vst v63  }
0x127: {  	s17 =	sadd.s32 $0x1, s17;
	_ =	swait.ge [sflag:s9], $0x2000  }
0x128: {  	p0 =	sne.s32 s17, s8;
	[sflag:s9] =	ssyncset.done $0x0  }
.Ltmp2:
0x129: {  	[sflag:s9] =	ssyncadd.s32 $0xFFFFE000;
	(pc) =	sbr.rel @p0 .LBB2_1-.Ltmp2, $4  }
0x12a: {  	[hbm4b:s7+s2] =	stream.linear.scatter [tilespmem:s13], [sflag:$0x1], $0x800, $0x38;
	[tilespmem:$0xCA00] =	vst v63  }
0x12b: {  	_ =	swait.ge [sflag:s9], $0x800  }
0x12c: {  	[sflag:s9] =	ssyncset.done $0x0  }
0x12d: {  	[sflag:s9] =	ssyncadd.s32 $0xFFFFF800  }
0x12e: {  	_ =	sfence.sel $0x180000  }
0x12f: {  	[bflag:$0x0] =	sbarrier.arrive $0xFFFF  }
0x130: {  	p0 =	sne.s32 s1, $0x0;
	_ =	strace $0x9000004A  }
0x131: {  	s0 =	sadd.s32 @!p0 $0x100000, s0;
	[bflag:$0x2] =	sbarrier.arrive $0xFFFF  }
0x132: {  	[sflag:s0] =	ssyncadd.tile.s32 @!p0 $0x1;
	_ =	shalt  }
.Lfunc_end2:
_tile_overlayer_lowered:
.L_overlay_start_2:
0x133: {  	(tag) =	ssettag $0x2  }
0x134: {  	s0 =	rddreg [dreg:$0x0];
	s2 =	stileid.u32  }
0x135: {  	s1 =	rddreg [dreg:$0x1];
	p0 =	sne.s32 s2, $0x0  }
0x136: {  	s3 =	rddreg [dreg:$0x2];
	[bflag:$0x3] =	sbarrier.arrive $0xFFFF;
	s2 =	simm.s32 @!p0 $0x1C01  }
0x137: {  	[timem:s3], [sflag:s2] =	dma.local @!p0 [hbm:s0], s1  }
0x138: {  	s0 =	simm.s32 @!p0 $0x1  }
0x139: {  	_ =	swait.ge @!p0 [sflag:s0], s1  }
0x13a: {  	s1 =	ssub.s32 @!p0 $0x0, s1;
	[sflag:s0] =	ssyncset.done @!p0 $0x0  }
0x13b: {  	[sflag:s0] =	ssyncadd.s32 @!p0 s1  }
0x13c: {  	[bflag:$0x3] =	sbarrier.arrive $0xFFFF  }
0x13d: {  	_ =	shalt  }

// kernel: sc_segment_sums_h1.3.cloned.1.call-start
scs
__scs_entry_jumppad:
0x0: {  	(pc) =	sbr.rel $0x88, $3  }
0x1: {  	(tag) =	ssettag $0x0;
	lr =	simm.s32 $0x1  }
0x2: {  	[smem:$0x3F9D] =	sst lr;
	_ =	strace $0xD0000000  }
0x3: {  	_ = 	snop  }
0x4: {  	_ = 	snop  }
0x5: {  	_ = 	snop  }
0x6: {  	_ = 	snop  }
0x7: {  	_ = 	snop  }
__scs_overlays_trampoline_lowered:
0x8: {  	[smem:$0x3FAC] =	sst s0  }
0x9: {  	[smem:$0x3FAD] =	sst s1  }
0xa: {  	[smem:$0x3FAE] =	sst s2  }
0xb: {  	[smem:$0x3FAF] =	sst s3  }
0xc: {  	[smem:$0x3FB0] =	sst s4  }
0xd: {  	[smem:$0x3FB1] =	sst s5  }
0xe: {  	[smem:$0x3FB2] =	sst s6  }
0xf: {  	[smem:$0x3FB3] =	sst s7  }
0x10: {  	[smem:$0x3FB4] =	sst s8  }
0x11: {  	[smem:$0x3FB5] =	sst s9;
	s0 =	simm.s32 @!p0 $0x0  }
0x12: {  	s1 =	sld [smem:$0x3F9B];
	s0 =	simm.s32 @p0 $0x1  }
0x13: {  	[smem:$0x3FB6] =	sst s0;
	s0 =	simm.s32 @!p1 $0x0  }
0x14: {  	s2 =	sld [smem:$0x3F9A];
	s0 =	simm.s32 @p1 $0x1  }
0x15: {  	[smem:$0x3FB7] =	sst s0;
	s0 =	simm.s32 @!p2 $0x0  }
0x16: {  	s3 =	sld [smem:$0x3FDB];
	s0 =	simm.s32 @p2 $0x1  }
0x17: {  	s4 =	simm.s32 $0x1BF5;
	[smem:$0x3FB9] =	sst s0  }
0x18: {  	s0 =	sld [smem:$0x3F9C];
	_ =	swait.ge [sflag:s4], $0x0  }
0x19: {  	s7 =	sld [smem:$0x3F9D]  }
0x1a: {  	s8 =	sadd.s32 $0xFFFFE003, lr  }
0x1b: {  	s9 =	sadd.s32 $0xFFFFFEF7, lr;
	s5 =	simm.s32 $0xFFFFFFFF;
	p2 =	slt.u32 s8, $0xFFFFF086  }
0x1c: {  	p1 =	slt.u32 s9, $0xF7A;
	s5 =	simm.s32 @!p2 $0x0  }
0x1d: {  	s5 =	simm.s32 @p1 $0x1;
	p0 =	seq.s32 s7, s2  }
0x1e: {  	s7 =	smul.u32 @!p0 $0xF7A, s2;
	p2 =	seq.s32 @!p0 s5, $0x0  }
0x1f: {  	s9 =	smul.u32 $0xF7A, s1;
	s8 =	simm.s32 @!p0 $0x1BF5;
	p2 =	por !p2, p0  }
0x20: {  	[sflag:s8] =	ssyncset.s32 @!p0 $0xFFFFF086;
	s6 =	sadd.s32 @!p0 s3, s7;
	s7 =	simm.s32 @!p0 $0x108  }
0x21: {  	s3 =	sadd.s32 s3, s9;
	s6 =	sadd.s32 @!p0 $0x88, s6;
	s7 =	simm.s32 @p2 $0x1082  }
0x22: {  	[simem:s7], [sflag:s8] =	dma.local @!p0 [hbm:s6], $0xF7A  }
0x23: {  	s9 =	sor.u32 $0xD0000000, s2;
	s6 =	simm.s32 $0x108;
	_ =	swait.ge @!p0 [sflag:s8], $0x0  }
0x24: {  	s3 =	sadd.s32 $0x88, s3;
	s6 =	simm.s32 @!p1 $0x1082;
	[sflag:s4] =	ssyncset.s32 $0xFFFFF086  }
0x25: {  	[simem:s6], [sflag:s4] =	dma.local [hbm:s3], $0xF7A  }
0x26: {  	[smem:$0x3F9D] =	sst s1;
	(tag) =	ssettag s2;
	_ =	strace s9  }
0x27: {  	s1 =	sld [smem:$0x3FAD]  }
0x28: {  	s2 =	sld [smem:$0x3FAE]  }
0x29: {  	s4 =	sld [smem:$0x3FB0]  }
0x2a: {  	p0 =	seq.s32 s5, $0x0;
	s5 =	sld [smem:$0x3FB1]  }
0x2b: {  	s6 =	sld [smem:$0x3FB2]  }
0x2c: {  	s7 =	sld [smem:$0x3FB3]  }
0x2d: {  	s3 =	simm.s32 $0x108;
	s8 =	sld [smem:$0x3FB4]  }
0x2e: {  	s3 =	simm.s32 @!p0 $0x1082;
	s9 =	sld [smem:$0x3FB5]  }
0x2f: {  	lr =	sadd.s32 s0, s3;
	s0 =	sld [smem:$0x3FAC]  }
0x30: {  	s3 =	sld [smem:$0x3FAF]  }
0x31: {  	[smem:$0x3FB8] =	sst s10  }
0x32: {  	s10 =	sld [smem:$0x3FB6];
	_ =	sdelay $0x3  }
0x33: {  	p0 =	seq.s32 s10, $0x1;
	s10 =	sld [smem:$0x3FB8];
	_ =	sdelay $0x3  }
0x34: {  	[smem:$0x3FB8] =	sst s10  }
0x35: {  	s10 =	sld [smem:$0x3FB7];
	_ =	sdelay $0x3  }
0x36: {  	p1 =	seq.s32 s10, $0x1;
	s10 =	sld [smem:$0x3FB8];
	_ =	sdelay $0x3  }
0x37: {  	[smem:$0x3FB8] =	sst s10  }
0x38: {  	s10 =	sld [smem:$0x3FB9]  }
0x39: {  	_ = 	snop;
	(pc) =	sbr.ind lr, $3  }
0x3a: {  	_ = 	snop  }
0x3b: {  	_ = 	snop  }
0x3c: {  	p2 =	seq.s32 s10, $0x1;
	s10 =	sld [smem:$0x3FB8]  }
0x3d: {  	_ =	shalt  }
0x3e: {  	_ =	shalt  }
0x3f: {  	_ =	shalt  }
0x40: {  	_ =	shalt  }
0x41: {  	_ =	shalt  }
0x42: {  	_ =	shalt  }
0x43: {  	_ =	shalt  }
0x44: {  	_ =	shalt  }
0x45: {  	_ =	shalt  }
0x46: {  	_ =	shalt  }
0x47: {  	_ =	shalt  }
0x48: {  	_ =	shalt  }
0x49: {  	_ =	shalt  }
0x4a: {  	_ =	shalt  }
0x4b: {  	_ =	shalt  }
0x4c: {  	_ =	shalt  }
0x4d: {  	_ =	shalt  }
0x4e: {  	_ =	shalt  }
0x4f: {  	_ =	shalt  }
0x50: {  	_ =	shalt  }
0x51: {  	_ =	shalt  }
0x52: {  	_ =	shalt  }
0x53: {  	_ =	shalt  }
0x54: {  	_ =	shalt  }
0x55: {  	_ =	shalt  }
0x56: {  	_ =	shalt  }
0x57: {  	_ =	shalt  }
0x58: {  	_ =	shalt  }
0x59: {  	_ =	shalt  }
0x5a: {  	_ =	shalt  }
0x5b: {  	_ =	shalt  }
0x5c: {  	_ =	shalt  }
0x5d: {  	_ =	shalt  }
0x5e: {  	_ =	shalt  }
0x5f: {  	_ =	shalt  }
0x60: {  	_ =	shalt  }
0x61: {  	_ =	shalt  }
0x62: {  	_ =	shalt  }
0x63: {  	_ =	shalt  }
0x64: {  	_ =	shalt  }
0x65: {  	_ =	shalt  }
0x66: {  	_ =	shalt  }
0x67: {  	_ =	shalt  }
0x68: {  	_ =	shalt  }
0x69: {  	_ =	shalt  }
0x6a: {  	_ =	shalt  }
0x6b: {  	_ =	shalt  }
0x6c: {  	_ =	shalt  }
0x6d: {  	_ =	shalt  }
0x6e: {  	_ =	shalt  }
0x6f: {  	_ =	shalt  }
0x70: {  	_ =	shalt  }
0x71: {  	_ =	shalt  }
0x72: {  	_ =	shalt  }
0x73: {  	_ =	shalt  }
0x74: {  	_ =	shalt  }
0x75: {  	_ =	shalt  }
0x76: {  	_ =	shalt  }
0x77: {  	_ =	shalt  }
0x78: {  	_ =	shalt  }
0x79: {  	_ =	shalt  }
0x7a: {  	_ =	shalt  }
0x7b: {  	_ =	shalt  }
0x7c: {  	_ =	shalt  }
0x7d: {  	_ =	shalt  }
0x7e: {  	_ =	shalt  }
0x7f: {  	_ =	shalt  }
0x80: {  	_ =	shalt  }
0x81: {  	_ =	shalt  }
0x82: {  	_ =	shalt  }
0x83: {  	_ =	shalt  }
0x84: {  	_ =	shalt  }
0x85: {  	_ =	shalt  }
0x86: {  	_ =	shalt  }
0x87: {  	_ =	shalt  }
.Lfunc_end0:
.L_simem_size_0:
called_computation.1_lowered:
.L_overlay_start_0:
0x88: {  	s2 =	sld [smem:$0x3FD9]  }
0x89: {  	s3 =	sld [smem:$0x3FFE];
	_ =	sdelay $0x1  }
0x8a: {  	s1 =	srdreg.scid  }
0x8b: {  	s0 =	sand.u32 $0x1, s1  }
0x8c: {  	s17 =	sshll.u32 s0, $0xA;
	s2 =	sadd.s32 s3, s2  }
0x8d: {  	s2 =	sadd.s32 s2, s17  }
0x8e: {  	[smem:$0x3FC4] =	sst s2  }
0x8f: {  	_ = 	snop  }
0x90: {  	s2 =	sld [smem:$0x3FC8];
	(tm) =	ssettm $0x1  }
0x91: {  	s18 =	sld [smem:$0x3FFB];
	_ =	sdelay $0x3  }
0x92: {  	_ =	strace s18  }
0x93: {  	s3 =	sld [smem:$0x3FFC];
	_ =	sdelay $0x3  }
0x94: {  	_ =	strace s3  }
0x95: {  	s3 =	sld [smem:$0x3FFD];
	_ =	sdelay $0x3  }
0x96: {  	_ =	strace s3  }
0x97: {  	_ =	strace $0x8FFFFFFF  }
0x98: {  	s19 =	sld [smem:$0x3FDB];
	_ =	sdelay $0x1  }
0x99: {  	s4 =	simm.s32 $_scs_section_size  }
0x9a: {  	s5 =	simm.s32 $_size__tile_overlayer_lowered;
	s6 =	simm.s32 $_tile_overlayer_lowered  }
0x9b: {  	s22 =	simm.s32 $0x1BFF;
	s21 =	sshll.u32 s6, $0x1;
	s3 =	sadd.s32 s4, s19  }
0x9c: {  	s7 =	simm.s32 $0x0;
	s20 =	sshll.u32 s5, $0x1;
	s5 =	sadd.s32 s21, s3  }
0x9d: {  	[timem:s7], [sflag:s22] =	dma.local [hbm:s5], s20  }
0x9e: {  	_ =	swait.ge [sflag:s22], s20  }
0x9f: {  	s4 =	ssub.s32 $0x0, s20;
	[sflag:s22] =	ssyncset.done $0x0  }
0xa0: {  	[sflag:s22] =	ssyncadd.s32 s4;
	_ =	sdelay $0x1  }
0xa1: {  	s23 =	simm.s32 $0x1B8B  }
0xa2: {  	_ =	swait.ge [sflag:s23], $0x1  }
0xa3: {  	[sflag:s23] =	ssyncset.done $0x0  }
0xa4: {  	s25 =	simm.s32 $0x1B8E;
	s24 =	sld [smem:$0x3FFE];
	[sflag:s23] =	ssyncadd.s32 $0xFFFFFFFF  }
0xa5: {  	s26 =	simm.s32 $execute0_lowered;
	[smem:$0x3FD2] =	sst s25  }
0xa6: {  	s5 =	sshll.u32 s26, $0x1;
	_ =	strace $0x80000046;
	[dreg:$0x1] =	wrdreg $0xFFFFFFFF  }
0xa7: {  	s28 =	simm.s32 $_size_execute0_lowered;
	s3 =	sadd.s32 s3, s5;
	[dreg:$0x0] =	wrdreg $0x0  }
0xa8: {  	s5 =	sshll.u32 s28, $0x1;
	[dreg:$0x2] =	wrdreg s3  }
0xa9: {  	[dreg:$0x3] =	wrdreg s5  }
0xaa: {  	[dreg:$0x4] =	wrdreg $0xC0  }
0xab: {  	_ =	task [dreg:s7], $0x5FFFF  }
0xac: {  	[dreg:$0x1] =	wrdreg $0xFFFFFFFF  }
0xad: {  	[dreg:$0x0] =	wrdreg $0x60  }
0xae: {  	[dreg:$0x2] =	wrdreg s24  }
0xaf: {  	[dreg:$0x3] =	wrdreg s2  }
0xb0: {  	[dreg:$0x4] =	wrdreg $0xA  }
0xb1: {  	_ =	task.clear_ibuf [dreg:s7], $0x5FFFF;
	_ =	strace $0x90000046  }
0xb2: {  	s29 =	simm.s32 $0xA;
	_ =	strace $0x80000048  }
0xb3: {  	_ =	swait.ge [sflag:s29], $0x1  }
0xb4: {  	[sflag:s29] =	ssyncadd.s32 $0xFFFFFFFF  }
0xb5: {  	_ =	strace $0x90000048  }
0xb6: {  	_ =	sfence  }
0xb7: {  	s30 =	sld [smem:$0x0];
	_ =	sdelay $0x2  }
0xb8: {  	s31 =	sshll.u32 s1, $0xD;
	s1 =	sshrl.u32 s1, $0x2  }
0xb9: {  	s3 =	sand.u32 $0x4000, s31;
	s1 =	sadd.s32 s1, s30  }
0xba: {  	s0 =	sor.u32 s3, s0;
	s1 =	sshll.u32 s1, $0x11  }
0xbb: {  	s0 =	sor.u32 s1, s0  }
0xbc: {  	s0 =	sadd.s32 $0x8F2B, s0  }
0xbd: {  	[sflag:s0] =	ssyncadd.remote.s32 $0x1  }
0xbe: {  	_ =	sfence.sel $0xFFFF  }
0xbf: {  	[dreg:$0x0] =	wrdreg $0xFFFFFFFF;
	(pc) =	sbr.abs _section_cstart, $3  }
0xc0: {  	[dreg:$0x1] =	wrdreg $0xFFFFFFFF  }
0xc1: {  	_ =	task.clear_ibuf [dreg:s7], $0x2FFFF;
	_ =	strace $0x9FFFFFFF  }
0xc2: {  	(tm) =	ssettm $0x7FFFFFFF  }
0xc3: {  	_ =	shalt  }
tec
execute0_lowered:
.L_overlay_start_1:
0x0: {  	(tag) =	ssettag $0x1  }
0x1: {  	s3 =	rddreg [dreg:$0x0]  }
0x2: {  	s4 =	rddreg [dreg:$0x1]  }
0x3: {  	s0 =	rddreg [dreg:$0x2];
	s2 =	simm.s32 $0x0;
	v0 =	vlaneseq.u32  }
0x4: {  	s5 =	srdreg.scid;
	s1 =	stileid.u32;
	v1 =	vimm.f32 $0.0e+00;
	v2 =	vimm.f32 $1.000000000e+00;
	s11 =	simm.s32 $0x20000;
	v3 =	vor.u32 $0x10, v0  }
0x5: {  	s12 =	simm.s32 $0x200;
	s13 =	simm.s32 $0xC200;
	s14 =	simm.s32 $0x8200;
	v4 =	vor.u32 $0x20, v0;
	v5 =	vor.u32 $0x30, v0;
	v6 =	vor.u32 $0x40, v0  }
0x6: {  	s15 =	simm.s32 $0xA200;
	s16 =	simm.s32 $0x2000;
	s17 =	simm.s32 $0x0;
	v7 =	vor.u32 $0x50, v0;
	v8 =	vor.u32 $0x60, v0;
	v9 =	vor.u32 $0x70, v0  }
0x7: {  	[smem:$0x7FF] =	sst s2;
	s5 =	sand.u32 $0x1, s5;
	s6 =	sshll.u32 s1, $0x1;
	v10 =	vor.u32 $0x400, v0;
	v11 =	vor.u32 $0x410, v0;
	v12 =	vor.u32 $0x420, v0  }
0x8: {  	v13 =	vor.u32 $0x430, v0;
	v14 =	vor.u32 $0x440, v0;
	v15 =	vor.u32 $0x450, v0;
	_ =	strace $0x80000047;
	s6 =	sor.u32 s5, s6;
	s5 =	ssub.s32 $0x2, s5  }
0x9: {  	v16 =	vor.u32 $0x460, v0;
	v17 =	vor.u32 $0x470, v0;
	v18 =	vor.u32 $0x800, v0;
	s7 =	sshll.u32 s6, $0x9;
	s8 =	sshll.u32 s6, $0xB;
	s9 =	sshll.u32 s6, $0x8  }
0xa: {  	v19 =	vor.u32 $0x810, v0;
	v20 =	vor.u32 $0x820, v0;
	v21 =	vor.u32 $0x830, v0;
	s10 =	sshrl.u32 s5, $0x1;
	s6 =	sshll.u32 s6, $0x6;
	s7 =	sadd.s32 s7, s3  }
0xb: {  	v22 =	vor.u32 $0x840, v0;
	v23 =	vor.u32 $0x850, v0;
	v24 =	vor.u32 $0x860, v0;
	s8 =	sadd.s32 s8, s3;
	s9 =	sadd.s32 s9, s3;
	s31 =	sadd.s32 s6, s4  }
0xc: {  	v25 =	vor.u32 $0x870, v0;
	v26 =	vor.u32 $0xC00, v0;
	v27 =	vor.u32 $0xC10, v0;
	s10 =	ssub.s32 s5, s10;
	s3 =	sadd.s32 $0x800, s31;
	s4 =	sadd.s32 $0x2000, s7  }
0xd: {  	v28 =	vor.u32 $0xC20, v0;
	v29 =	vor.u32 $0xC30, v0;
	v30 =	vor.u32 $0xC40, v0;
	s5 =	sadd.s32 $0x22000, s8;
	s6 =	sadd.s32 $0x22200, s8;
	s7 =	sadd.s32 $0x32000, s9  }
0xe: {  	v31 =	vor.u32 $0xC50, v0;
	v32 =	vor.u32 $0xC60, v0;
	v33 =	vor.u32 $0xC70, v0;
	s8 =	smax.u32 s10, $0x1;
	s9 =	simm.s32 $0x1;
	s10 =	simm.s32 $0x1000  }
.LBB2_1:
0xf: {  	[tilespmem:s2], [sflag:$0x1] =	stream.linear.gather [hbm4b:s3+s2], $0x200, $0x38;
	[tilespmem:$0xCA00] =	vst v63  }
0x10: {  	_ =	swait.ge [sflag:s9], $0x200  }
0x11: {  	[sflag:s9] =	ssyncset.done $0x0  }
0x12: {  	[sflag:s9] =	ssyncadd.s32 $0xFFFFFE00  }
0x13: {  	[tilespmem:s12], [sflag:$0x1] =	stream.strided.gather [hbm4b:s4+s10], $0x8000, s11, s10, $0x38;
	[tilespmem:$0xCA00] =	vst v63  }
0x14: {  	_ =	swait.ge [sflag:s9], $0x8000  }
0x15: {  	s18 =	sand.u32 $0x1000, s2;
	s19 =	sand.u32 $0x380, s2;
	[sflag:s9] =	ssyncset.done $0x0  }
0x16: {  	s18 =	sor.u32 s19, s18;
	[sflag:s9] =	ssyncadd.s32 $0xFFFF8000  }
0x17: {  	[tilespmem:s18+$0xA200] =	vst v1  }
0x18: {  	[tilespmem:s18+$0x8210] =	vst v1  }
0x19: {  	[tilespmem:s18+$0xA210] =	vst v1  }
0x1a: {  	[tilespmem:s18+$0x8220] =	vst v1  }
0x1b: {  	[tilespmem:s18+$0xA220] =	vst v1  }
0x1c: {  	[tilespmem:s18+$0x8230] =	vst v1  }
0x1d: {  	[tilespmem:s18+$0xA230] =	vst v1  }
0x1e: {  	[tilespmem:s18+$0x8240] =	vst v1  }
0x1f: {  	[tilespmem:s18+$0xA240] =	vst v1  }
0x20: {  	[tilespmem:s18+$0x8250] =	vst v1  }
0x21: {  	[tilespmem:s18+$0xA250] =	vst v1  }
0x22: {  	[tilespmem:s18+$0x8260] =	vst v1  }
0x23: {  	[tilespmem:s18+$0xA260] =	vst v1  }
0x24: {  	[tilespmem:s18+$0x8270] =	vst v1  }
0x25: {  	[tilespmem:s18+$0xA270] =	vst v1  }
0x26: {  	[tilespmem:s18+$0x8600] =	vst v1  }
0x27: {  	[tilespmem:s18+$0xA600] =	vst v1  }
0x28: {  	[tilespmem:s18+$0x8610] =	vst v1  }
0x29: {  	[tilespmem:s18+$0xA610] =	vst v1  }
0x2a: {  	[tilespmem:s18+$0x8620] =	vst v1  }
0x2b: {  	[tilespmem:s18+$0xA620] =	vst v1  }
0x2c: {  	[tilespmem:s18+$0x8630] =	vst v1  }
0x2d: {  	[tilespmem:s18+$0xA630] =	vst v1  }
0x2e: {  	[tilespmem:s18+$0x8640] =	vst v1  }
0x2f: {  	[tilespmem:s18+$0xA640] =	vst v1  }
0x30: {  	[tilespmem:s18+$0x8650] =	vst v1  }
0x31: {  	[tilespmem:s18+$0xA650] =	vst v1  }
0x32: {  	[tilespmem:s18+$0x8660] =	vst v1  }
0x33: {  	[tilespmem:s18+$0xA660] =	vst v1  }
0x34: {  	[tilespmem:s18+$0x8670] =	vst v1  }
0x35: {  	[tilespmem:s18+$0xA670] =	vst v1  }
0x36: {  	[tilespmem:s18+$0x8A00] =	vst v1  }
0x37: {  	[tilespmem:s18+$0xAA00] =	vst v1  }
0x38: {  	[tilespmem:s18+$0x8A10] =	vst v1  }
0x39: {  	[tilespmem:s18+$0xAA10] =	vst v1  }
0x3a: {  	[tilespmem:s18+$0x8A20] =	vst v1  }
0x3b: {  	[tilespmem:s18+$0xAA20] =	vst v1  }
0x3c: {  	[tilespmem:s18+$0x8A30] =	vst v1  }
0x3d: {  	[tilespmem:s18+$0xAA30] =	vst v1  }
0x3e: {  	[tilespmem:s18+$0x8A40] =	vst v1  }
0x3f: {  	[tilespmem:s18+$0xAA40] =	vst v1  }
0x40: {  	[tilespmem:s18+$0x8A50] =	vst v1  }
0x41: {  	[tilespmem:s18+$0xAA50] =	vst v1  }
0x42: {  	[tilespmem:s18+$0x8A60] =	vst v1  }
0x43: {  	[tilespmem:s18+$0xAA60] =	vst v1  }
0x44: {  	[tilespmem:s18+$0x8A70] =	vst v1  }
0x45: {  	[tilespmem:s18+$0xAA70] =	vst v1  }
0x46: {  	[tilespmem:s18+$0x8E00] =	vst v1  }
0x47: {  	[tilespmem:s18+$0xAE00] =	vst v1  }
0x48: {  	[tilespmem:s18+$0x8E10] =	vst v1  }
0x49: {  	[tilespmem:s18+$0xAE10] =	vst v1  }
0x4a: {  	[tilespmem:s18+$0x8E20] =	vst v1  }
0x4b: {  	[tilespmem:s18+$0xAE20] =	vst v1  }
0x4c: {  	[tilespmem:s18+$0x8E30] =	vst v1  }
0x4d: {  	[tilespmem:s18+$0xAE30] =	vst v1  }
0x4e: {  	[tilespmem:s18+$0x8E40] =	vst v1  }
0x4f: {  	[tilespmem:s18+$0xAE40] =	vst v1  }
0x50: {  	[tilespmem:s18+$0x8E50] =	vst v1  }
0x51: {  	[tilespmem:s18+$0xAE50] =	vst v1  }
0x52: {  	[tilespmem:s18+$0x8E60] =	vst v1  }
0x53: {  	[tilespmem:s18+$0xAE60] =	vst v1  }
0x54: {  	[tilespmem:s18+$0x8E70] =	vst v1  }
0x55: {  	s21 =	simm.s32 $0x0;
	s20 =	simm.s32 $0x200;
	s19 =	simm.s32 $0x80;
	[tilespmem:s18+$0xAE70] =	vst v1  }
.LBB2_2:
0x56: {  	s22 =	sand.u32 $0x1000, s20;
	s23 =	sand.u32 $0x380, s19;
	p0 =	sne.s32 s20, $0x1E00;
	[tilespmem:s18+$0x8200] =	vst v1  }
0x57: {  	s18 =	sor.u32 s23, s22;
	[tilespmem:s21+$0xC200] =	vst v1  }
0x58: {  	[tilespmem:s18+$0xA200] =	vst v1  }
0x59: {  	[tilespmem:s18+$0x8210] =	vst v1  }
0x5a: {  	[tilespmem:s18+$0xA210] =	vst v1  }
0x5b: {  	[tilespmem:s18+$0x8220] =	vst v1  }
0x5c: {  	[tilespmem:s18+$0xA220] =	vst v1  }
0x5d: {  	[tilespmem:s18+$0x8230] =	vst v1  }
0x5e: {  	[tilespmem:s18+$0xA230] =	vst v1  }
0x5f: {  	[tilespmem:s18+$0x8240] =	vst v1  }
0x60: {  	[tilespmem:s18+$0xA240] =	vst v1  }
0x61: {  	[tilespmem:s18+$0x8250] =	vst v1  }
0x62: {  	[tilespmem:s18+$0xA250] =	vst v1  }
0x63: {  	[tilespmem:s18+$0x8260] =	vst v1  }
0x64: {  	[tilespmem:s18+$0xA260] =	vst v1  }
0x65: {  	[tilespmem:s18+$0x8270] =	vst v1  }
0x66: {  	[tilespmem:s18+$0xA270] =	vst v1  }
0x67: {  	[tilespmem:s18+$0x8600] =	vst v1  }
0x68: {  	[tilespmem:s18+$0xA600] =	vst v1  }
0x69: {  	[tilespmem:s18+$0x8610] =	vst v1  }
0x6a: {  	[tilespmem:s18+$0xA610] =	vst v1  }
0x6b: {  	[tilespmem:s18+$0x8620] =	vst v1  }
0x6c: {  	[tilespmem:s18+$0xA620] =	vst v1  }
0x6d: {  	[tilespmem:s18+$0x8630] =	vst v1  }
0x6e: {  	[tilespmem:s18+$0xA630] =	vst v1  }
0x6f: {  	[tilespmem:s18+$0x8640] =	vst v1  }
0x70: {  	[tilespmem:s18+$0xA640] =	vst v1  }
0x71: {  	[tilespmem:s18+$0x8650] =	vst v1  }
0x72: {  	[tilespmem:s18+$0xA650] =	vst v1  }
0x73: {  	[tilespmem:s18+$0x8660] =	vst v1  }
0x74: {  	[tilespmem:s18+$0xA660] =	vst v1  }
0x75: {  	[tilespmem:s18+$0x8670] =	vst v1  }
0x76: {  	[tilespmem:s18+$0xA670] =	vst v1  }
0x77: {  	[tilespmem:s18+$0x8A00] =	vst v1  }
0x78: {  	[tilespmem:s18+$0xAA00] =	vst v1  }
0x79: {  	[tilespmem:s18+$0x8A10] =	vst v1  }
0x7a: {  	[tilespmem:s18+$0xAA10] =	vst v1  }
0x7b: {  	[tilespmem:s18+$0x8A20] =	vst v1  }
0x7c: {  	[tilespmem:s18+$0xAA20] =	vst v1  }
0x7d: {  	[tilespmem:s18+$0x8A30] =	vst v1  }
0x7e: {  	[tilespmem:s18+$0xAA30] =	vst v1  }
0x7f: {  	[tilespmem:s18+$0x8A40] =	vst v1  }
0x80: {  	[tilespmem:s18+$0xAA40] =	vst v1  }
0x81: {  	[tilespmem:s18+$0x8A50] =	vst v1  }
0x82: {  	[tilespmem:s18+$0xAA50] =	vst v1  }
0x83: {  	[tilespmem:s18+$0x8A60] =	vst v1  }
0x84: {  	[tilespmem:s18+$0xAA60] =	vst v1  }
0x85: {  	[tilespmem:s18+$0x8A70] =	vst v1  }
0x86: {  	[tilespmem:s18+$0xAA70] =	vst v1  }
0x87: {  	[tilespmem:s18+$0x8E00] =	vst v1  }
0x88: {  	[tilespmem:s18+$0xAE00] =	vst v1  }
0x89: {  	[tilespmem:s18+$0x8E10] =	vst v1  }
0x8a: {  	[tilespmem:s18+$0xAE10] =	vst v1  }
0x8b: {  	[tilespmem:s18+$0x8E20] =	vst v1  }
0x8c: {  	[tilespmem:s18+$0xAE20] =	vst v1  }
0x8d: {  	[tilespmem:s18+$0x8E30] =	vst v1  }
0x8e: {  	[tilespmem:s18+$0xAE30] =	vst v1  }
0x8f: {  	[tilespmem:s18+$0x8E40] =	vst v1  }
0x90: {  	[tilespmem:s18+$0xAE40] =	vst v1  }
0x91: {  	[tilespmem:s18+$0x8E50] =	vst v1  }
.Ltmp0:
0x92: {  	[tilespmem:s18+$0xAE50] =	vst v1;
	(pc) =	sbr.rel @p0 .LBB2_2-.Ltmp0, $4  }
0x93: {  	[tilespmem:s18+$0x8E60] =	vst v1  }
0x94: {  	[tilespmem:s18+$0xAE60] =	vst v1  }
0x95: {  	[tilespmem:s18+$0x8E70] =	vst v1  }
0x96: {  	s19 =	sadd.s32 $0x80, s19;
	s21 =	sshra.s32 s20, $0x2;
	s20 =	sadd.s32 $0x200, s20;
	[tilespmem:s18+$0xAE70] =	vst v1  }
0x97: {  	[tilespmem:s18+$0x8200] =	vst v1  }
0x98: {  	s18 =	simm.s32 $0x0;
	s19 =	simm.s32 $0x0;
	s20 =	simm.s32 $0x0;
	[tilespmem:s21+$0xC200] =	vst v1  }
.LBB2_4:
0x99: {  	v34 =	vld [tilespmem:s18+$0x0];
	_ =	sdelay $0x4  }
0x9a: {  	v35 =	vshll.u32 v34, $0x7  }
0x9b: {  	v36 =	vor.u32 v0, v35;
	_ =	sdelay $0x2  }
0x9c: {  	v34 =	vshll.u32 v34, $0x9  }
0x9d: {  	s21 =	sand.u32 $0x70, s20;
	s22 =	sand.u32 $0xC00, s19;
	v34 =	vand.u32 $0xFFFFF000, v34;
	v35 =	vand.u32 $0x380, v35  }
0x9e: {  	s21 =	sor.u32 s21, s22;
	v34 =	vor.u32 v35, v34;
	[tilespmem:v36+s13+$0x0] =	vst.idx.add.f32.msk $0xffff, v2  }
0x9f: {  	v57 =	vor.u32 v0, v34;
	v56 =	vld [tilespmem:s21+$0x200];
	_ =	sdelay $0x4  }
0xa0: {  	[tilespmem:v57+s14+$0x0] =	vst.idx.add.f32.msk $0xffff, v56  }
0xa1: {  	v35 =	vld [tilespmem:s21+$0x280];
	_ =	sdelay $0x4  }
0xa2: {  	[tilespmem:v57+s15+$0x0] =	vst.idx.add.f32.msk $0xffff, v35  }
0xa3: {  	v58 =	vor.u32 v3, v34;
	v35 =	vld [tilespmem:s21+$0x300];
	_ =	sdelay $0x4  }
0xa4: {  	[tilespmem:v58+s14+$0x0] =	vst.idx.add.f32.msk $0xffff, v35  }
0xa5: {  	v35 =	vld [tilespmem:s21+$0x380];
	_ =	sdelay $0x4  }
0xa6: {  	[tilespmem:v58+s15+$0x0] =	vst.idx.add.f32.msk $0xffff, v35  }
0xa7: {  	v59 =	vor.u32 v4, v34;
	v35 =	vld [tilespmem:s21+$0x400];
	_ =	sdelay $0x4  }
0xa8: {  	[tilespmem:v59+s14+$0x0] =	vst.idx.add.f32.msk $0xffff, v35  }
0xa9: {  	v35 =	vld [tilespmem:s21+$0x480];
	_ =	sdelay $0x4  }
0xaa: {  	[tilespmem:v59+s15+$0x0] =	vst.idx.add.f32.msk $0xffff, v35  }
0xab: {  	v60 =	vor.u32 v5, v34;
	v35 =	vld [tilespmem:s21+$0x500];
	_ =	sdelay $0x3  }
0xac: {  	s31 =	sor.u32 s19, s20  }
0xad: {  	s22 =	sor.u32 $0x380, s31;
	[tilespmem:v60+s14+$0x0] =	vst.idx.add.f32.msk $0xffff, v35  }
0xae: {  	v35 =	vld [tilespmem:s22+$0x200];
	_ =	sdelay $0x4  }
0xaf: {  	[tilespmem:v60+s15+$0x0] =	vst.idx.add.f32.msk $0xffff, v35  }
0xb0: {  	v61 =	vor.u32 v6, v34;
	v35 =	vld [tilespmem:s21+$0x1200];
	_ =	sdelay $0x4  }
0xb1: {  	[tilespmem:v61+s14+$0x0] =	vst.idx.add.f32.msk $0xffff, v35  }
0xb2: {  	v35 =	vld [tilespmem:s21+$0x1280];
	_ =	sdelay $0x4  }
0xb3: {  	[tilespmem:v61+s15+$0x0] =	vst.idx.add.f32.msk $0xffff, v35  }
0xb4: {  	v62 =	vor.u32 v7, v34;
	v35 =	vld [tilespmem:s21+$0x1300];
	_ =	sdelay $0x4  }
0xb5: {  	[tilespmem:v62+s14+$0x0] =	vst.idx.add.f32.msk $0xffff, v35  }
0xb6: {  	v35 =	vld [tilespmem:s21+$0x1380];
	_ =	sdelay $0x4  }
0xb7: {  	[tilespmem:v62+s15+$0x0] =	vst.idx.add.f32.msk $0xffff, v35  }
0xb8: {  	v63 =	vor.u32 v8, v34;
	v35 =	vld [tilespmem:s21+$0x1400];
	_ =	sdelay $0x4  }
0xb9: {  	[tilespmem:v63+s14+$0x0] =	vst.idx.add.f32.msk $0xffff, v35  }
0xba: {  	v35 =	vld [tilespmem:s21+$0x1480];
	_ =	sdelay $0x4  }
0xbb: {  	[tilespmem:v63+s15+$0x0] =	vst.idx.add.f32.msk $0xffff, v35  }
0xbc: {  	v40 =	vor.u32 v9, v34;
	v35 =	vld [tilespmem:s21+$0x1500];
	_ =	sdelay $0x4  }
0xbd: {  	[tilespmem:v40+s14+$0x0] =	vst.idx.add.f32.msk $0xffff, v35  }
0xbe: {  	v35 =	vld [tilespmem:s21+$0x1580];
	_ =	sdelay $0x4  }
0xbf: {  	[tilespmem:v40+s15+$0x0] =	vst.idx.add.f32.msk $0xffff, v35  }
0xc0: {  	v41 =	vor.u32 v10, v34;
	v35 =	vld [tilespmem:s21+$0x2200];
	_ =	sdelay $0x4  }
0xc1: {  	[tilespmem:v41+s14+$0x0] =	vst.idx.add.f32.msk $0xffff, v35  }
0xc2: {  	v35 =	vld [tilespmem:s21+$0x2280];
	_ =	sdelay $0x4  }
0xc3: {  	[tilespmem:v41+s15+$0x0] =	vst.idx.add.f32.msk $0xffff, v35  }
0xc4: {  	v42 =	vor.u32 v11, v34;
	v35 =	vld [tilespmem:s21+$0x2300];
	_ =	sdelay $0x4  }
0xc5: {  	[tilespmem:v42+s14+$0x0] =	vst.idx.add.f32.msk $0xffff, v35  }
0xc6: {  	v35 =	vld [tilespmem:s21+$0x2380];
	_ =	sdelay $0x4  }
0xc7: {  	[tilespmem:v42+s15+$0x0] =	vst.idx.add.f32.msk $0xffff, v35  }
0xc8: {  	v43 =	vor.u32 v12, v34;
	v35 =	vld [tilespmem:s21+$0x2400];
	_ =	sdelay $0x4  }
0xc9: {  	[tilespmem:v43+s14+$0x0] =	vst.idx.add.f32.msk $0xffff, v35  }
0xca: {  	v35 =	vld [tilespmem:s21+$0x2480];
	_ =	sdelay $0x4  }
0xcb: {  	[tilespmem:v43+s15+$0x0] =	vst.idx.add.f32.msk $0xffff, v35  }
0xcc: {  	v44 =	vor.u32 v13, v34;
	v35 =	vld [tilespmem:s21+$0x2500];
	_ =	sdelay $0x4  }
0xcd: {  	[tilespmem:v44+s14+$0x0] =	vst.idx.add.f32.msk $0xffff, v35  }
0xce: {  	v35 =	vld [tilespmem:s21+$0x2580];
	_ =	sdelay $0x4  }
0xcf: {  	[tilespmem:v44+s15+$0x0] =	vst.idx.add.f32.msk $0xffff, v35  }
0xd0: {  	v45 =	vor.u32 v14, v34;
	v35 =	vld [tilespmem:s21+$0x3200];
	_ =	sdelay $0x4  }
0xd1: {  	[tilespmem:v45+s14+$0x0] =	vst.idx.add.f32.msk $0xffff, v35  }
0xd2: {  	v35 =	vld [tilespmem:s21+$0x3280];
	_ =	sdelay $0x4  }
0xd3: {  	[tilespmem:v45+s15+$0x0] =	vst.idx.add.f32.msk $0xffff, v35  }
0xd4: {  	v46 =	vor.u32 v15, v34;
	v35 =	vld [tilespmem:s21+$0x3300];
	_ =	sdelay $0x4  }
0xd5: {  	[tilespmem:v46+s14+$0x0] =	vst.idx.add.f32.msk $0xffff, v35  }
0xd6: {  	v35 =	vld [tilespmem:s21+$0x3380];
	_ =	sdelay $0x4  }
0xd7: {  	[tilespmem:v46+s15+$0x0] =	vst.idx.add.f32.msk $0xffff, v35  }
0xd8: {  	v47 =	vor.u32 v16, v34;
	v35 =	vld [tilespmem:s21+$0x3400];
	_ =	sdelay $0x4  }
0xd9: {  	[tilespmem:v47+s14+$0x0] =	vst.idx.add.f32.msk $0xffff, v35  }
0xda: {  	v35 =	vld [tilespmem:s21+$0x3480];
	_ =	sdelay $0x4  }
0xdb: {  	[tilespmem:v47+s15+$0x0] =	vst.idx.add.f32.msk $0xffff, v35  }
0xdc: {  	v48 =	vor.u32 v17, v34;
	v35 =	vld [tilespmem:s21+$0x3500];
	_ =	sdelay $0x4  }
0xdd: {  	[tilespmem:v48+s14+$0x0] =	vst.idx.add.f32.msk $0xffff, v35  }
0xde: {  	v35 =	vld [tilespmem:s21+$0x3580];
	_ =	sdelay $0x4  }
0xdf: {  	[tilespmem:v48+s15+$0x0] =	vst.idx.add.f32.msk $0xffff, v35  }
0xe0: {  	v49 =	vor.u32 v18, v34;
	v35 =	vld [tilespmem:s21+$0x4200];
	_ =	sdelay $0x4  }
0xe1: {  	[tilespmem:v49+s14+$0x0] =	vst.idx.add.f32.msk $0xffff, v35  }
0xe2: {  	v35 =	vld [tilespmem:s21+$0x4280];
	_ =	sdelay $0x4  }
0xe3: {  	[tilespmem:v49+s15+$0x0] =	vst.idx.add.f32.msk $0xffff, v35  }
0xe4: {  	v50 =	vor.u32 v19, v34;
	v35 =	vld [tilespmem:s21+$0x4300];
	_ =	sdelay $0x4  }
0xe5: {  	[tilespmem:v50+s14+$0x0] =	vst.idx.add.f32.msk $0xffff, v35  }
0xe6: {  	v35 =	vld [tilespmem:s21+$0x4380];
	_ =	sdelay $0x4  }
0xe7: {  	[tilespmem:v50+s15+$0x0] =	vst.idx.add.f32.msk $0xffff, v35  }
0xe8: {  	v51 =	vor.u32 v20, v34;
	v35 =	vld [tilespmem:s21+$0x4400];
	_ =	sdelay $0x4  }
0xe9: {  	[tilespmem:v51+s14+$0x0] =	vst.idx.add.f32.msk $0xffff, v35  }
0xea: {  	v35 =	vld [tilespmem:s21+$0x4480];
	_ =	sdelay $0x4  }
0xeb: {  	[tilespmem:v51+s15+$0x0] =	vst.idx.add.f32.msk $0xffff, v35  }
0xec: {  	v52 =	vor.u32 v21, v34;
	v35 =	vld [tilespmem:s21+$0x4500];
	_ =	sdelay $0x4  }
0xed: {  	[tilespmem:v52+s14+$0x0] =	vst.idx.add.f32.msk $0xffff, v35  }
0xee: {  	v35 =	vld [tilespmem:s21+$0x4580];
	_ =	sdelay $0x4  }
0xef: {  	[tilespmem:v52+s15+$0x0] =	vst.idx.add.f32.msk $0xffff, v35  }
0xf0: {  	v53 =	vor.u32 v22, v34;
	v35 =	vld [tilespmem:s21+$0x5200];
	_ =	sdelay $0x4  }
0xf1: {  	[tilespmem:v53+s14+$0x0] =	vst.idx.add.f32.msk $0xffff, v35  }
0xf2: {  	v35 =	vld [tilespmem:s21+$0x5280];
	_ =	sdelay $0x4  }
0xf3: {  	[tilespmem:v53+s15+$0x0] =	vst.idx.add.f32.msk $0xffff, v35  }
0xf4: {  	v54 =	vor.u32 v23, v34;
	v35 =	vld [tilespmem:s21+$0x5300];
	_ =	sdelay $0x4  }
0xf5: {  	[tilespmem:v54+s14+$0x0] =	vst.idx.add.f32.msk $0xffff, v35  }
0xf6: {  	v35 =	vld [tilespmem:s21+$0x5380];
	_ =	sdelay $0x4  }
0xf7: {  	[tilespmem:v54+s15+$0x0] =	vst.idx.add.f32.msk $0xffff, v35  }
0xf8: {  	v55 =	vor.u32 v24, v34;
	v35 =	vld [tilespmem:s21+$0x5400];
	_ =	sdelay $0x4  }
0xf9: {  	[tilespmem:v55+s14+$0x0] =	vst.idx.add.f32.msk $0xffff, v35  }
0xfa: {  	v35 =	vld [tilespmem:s21+$0x5480];
	_ =	sdelay $0x4  }
0xfb: {  	[tilespmem:v55+s15+$0x0] =	vst.idx.add.f32.msk $0xffff, v35  }
0xfc: {  	v56 =	vor.u32 v25, v34;
	v35 =	vld [tilespmem:s21+$0x5500];
	_ =	sdelay $0x4  }
0xfd: {  	[tilespmem:v56+s14+$0x0] =	vst.idx.add.f32.msk $0xffff, v35  }
0xfe: {  	v35 =	vld [tilespmem:s21+$0x5580];
	_ =	sdelay $0x4  }
0xff: {  	[tilespmem:v56+s15+$0x0] =	vst.idx.add.f32.msk $0xffff, v35  }
0x100: {  	v57 =	vor.u32 v26, v34;
	v35 =	vld [tilespmem:s21+$0x6200];
	_ =	sdelay $0x4  }
0x101: {  	[tilespmem:v57+s14+$0x0] =	vst.idx.add.f32.msk $0xffff, v35  }
0x102: {  	v35 =	vld [tilespmem:s21+$0x6280];
	_ =	sdelay $0x4  }
0x103: {  	[tilespmem:v57+s15+$0x0] =	vst.idx.add.f32.msk $0xffff, v35  }
0x104: {  	v58 =	vor.u32 v27, v34;
	v35 =	vld [tilespmem:s21+$0x6300];
	_ =	sdelay $0x4  }
0x105: {  	[tilespmem:v58+s14+$0x0] =	vst.idx.add.f32.msk $0xffff, v35  }
0x106: {  	v35 =	vld [tilespmem:s21+$0x6380];
	_ =	sdelay $0x4  }
0x107: {  	[tilespmem:v58+s15+$0x0] =	vst.idx.add.f32.msk $0xffff, v35  }
0x108: {  	v59 =	vor.u32 v28, v34;
	v35 =	vld [tilespmem:s21+$0x6400];
	_ =	sdelay $0x4  }
0x109: {  	[tilespmem:v59+s14+$0x0] =	vst.idx.add.f32.msk $0xffff, v35  }
0x10a: {  	v35 =	vld [tilespmem:s21+$0x6480];
	_ =	sdelay $0x4  }
0x10b: {  	[tilespmem:v59+s15+$0x0] =	vst.idx.add.f32.msk $0xffff, v35  }
0x10c: {  	v60 =	vor.u32 v29, v34;
	v35 =	vld [tilespmem:s21+$0x6500];
	_ =	sdelay $0x4  }
0x10d: {  	[tilespmem:v60+s14+$0x0] =	vst.idx.add.f32.msk $0xffff, v35  }
0x10e: {  	v35 =	vld [tilespmem:s21+$0x6580];
	_ =	sdelay $0x4  }
0x10f: {  	[tilespmem:v60+s15+$0x0] =	vst.idx.add.f32.msk $0xffff, v35  }
0x110: {  	v61 =	vor.u32 v30, v34;
	v35 =	vld [tilespmem:s21+$0x7200];
	_ =	sdelay $0x4  }
0x111: {  	[tilespmem:v61+s14+$0x0] =	vst.idx.add.f32.msk $0xffff, v35  }
0x112: {  	v35 =	vld [tilespmem:s21+$0x7280];
	_ =	sdelay $0x4  }
0x113: {  	[tilespmem:v61+s15+$0x0] =	vst.idx.add.f32.msk $0xffff, v35  }
0x114: {  	v62 =	vor.u32 v31, v34;
	v35 =	vld [tilespmem:s21+$0x7300];
	_ =	sdelay $0x4  }
0x115: {  	[tilespmem:v62+s14+$0x0] =	vst.idx.add.f32.msk $0xffff, v35  }
0x116: {  	v35 =	vld [tilespmem:s21+$0x7380];
	_ =	sdelay $0x4  }
0x117: {  	[tilespmem:v62+s15+$0x0] =	vst.idx.add.f32.msk $0xffff, v35  }
0x118: {  	v63 =	vor.u32 v32, v34;
	v35 =	vld [tilespmem:s21+$0x7400];
	_ =	sdelay $0x4  }
0x119: {  	[tilespmem:v63+s14+$0x0] =	vst.idx.add.f32.msk $0xffff, v35  }
0x11a: {  	v35 =	vld [tilespmem:s21+$0x7480];
	_ =	sdelay $0x4  }
0x11b: {  	[tilespmem:v63+s15+$0x0] =	vst.idx.add.f32.msk $0xffff, v35  }
0x11c: {  	v34 =	vor.u32 v33, v34;
	v35 =	vld [tilespmem:s21+$0x7500];
	_ =	sdelay $0x4  }
0x11d: {  	[tilespmem:v34+s14+$0x0] =	vst.idx.add.f32.msk $0xffff, v35  }
0x11e: {  	p0 =	sne.s32 s20, $0x1F0;
	v35 =	vld [tilespmem:s21+$0x7580]  }
.Ltmp1:
0x11f: {  	_ = 	snop;
	(pc) =	sbr.rel @p0 .LBB2_4-.Ltmp1, $2  }
0x120: {  	_ =	sdelay $0x2  }
0x121: {  	s19 =	sadd.s32 $0x80, s19;
	s18 =	sadd.s32 $0x10, s18;
	s20 =	sadd.s32 $0x10, s20;
	[tilespmem:v34+s15+$0x0] =	vst.idx.add.f32.msk $0xffff, v35  }
0x122: {  	[hbm4b:s5+s10] =	stream.strided.scatter [tilespmem:s14], [sflag:$0x1], $0x2000, s16, s10, $0x38;
	[tilespmem:$0xCA00] =	vst v63  }
0x123: {  	_ =	swait.ge [sflag:s9], $0x2000  }
0x124: {  	[sflag:s9] =	ssyncset.done $0x0  }
0x125: {  	[sflag:s9] =	ssyncadd.s32 $0xFFFFE000  }
0x126: {  	[hbm4b:s6+s10] =	stream.strided.scatter [tilespmem:s15], [sflag:$0x1], $0x2000, s16, s10, $0x38;
	[tilespmem:$0xCA00] =	vst v63  }
0x127: {  	s17 =	sadd.s32 $0x1, s17;
	_ =	swait.ge [sflag:s9], $0x2000  }
0x128: {  	p0 =	sne.s32 s17, s8;
	[sflag:s9] =	ssyncset.done $0x0  }
.Ltmp2:
0x129: {  	[sflag:s9] =	ssyncadd.s32 $0xFFFFE000;
	(pc) =	sbr.rel @p0 .LBB2_1-.Ltmp2, $4  }
0x12a: {  	[hbm4b:s7+s2] =	stream.linear.scatter [tilespmem:s13], [sflag:$0x1], $0x800, $0x38;
	[tilespmem:$0xCA00] =	vst v63  }
0x12b: {  	_ =	swait.ge [sflag:s9], $0x800  }
0x12c: {  	[sflag:s9] =	ssyncset.done $0x0  }
0x12d: {  	[sflag:s9] =	ssyncadd.s32 $0xFFFFF800  }
0x12e: {  	_ =	sfence.sel $0x180000  }
0x12f: {  	[bflag:$0x0] =	sbarrier.arrive $0xFFFF  }
0x130: {  	p0 =	sne.s32 s1, $0x0;
	_ =	strace $0x90000047  }
0x131: {  	s0 =	sadd.s32 @!p0 $0x100000, s0;
	[bflag:$0x2] =	sbarrier.arrive $0xFFFF  }
0x132: {  	[sflag:s0] =	ssyncadd.tile.s32 @!p0 $0x1;
	_ =	shalt  }
.Lfunc_end2:
_tile_overlayer_lowered:
.L_overlay_start_2:
0x133: {  	(tag) =	ssettag $0x2  }
0x134: {  	s0 =	rddreg [dreg:$0x0];
	s2 =	stileid.u32  }
0x135: {  	s1 =	rddreg [dreg:$0x1];
	p0 =	sne.s32 s2, $0x0  }
0x136: {  	s3 =	rddreg [dreg:$0x2];
	[bflag:$0x3] =	sbarrier.arrive $0xFFFF;
	s2 =	simm.s32 @!p0 $0x1C01  }
0x137: {  	[timem:s3], [sflag:s2] =	dma.local @!p0 [hbm:s0], s1  }
0x138: {  	s0 =	simm.s32 @!p0 $0x1  }
0x139: {  	_ =	swait.ge @!p0 [sflag:s0], s1  }
0x13a: {  	s1 =	ssub.s32 @!p0 $0x0, s1;
	[sflag:s0] =	ssyncset.done @!p0 $0x0  }
0x13b: {  	[sflag:s0] =	ssyncadd.s32 @!p0 s1  }
0x13c: {  	[bflag:$0x3] =	sbarrier.arrive $0xFFFF  }
0x13d: {  	_ =	shalt  }

</sc_bundles>
